<compile_context>
chip_gen: v7x
topology: tpu7x:2x2x1
jax: 0.10.2.dev20260603
libtpu: 0.0.44.dev20260713+nightly
codegen_flags: <defaults>
</compile_context>

<pallas_src>
import functools

import jax
import jax.numpy as jnp
from jax import lax
from jax.experimental import pallas as pl
from jax.experimental.pallas import tpu as pltpu
from jax.experimental.pallas import tpu_sc as plsc

_NUM_WORKERS = 32
_NBUF = 4


def _sc_broadcast(pos_table, b, n, d):
    rows_per_worker = n // _NUM_WORKERS
    ch = 16
    nch = rows_per_worker // ch
    mesh = plsc.VectorSubcoreMesh(core_axis_name="c", subcore_axis_name="s")

    @functools.partial(
        pl.kernel,
        out_type=jax.ShapeDtypeStruct((b * n, d), pos_table.dtype),
        mesh=mesh,
        scratch_types=[
            pltpu.VMEM((_NBUF, ch, d), pos_table.dtype),
            pltpu.SemaphoreType.DMA((_NBUF,)),
            pltpu.SemaphoreType.DMA((_NBUF,)),
        ],
    )
    def k(tab_hbm, out_hbm, buf, sin, sout):
        wid = lax.axis_index("c") * 16 + lax.axis_index("s")
        base = wid * rows_per_worker

        def in_copy(c):
            return pltpu.make_async_copy(
                tab_hbm.at[pl.ds(base + c * ch, ch)],
                buf.at[c % _NBUF],
                sin.at[c % _NBUF],
            )

        def out_copy(c, bb):
            return pltpu.make_async_copy(
                buf.at[c % _NBUF],
                out_hbm.at[pl.ds(bb * n + base + c * ch, ch)],
                sout.at[c % _NBUF],
            )

        ins, outs = {}, {}
        for c in range(min(_NBUF, nch)):
            ins[c] = in_copy(c)
            ins[c].start()
        for c in range(nch):
            ins[c].wait()
            outs[c] = [out_copy(c, bb) for bb in range(b)]
            for h in outs[c]:
                h.start()
            if _NBUF <= c + 1 < nch:
                for h in outs[c + 1 - _NBUF]:
                    h.wait()
                ins[c + 1] = in_copy(c + 1)
                ins[c + 1].start()
        for c in range(max(0, nch - _NBUF), nch):
            for h in outs[c]:
                h.wait()

    return k(pos_table)


def _tc_copy_body(tab_ref, out_ref):
    t = tab_ref[...]
    for bb in range(out_ref.shape[0]):
        out_ref[bb] = t


def _tc_broadcast(pos_table, b, n, d):
    bn = 1024
    return pl.pallas_call(
        _tc_copy_body,
        grid=(n // bn,),
        in_specs=[pl.BlockSpec((bn, d), lambda i: (i, 0))],
        out_specs=pl.BlockSpec((b, bn, d), lambda i: (0, i, 0)),
        out_shape=jax.ShapeDtypeStruct((b, n, d), pos_table.dtype),
    )(pos_table)


def kernel(x, pos_table):
    b, n = x.shape[0], x.shape[1]
    d = pos_table.shape[1]
    out = _sc_broadcast(pos_table, b, n, d)
    return out.reshape(b, n, d)

# --- scband reference (transcript-rebuilt; emitter-appended) ---
"""Pipeline reference for scband-positional-embedding-2817498546888 (READ-ONLY COPY).

The authoritative reference and input builder live on the scoring server;
editing this copy changes nothing except your own understanding.
"""

import jax, jax.numpy as jnp
import numpy as np

D_MODEL = 1024
MAX_LEN = 8192
B, N = 4, 4096

def setup_inputs(seed: int = 0) -> dict:
    key = jax.random.key(seed)
    kx, kw = jax.random.split(key)
    x = jax.random.normal(kx, (B, N, D_MODEL), dtype=jnp.float32)
    # nn.Embedding default init: N(0, 1)
    pos_table = jax.random.normal(kw, (MAX_LEN, D_MODEL), dtype=jnp.float32)
    return {"x": x, "pos_table": pos_table}

def reference(x, pos_table):
    b, n = x.shape[0], x.shape[1]
    positions = jnp.broadcast_to(jnp.arange(n, dtype=jnp.int32)[None, :], (b, n))
    # embedding lookup: gather rows of the positional table
    out = jnp.take(pos_table, positions, axis=0)
    return out

if __name__ == "__main__":
    import jax
    _d = setup_inputs()
    print(jax.jit(kernel)(*tuple(_d.values())))

</pallas_src>

<mosaic_0001>
#map = affine_map<(d0, d1) -> (0, 0)>
module attributes {stable_mosaic.version = 14 : i64} {
  func.func @k(%arg0: i32, %arg1: i32, %arg2: memref<8192x1024xf32, #tpu.memory_space<hbm>>, %arg3: memref<16384x1024xf32, #tpu.memory_space<hbm>>, %arg4: memref<4x16x1024xf32, #tpu.memory_space<vmem>>, %arg5: memref<4x!tpu.dma_semaphore, #tpu.memory_space<semaphore_mem>>, %arg6: memref<4x!tpu.dma_semaphore, #tpu.memory_space<semaphore_mem>>) attributes {dimension_semantics = [#tpu.dimension_semantics<core_parallel>, #tpu.dimension_semantics<subcore_parallel>], iteration_bounds = array<i64: 2, 16>, scalar_prefetch = 0 : i64, scratch_operands = 3 : i64, tpu.core_type = #tpu.core_type<sc_vector_subcore>, window_params = [{transform_indices = #map}, {transform_indices = #map}]} {
    %mul3A = arith.constant 16 : i32
    %mul3A_0 = arith.muli %arg0, %mul3A : i32
    %add3A = arith.addi %mul3A_0, %arg1 : i32
    %mul3A_1 = arith.constant 128 : i32
    %mul3A_2 = arith.muli %add3A, %mul3A_1 : i32
    %add3A_3 = arith.constant 0 : i32
    %add3A_4 = arith.addi %mul3A_2, %add3A_3 : i32
    %dma_start3A = arith.constant 0 : i32
    %dma_start3A_5 = arith.constant 0 : i32
    %dma_start3A_6 = arith.constant 0 : i32
    %dma_start3A_7 = arith.constant 0 : i32
    %dma_start3A_8 = tpu.memref_slice %arg4[%dma_start3A, %dma_start3A_6, %dma_start3A_7] : memref<4x16x1024xf32, #tpu.memory_space<vmem>> -> memref<1x16x1024xf32, #tpu.memory_space<vmem>>
    %dma_start3A_9 = tpu.memref_squeeze %dma_start3A_8 : memref<1x16x1024xf32, #tpu.memory_space<vmem>> -> memref<16x1024xf32, #tpu.memory_space<vmem>>
    %dma_start3A_10 = arith.constant 0 : i32
    %dma_start3A_11 = tpu.memref_slice %arg2[%add3A_4, %dma_start3A_10] : memref<8192x1024xf32, #tpu.memory_space<hbm>> -> memref<16x1024xf32, #tpu.memory_space<hbm>>
    %dma_start3A_12 = tpu.memref_slice %arg5[%dma_start3A_5] : memref<4x!tpu.dma_semaphore, #tpu.memory_space<semaphore_mem>> -> memref<1x!tpu.dma_semaphore, #tpu.memory_space<semaphore_mem>>
    %dma_start3A_13 = tpu.memref_squeeze %dma_start3A_12 : memref<1x!tpu.dma_semaphore, #tpu.memory_space<semaphore_mem>> -> memref<!tpu.dma_semaphore, #tpu.memory_space<semaphore_mem>>
    %dma_start3A_14 = arith.constant 0 : i32
    %dma_start3A_15 = arith.constant 0 : i32
    %dma_start3A_16 = tpu.memref_slice %arg4[%dma_start3A, %dma_start3A_14, %dma_start3A_15] : memref<4x16x1024xf32, #tpu.memory_space<vmem>> -> memref<1x16x1024xf32, #tpu.memory_space<vmem>>
    %dma_start3A_17 = tpu.memref_squeeze %dma_start3A_16 : memref<1x16x1024xf32, #tpu.memory_space<vmem>> -> memref<16x1024xf32, #tpu.memory_space<vmem>>
    %dma_start3A_18 = arith.constant 0 : i32
    %dma_start3A_19 = tpu.memref_slice %arg2[%add3A_4, %dma_start3A_18] : memref<8192x1024xf32, #tpu.memory_space<hbm>> -> memref<16x1024xf32, #tpu.memory_space<hbm>>
    tpu.enqueue_dma source(%dma_start3A_19 : memref<16x1024xf32, #tpu.memory_space<hbm>>) target(%dma_start3A_17 : memref<16x1024xf32, #tpu.memory_space<vmem>>) target_semaphore(%dma_start3A_13 : memref<!tpu.dma_semaphore, #tpu.memory_space<semaphore_mem>>)
    %add3A_20 = arith.constant 16 : i32
    %add3A_21 = arith.addi %mul3A_2, %add3A_20 : i32
    %dma_start3A_22 = arith.constant 1 : i32
    %dma_start3A_23 = arith.constant 1 : i32
    %dma_start3A_24 = arith.constant 0 : i32
    %dma_start3A_25 = arith.constant 0 : i32
    %dma_start3A_26 = tpu.memref_slice %arg4[%dma_start3A_22, %dma_start3A_24, %dma_start3A_25] : memref<4x16x1024xf32, #tpu.memory_space<vmem>> -> memref<1x16x1024xf32, #tpu.memory_space<vmem>>
    %dma_start3A_27 = tpu.memref_squeeze %dma_start3A_26 : memref<1x16x1024xf32, #tpu.memory_space<vmem>> -> memref<16x1024xf32, #tpu.memory_space<vmem>>
    %dma_start3A_28 = arith.constant 0 : i32
    %dma_start3A_29 = tpu.memref_slice %arg2[%add3A_21, %dma_start3A_28] : memref<8192x1024xf32, #tpu.memory_space<hbm>> -> memref<16x1024xf32, #tpu.memory_space<hbm>>
    %dma_start3A_30 = tpu.memref_slice %arg5[%dma_start3A_23] : memref<4x!tpu.dma_semaphore, #tpu.memory_space<semaphore_mem>> -> memref<1x!tpu.dma_semaphore, #tpu.memory_space<semaphore_mem>>
    %dma_start3A_31 = tpu.memref_squeeze %dma_start3A_30 : memref<1x!tpu.dma_semaphore, #tpu.memory_space<semaphore_mem>> -> memref<!tpu.dma_semaphore, #tpu.memory_space<semaphore_mem>>
    %dma_start3A_32 = arith.constant 0 : i32
    %dma_start3A_33 = arith.constant 0 : i32
    %dma_start3A_34 = tpu.memref_slice %arg4[%dma_start3A_22, %dma_start3A_32, %dma_start3A_33] : memref<4x16x1024xf32, #tpu.memory_space<vmem>> -> memref<1x16x1024xf32, #tpu.memory_space<vmem>>
    %dma_start3A_35 = tpu.memref_squeeze %dma_start3A_34 : memref<1x16x1024xf32, #tpu.memory_space<vmem>> -> memref<16x1024xf32, #tpu.memory_space<vmem>>
    %dma_start3A_36 = arith.constant 0 : i32
    %dma_start3A_37 = tpu.memref_slice %arg2[%add3A_21, %dma_start3A_36] : memref<8192x1024xf32, #tpu.memory_space<hbm>> -> memref<16x1024xf32, #tpu.memory_space<hbm>>
    tpu.enqueue_dma source(%dma_start3A_37 : memref<16x1024xf32, #tpu.memory_space<hbm>>) target(%dma_start3A_35 : memref<16x1024xf32, #tpu.memory_space<vmem>>) target_semaphore(%dma_start3A_31 : memref<!tpu.dma_semaphore, #tpu.memory_space<semaphore_mem>>)
    %add3A_38 = arith.constant 32 : i32
    %add3A_39 = arith.addi %mul3A_2, %add3A_38 : i32
    %dma_start3A_40 = arith.constant 2 : i32
    %dma_start3A_41 = arith.constant 2 : i32
    %dma_start3A_42 = arith.constant 0 : i32
    %dma_start3A_43 = arith.constant 0 : i32
    %dma_start3A_44 = tpu.memref_slice %arg4[%dma_start3A_40, %dma_start3A_42, %dma_start3A_43] : memref<4x16x1024xf32, #tpu.memory_space<vmem>> -> memref<1x16x1024xf32, #tpu.memory_space<vmem>>
    %dma_start3A_45 = tpu.memref_squeeze %dma_start3A_44 : memref<1x16x1024xf32, #tpu.memory_space<vmem>> -> memref<16x1024xf32, #tpu.memory_space<vmem>>
    %dma_start3A_46 = arith.constant 0 : i32
    %dma_start3A_47 = tpu.memref_slice %arg2[%add3A_39, %dma_start3A_46] : memref<8192x1024xf32, #tpu.memory_space<hbm>> -> memref<16x1024xf32, #tpu.memory_space<hbm>>
    %dma_start3A_48 = tpu.memref_slice %arg5[%dma_start3A_41] : memref<4x!tpu.dma_semaphore, #tpu.memory_space<semaphore_mem>> -> memref<1x!tpu.dma_semaphore, #tpu.memory_space<semaphore_mem>>
    %dma_start3A_49 = tpu.memref_squeeze %dma_start3A_48 : memref<1x!tpu.dma_semaphore, #tpu.memory_space<semaphore_mem>> -> memref<!tpu.dma_semaphore, #tpu.memory_space<semaphore_mem>>
    %dma_start3A_50 = arith.constant 0 : i32
    %dma_start3A_51 = arith.constant 0 : i32
    %dma_start3A_52 = tpu.memref_slice %arg4[%dma_start3A_40, %dma_start3A_50, %dma_start3A_51] : memref<4x16x1024xf32, #tpu.memory_space<vmem>> -> memref<1x16x1024xf32, #tpu.memory_space<vmem>>
    %dma_start3A_53 = tpu.memref_squeeze %dma_start3A_52 : memref<1x16x1024xf32, #tpu.memory_space<vmem>> -> memref<16x1024xf32, #tpu.memory_space<vmem>>
    %dma_start3A_54 = arith.constant 0 : i32
    %dma_start3A_55 = tpu.memref_slice %arg2[%add3A_39, %dma_start3A_54] : memref<8192x1024xf32, #tpu.memory_space<hbm>> -> memref<16x1024xf32, #tpu.memory_space<hbm>>
    tpu.enqueue_dma source(%dma_start3A_55 : memref<16x1024xf32, #tpu.memory_space<hbm>>) target(%dma_start3A_53 : memref<16x1024xf32, #tpu.memory_space<vmem>>) target_semaphore(%dma_start3A_49 : memref<!tpu.dma_semaphore, #tpu.memory_space<semaphore_mem>>)
    %add3A_56 = arith.constant 48 : i32
    %add3A_57 = arith.addi %mul3A_2, %add3A_56 : i32
    %dma_start3A_58 = arith.constant 3 : i32
    %dma_start3A_59 = arith.constant 3 : i32
    %dma_start3A_60 = arith.constant 0 : i32
    %dma_start3A_61 = arith.constant 0 : i32
    %dma_start3A_62 = tpu.memref_slice %arg4[%dma_start3A_58, %dma_start3A_60, %dma_start3A_61] : memref<4x16x1024xf32, #tpu.memory_space<vmem>> -> memref<1x16x1024xf32, #tpu.memory_space<vmem>>
    %dma_start3A_63 = tpu.memref_squeeze %dma_start3A_62 : memref<1x16x1024xf32, #tpu.memory_space<vmem>> -> memref<16x1024xf32, #tpu.memory_space<vmem>>
    %dma_start3A_64 = arith.constant 0 : i32
    %dma_start3A_65 = tpu.memref_slice %arg2[%add3A_57, %dma_start3A_64] : memref<8192x1024xf32, #tpu.memory_space<hbm>> -> memref<16x1024xf32, #tpu.memory_space<hbm>>
    %dma_start3A_66 = tpu.memref_slice %arg5[%dma_start3A_59] : memref<4x!tpu.dma_semaphore, #tpu.memory_space<semaphore_mem>> -> memref<1x!tpu.dma_semaphore, #tpu.memory_space<semaphore_mem>>
    %dma_start3A_67 = tpu.memref_squeeze %dma_start3A_66 : memref<1x!tpu.dma_semaphore, #tpu.memory_space<semaphore_mem>> -> memref<!tpu.dma_semaphore, #tpu.memory_space<semaphore_mem>>
    %dma_start3A_68 = arith.constant 0 : i32
    %dma_start3A_69 = arith.constant 0 : i32
    %dma_start3A_70 = tpu.memref_slice %arg4[%dma_start3A_58, %dma_start3A_68, %dma_start3A_69] : memref<4x16x1024xf32, #tpu.memory_space<vmem>> -> memref<1x16x1024xf32, #tpu.memory_space<vmem>>
    %dma_start3A_71 = tpu.memref_squeeze %dma_start3A_70 : memref<1x16x1024xf32, #tpu.memory_space<vmem>> -> memref<16x1024xf32, #tpu.memory_space<vmem>>
    %dma_start3A_72 = arith.constant 0 : i32
    %dma_start3A_73 = tpu.memref_slice %arg2[%add3A_57, %dma_start3A_72] : memref<8192x1024xf32, #tpu.memory_space<hbm>> -> memref<16x1024xf32, #tpu.memory_space<hbm>>
    tpu.enqueue_dma source(%dma_start3A_73 : memref<16x1024xf32, #tpu.memory_space<hbm>>) target(%dma_start3A_71 : memref<16x1024xf32, #tpu.memory_space<vmem>>) target_semaphore(%dma_start3A_67 : memref<!tpu.dma_semaphore, #tpu.memory_space<semaphore_mem>>)
    %dma_wait3A = arith.constant 0 : i32
    %dma_wait3A_74 = arith.constant 0 : i32
    %dma_wait3A_75 = arith.constant 0 : i32
    %dma_wait3A_76 = arith.constant 0 : i32
    %dma_wait3A_77 = tpu.memref_slice %arg4[%dma_wait3A, %dma_wait3A_75, %dma_wait3A_76] : memref<4x16x1024xf32, #tpu.memory_space<vmem>> -> memref<1x16x1024xf32, #tpu.memory_space<vmem>>
    %dma_wait3A_78 = tpu.memref_squeeze %dma_wait3A_77 : memref<1x16x1024xf32, #tpu.memory_space<vmem>> -> memref<16x1024xf32, #tpu.memory_space<vmem>>
    %dma_wait3A_79 = arith.constant 0 : i32
    %dma_wait3A_80 = tpu.memref_slice %arg2[%add3A_4, %dma_wait3A_79] : memref<8192x1024xf32, #tpu.memory_space<hbm>> -> memref<16x1024xf32, #tpu.memory_space<hbm>>
    %dma_wait3A_81 = tpu.memref_slice %arg5[%dma_wait3A_74] : memref<4x!tpu.dma_semaphore, #tpu.memory_space<semaphore_mem>> -> memref<1x!tpu.dma_semaphore, #tpu.memory_space<semaphore_mem>>
    %dma_wait3A_82 = tpu.memref_squeeze %dma_wait3A_81 : memref<1x!tpu.dma_semaphore, #tpu.memory_space<semaphore_mem>> -> memref<!tpu.dma_semaphore, #tpu.memory_space<semaphore_mem>>
    %dma_wait3A_83 = arith.constant 0 : i32
    %dma_wait3A_84 = arith.constant 0 : i32
    %dma_wait3A_85 = tpu.memref_slice %arg4[%dma_wait3A, %dma_wait3A_83, %dma_wait3A_84] : memref<4x16x1024xf32, #tpu.memory_space<vmem>> -> memref<1x16x1024xf32, #tpu.memory_space<vmem>>
    %dma_wait3A_86 = tpu.memref_squeeze %dma_wait3A_85 : memref<1x16x1024xf32, #tpu.memory_space<vmem>> -> memref<16x1024xf32, #tpu.memory_space<vmem>>
    %dma_wait3A_87 = arith.constant 0 : i32
    %dma_wait3A_88 = tpu.memref_slice %arg2[%add3A_4, %dma_wait3A_87] : memref<8192x1024xf32, #tpu.memory_space<hbm>> -> memref<16x1024xf32, #tpu.memory_space<hbm>>
    tpu.wait_dma2 semaphore(%dma_wait3A_82 : memref<!tpu.dma_semaphore, #tpu.memory_space<semaphore_mem>>) src(%dma_wait3A_88 : memref<16x1024xf32, #tpu.memory_space<hbm>>) dst(%dma_wait3A_86 : memref<16x1024xf32, #tpu.memory_space<vmem>>)
    %add3A_89 = arith.constant 0 : i32
    %add3A_90 = arith.addi %add3A_89, %mul3A_2 : i32
    %add3A_91 = arith.constant 0 : i32
    %add3A_92 = arith.addi %add3A_90, %add3A_91 : i32
    %add3A_93 = arith.constant 4096 : i32
    %add3A_94 = arith.addi %add3A_93, %mul3A_2 : i32
    %add3A_95 = arith.constant 0 : i32
    %add3A_96 = arith.addi %add3A_94, %add3A_95 : i32
    %add3A_97 = arith.constant 8192 : i32
    %add3A_98 = arith.addi %add3A_97, %mul3A_2 : i32
    %add3A_99 = arith.constant 0 : i32
    %add3A_100 = arith.addi %add3A_98, %add3A_99 : i32
    %add3A_101 = arith.constant 12288 : i32
    %add3A_102 = arith.addi %add3A_101, %mul3A_2 : i32
    %add3A_103 = arith.constant 0 : i32
    %add3A_104 = arith.addi %add3A_102, %add3A_103 : i32
    %dma_start3A_105 = arith.constant 0 : i32
    %dma_start3A_106 = arith.constant 0 : i32
    %dma_start3A_107 = arith.constant 0 : i32
    %dma_start3A_108 = arith.constant 0 : i32
    %dma_start3A_109 = tpu.memref_slice %arg4[%dma_start3A_105, %dma_start3A_107, %dma_start3A_108] : memref<4x16x1024xf32, #tpu.memory_space<vmem>> -> memref<1x16x1024xf32, #tpu.memory_space<vmem>>
    %dma_start3A_110 = tpu.memref_squeeze %dma_start3A_109 : memref<1x16x1024xf32, #tpu.memory_space<vmem>> -> memref<16x1024xf32, #tpu.memory_space<vmem>>
    %dma_start3A_111 = arith.constant 0 : i32
    %dma_start3A_112 = tpu.memref_slice %arg3[%add3A_92, %dma_start3A_111] : memref<16384x1024xf32, #tpu.memory_space<hbm>> -> memref<16x1024xf32, #tpu.memory_space<hbm>>
    %dma_start3A_113 = tpu.memref_slice %arg6[%dma_start3A_106] : memref<4x!tpu.dma_semaphore, #tpu.memory_space<semaphore_mem>> -> memref<1x!tpu.dma_semaphore, #tpu.memory_space<semaphore_mem>>
    %dma_start3A_114 = tpu.memref_squeeze %dma_start3A_113 : memref<1x!tpu.dma_semaphore, #tpu.memory_space<semaphore_mem>> -> memref<!tpu.dma_semaphore, #tpu.memory_space<semaphore_mem>>
    %dma_start3A_115 = arith.constant 0 : i32
    %dma_start3A_116 = tpu.memref_slice %arg3[%add3A_92, %dma_start3A_115] : memref<16384x1024xf32, #tpu.memory_space<hbm>> -> memref<16x1024xf32, #tpu.memory_space<hbm>>
    %dma_start3A_117 = arith.constant 0 : i32
    %dma_start3A_118 = arith.constant 0 : i32
    %dma_start3A_119 = tpu.memref_slice %arg4[%dma_start3A_105, %dma_start3A_117, %dma_start3A_118] : memref<4x16x1024xf32, #tpu.memory_space<vmem>> -> memref<1x16x1024xf32, #tpu.memory_space<vmem>>
    %dma_start3A_120 = tpu.memref_squeeze %dma_start3A_119 : memref<1x16x1024xf32, #tpu.memory_space<vmem>> -> memref<16x1024xf32, #tpu.memory_space<vmem>>
    tpu.enqueue_dma source(%dma_start3A_120 : memref<16x1024xf32, #tpu.memory_space<vmem>>) target(%dma_start3A_116 : memref<16x1024xf32, #tpu.memory_space<hbm>>) target_semaphore(%dma_start3A_114 : memref<!tpu.dma_semaphore, #tpu.memory_space<semaphore_mem>>)
    %dma_start3A_121 = arith.constant 0 : i32
    %dma_start3A_122 = arith.constant 0 : i32
    %dma_start3A_123 = arith.constant 0 : i32
    %dma_start3A_124 = arith.constant 0 : i32
    %dma_start3A_125 = tpu.memref_slice %arg4[%dma_start3A_121, %dma_start3A_123, %dma_start3A_124] : memref<4x16x1024xf32, #tpu.memory_space<vmem>> -> memref<1x16x1024xf32, #tpu.memory_space<vmem>>
    %dma_start3A_126 = tpu.memref_squeeze %dma_start3A_125 : memref<1x16x1024xf32, #tpu.memory_space<vmem>> -> memref<16x1024xf32, #tpu.memory_space<vmem>>
    %dma_start3A_127 = arith.constant 0 : i32
    %dma_start3A_128 = tpu.memref_slice %arg3[%add3A_96, %dma_start3A_127] : memref<16384x1024xf32, #tpu.memory_space<hbm>> -> memref<16x1024xf32, #tpu.memory_space<hbm>>
    %dma_start3A_129 = tpu.memref_slice %arg6[%dma_start3A_122] : memref<4x!tpu.dma_semaphore, #tpu.memory_space<semaphore_mem>> -> memref<1x!tpu.dma_semaphore, #tpu.memory_space<semaphore_mem>>
    %dma_start3A_130 = tpu.memref_squeeze %dma_start3A_129 : memref<1x!tpu.dma_semaphore, #tpu.memory_space<semaphore_mem>> -> memref<!tpu.dma_semaphore, #tpu.memory_space<semaphore_mem>>
    %dma_start3A_131 = arith.constant 0 : i32
    %dma_start3A_132 = tpu.memref_slice %arg3[%add3A_96, %dma_start3A_131] : memref<16384x1024xf32, #tpu.memory_space<hbm>> -> memref<16x1024xf32, #tpu.memory_space<hbm>>
    %dma_start3A_133 = arith.constant 0 : i32
    %dma_start3A_134 = arith.constant 0 : i32
    %dma_start3A_135 = tpu.memref_slice %arg4[%dma_start3A_121, %dma_start3A_133, %dma_start3A_134] : memref<4x16x1024xf32, #tpu.memory_space<vmem>> -> memref<1x16x1024xf32, #tpu.memory_space<vmem>>
    %dma_start3A_136 = tpu.memref_squeeze %dma_start3A_135 : memref<1x16x1024xf32, #tpu.memory_space<vmem>> -> memref<16x1024xf32, #tpu.memory_space<vmem>>
    tpu.enqueue_dma source(%dma_start3A_136 : memref<16x1024xf32, #tpu.memory_space<vmem>>) target(%dma_start3A_132 : memref<16x1024xf32, #tpu.memory_space<hbm>>) target_semaphore(%dma_start3A_130 : memref<!tpu.dma_semaphore, #tpu.memory_space<semaphore_mem>>)
    %dma_start3A_137 = arith.constant 0 : i32
    %dma_start3A_138 = arith.constant 0 : i32
    %dma_start3A_139 = arith.constant 0 : i32
    %dma_start3A_140 = arith.constant 0 : i32
    %dma_start3A_141 = tpu.memref_slice %arg4[%dma_start3A_137, %dma_start3A_139, %dma_start3A_140] : memref<4x16x1024xf32, #tpu.memory_space<vmem>> -> memref<1x16x1024xf32, #tpu.memory_space<vmem>>
    %dma_start3A_142 = tpu.memref_squeeze %dma_start3A_141 : memref<1x16x1024xf32, #tpu.memory_space<vmem>> -> memref<16x1024xf32, #tpu.memory_space<vmem>>
    %dma_start3A_143 = arith.constant 0 : i32
    %dma_start3A_144 = tpu.memref_slice %arg3[%add3A_100, %dma_start3A_143] : memref<16384x1024xf32, #tpu.memory_space<hbm>> -> memref<16x1024xf32, #tpu.memory_space<hbm>>
    %dma_start3A_145 = tpu.memref_slice %arg6[%dma_start3A_138] : memref<4x!tpu.dma_semaphore, #tpu.memory_space<semaphore_mem>> -> memref<1x!tpu.dma_semaphore, #tpu.memory_space<semaphore_mem>>
    %dma_start3A_146 = tpu.memref_squeeze %dma_start3A_145 : memref<1x!tpu.dma_semaphore, #tpu.memory_space<semaphore_mem>> -> memref<!tpu.dma_semaphore, #tpu.memory_space<semaphore_mem>>
    %dma_start3A_147 = arith.constant 0 : i32
    %dma_start3A_148 = tpu.memref_slice %arg3[%add3A_100, %dma_start3A_147] : memref<16384x1024xf32, #tpu.memory_space<hbm>> -> memref<16x1024xf32, #tpu.memory_space<hbm>>
    %dma_start3A_149 = arith.constant 0 : i32
    %dma_start3A_150 = arith.constant 0 : i32
    %dma_start3A_151 = tpu.memref_slice %arg4[%dma_start3A_137, %dma_start3A_149, %dma_start3A_150] : memref<4x16x1024xf32, #tpu.memory_space<vmem>> -> memref<1x16x1024xf32, #tpu.memory_space<vmem>>
    %dma_start3A_152 = tpu.memref_squeeze %dma_start3A_151 : memref<1x16x1024xf32, #tpu.memory_space<vmem>> -> memref<16x1024xf32, #tpu.memory_space<vmem>>
    tpu.enqueue_dma source(%dma_start3A_152 : memref<16x1024xf32, #tpu.memory_space<vmem>>) target(%dma_start3A_148 : memref<16x1024xf32, #tpu.memory_space<hbm>>) target_semaphore(%dma_start3A_146 : memref<!tpu.dma_semaphore, #tpu.memory_space<semaphore_mem>>)
    %dma_start3A_153 = arith.constant 0 : i32
    %dma_start3A_154 = arith.constant 0 : i32
    %dma_start3A_155 = arith.constant 0 : i32
    %dma_start3A_156 = arith.constant 0 : i32
    %dma_start3A_157 = tpu.memref_slice %arg4[%dma_start3A_153, %dma_start3A_155, %dma_start3A_156] : memref<4x16x1024xf32, #tpu.memory_space<vmem>> -> memref<1x16x1024xf32, #tpu.memory_space<vmem>>
    %dma_start3A_158 = tpu.memref_squeeze %dma_start3A_157 : memref<1x16x1024xf32, #tpu.memory_space<vmem>> -> memref<16x1024xf32, #tpu.memory_space<vmem>>
    %dma_start3A_159 = arith.constant 0 : i32
    %dma_start3A_160 = tpu.memref_slice %arg3[%add3A_104, %dma_start3A_159] : memref<16384x1024xf32, #tpu.memory_space<hbm>> -> memref<16x1024xf32, #tpu.memory_space<hbm>>
    %dma_start3A_161 = tpu.memref_slice %arg6[%dma_start3A_154] : memref<4x!tpu.dma_semaphore, #tpu.memory_space<semaphore_mem>> -> memref<1x!tpu.dma_semaphore, #tpu.memory_space<semaphore_mem>>
    %dma_start3A_162 = tpu.memref_squeeze %dma_start3A_161 : memref<1x!tpu.dma_semaphore, #tpu.memory_space<semaphore_mem>> -> memref<!tpu.dma_semaphore, #tpu.memory_space<semaphore_mem>>
    %dma_start3A_163 = arith.constant 0 : i32
    %dma_start3A_164 = tpu.memref_slice %arg3[%add3A_104, %dma_start3A_163] : memref<16384x1024xf32, #tpu.memory_space<hbm>> -> memref<16x1024xf32, #tpu.memory_space<hbm>>
    %dma_start3A_165 = arith.constant 0 : i32
    %dma_start3A_166 = arith.constant 0 : i32
    %dma_start3A_167 = tpu.memref_slice %arg4[%dma_start3A_153, %dma_start3A_165, %dma_start3A_166] : memref<4x16x1024xf32, #tpu.memory_space<vmem>> -> memref<1x16x1024xf32, #tpu.memory_space<vmem>>
    %dma_start3A_168 = tpu.memref_squeeze %dma_start3A_167 : memref<1x16x1024xf32, #tpu.memory_space<vmem>> -> memref<16x1024xf32, #tpu.memory_space<vmem>>
    tpu.enqueue_dma source(%dma_start3A_168 : memref<16x1024xf32, #tpu.memory_space<vmem>>) target(%dma_start3A_164 : memref<16x1024xf32, #tpu.memory_space<hbm>>) target_semaphore(%dma_start3A_162 : memref<!tpu.dma_semaphore, #tpu.memory_space<semaphore_mem>>)
    %dma_wait3A_169 = arith.constant 1 : i32
    %dma_wait3A_170 = arith.constant 1 : i32
    %dma_wait3A_171 = arith.constant 0 : i32
    %dma_wait3A_172 = arith.constant 0 : i32
    %dma_wait3A_173 = tpu.memref_slice %arg4[%dma_wait3A_169, %dma_wait3A_171, %dma_wait3A_172] : memref<4x16x1024xf32, #tpu.memory_space<vmem>> -> memref<1x16x1024xf32, #tpu.memory_space<vmem>>
    %dma_wait3A_174 = tpu.memref_squeeze %dma_wait3A_173 : memref<1x16x1024xf32, #tpu.memory_space<vmem>> -> memref<16x1024xf32, #tpu.memory_space<vmem>>
    %dma_wait3A_175 = arith.constant 0 : i32
    %dma_wait3A_176 = tpu.memref_slice %arg2[%add3A_21, %dma_wait3A_175] : memref<8192x1024xf32, #tpu.memory_space<hbm>> -> memref<16x1024xf32, #tpu.memory_space<hbm>>
    %dma_wait3A_177 = tpu.memref_slice %arg5[%dma_wait3A_170] : memref<4x!tpu.dma_semaphore, #tpu.memory_space<semaphore_mem>> -> memref<1x!tpu.dma_semaphore, #tpu.memory_space<semaphore_mem>>
    %dma_wait3A_178 = tpu.memref_squeeze %dma_wait3A_177 : memref<1x!tpu.dma_semaphore, #tpu.memory_space<semaphore_mem>> -> memref<!tpu.dma_semaphore, #tpu.memory_space<semaphore_mem>>
    %dma_wait3A_179 = arith.constant 0 : i32
    %dma_wait3A_180 = arith.constant 0 : i32
    %dma_wait3A_181 = tpu.memref_slice %arg4[%dma_wait3A_169, %dma_wait3A_179, %dma_wait3A_180] : memref<4x16x1024xf32, #tpu.memory_space<vmem>> -> memref<1x16x1024xf32, #tpu.memory_space<vmem>>
    %dma_wait3A_182 = tpu.memref_squeeze %dma_wait3A_181 : memref<1x16x1024xf32, #tpu.memory_space<vmem>> -> memref<16x1024xf32, #tpu.memory_space<vmem>>
    %dma_wait3A_183 = arith.constant 0 : i32
    %dma_wait3A_184 = tpu.memref_slice %arg2[%add3A_21, %dma_wait3A_183] : memref<8192x1024xf32, #tpu.memory_space<hbm>> -> memref<16x1024xf32, #tpu.memory_space<hbm>>
    tpu.wait_dma2 semaphore(%dma_wait3A_178 : memref<!tpu.dma_semaphore, #tpu.memory_space<semaphore_mem>>) src(%dma_wait3A_184 : memref<16x1024xf32, #tpu.memory_space<hbm>>) dst(%dma_wait3A_182 : memref<16x1024xf32, #tpu.memory_space<vmem>>)
    %add3A_185 = arith.constant 0 : i32
    %add3A_186 = arith.addi %add3A_185, %mul3A_2 : i32
    %add3A_187 = arith.constant 16 : i32
    %add3A_188 = arith.addi %add3A_186, %add3A_187 : i32
    %add3A_189 = arith.constant 4096 : i32
    %add3A_190 = arith.addi %add3A_189, %mul3A_2 : i32
    %add3A_191 = arith.constant 16 : i32
    %add3A_192 = arith.addi %add3A_190, %add3A_191 : i32
    %add3A_193 = arith.constant 8192 : i32
    %add3A_194 = arith.addi %add3A_193, %mul3A_2 : i32
    %add3A_195 = arith.constant 16 : i32
    %add3A_196 = arith.addi %add3A_194, %add3A_195 : i32
    %add3A_197 = arith.constant 12288 : i32
    %add3A_198 = arith.addi %add3A_197, %mul3A_2 : i32
    %add3A_199 = arith.constant 16 : i32
    %add3A_200 = arith.addi %add3A_198, %add3A_199 : i32
    %dma_start3A_201 = arith.constant 1 : i32
    %dma_start3A_202 = arith.constant 1 : i32
    %dma_start3A_203 = arith.constant 0 : i32
    %dma_start3A_204 = arith.constant 0 : i32
    %dma_start3A_205 = tpu.memref_slice %arg4[%dma_start3A_201, %dma_start3A_203, %dma_start3A_204] : memref<4x16x1024xf32, #tpu.memory_space<vmem>> -> memref<1x16x1024xf32, #tpu.memory_space<vmem>>
    %dma_start3A_206 = tpu.memref_squeeze %dma_start3A_205 : memref<1x16x1024xf32, #tpu.memory_space<vmem>> -> memref<16x1024xf32, #tpu.memory_space<vmem>>
    %dma_start3A_207 = arith.constant 0 : i32
    %dma_start3A_208 = tpu.memref_slice %arg3[%add3A_188, %dma_start3A_207] : memref<16384x1024xf32, #tpu.memory_space<hbm>> -> memref<16x1024xf32, #tpu.memory_space<hbm>>
    %dma_start3A_209 = tpu.memref_slice %arg6[%dma_start3A_202] : memref<4x!tpu.dma_semaphore, #tpu.memory_space<semaphore_mem>> -> memref<1x!tpu.dma_semaphore, #tpu.memory_space<semaphore_mem>>
    %dma_start3A_210 = tpu.memref_squeeze %dma_start3A_209 : memref<1x!tpu.dma_semaphore, #tpu.memory_space<semaphore_mem>> -> memref<!tpu.dma_semaphore, #tpu.memory_space<semaphore_mem>>
    %dma_start3A_211 = arith.constant 0 : i32
    %dma_start3A_212 = tpu.memref_slice %arg3[%add3A_188, %dma_start3A_211] : memref<16384x1024xf32, #tpu.memory_space<hbm>> -> memref<16x1024xf32, #tpu.memory_space<hbm>>
    %dma_start3A_213 = arith.constant 0 : i32
    %dma_start3A_214 = arith.constant 0 : i32
    %dma_start3A_215 = tpu.memref_slice %arg4[%dma_start3A_201, %dma_start3A_213, %dma_start3A_214] : memref<4x16x1024xf32, #tpu.memory_space<vmem>> -> memref<1x16x1024xf32, #tpu.memory_space<vmem>>
    %dma_start3A_216 = tpu.memref_squeeze %dma_start3A_215 : memref<1x16x1024xf32, #tpu.memory_space<vmem>> -> memref<16x1024xf32, #tpu.memory_space<vmem>>
    tpu.enqueue_dma source(%dma_start3A_216 : memref<16x1024xf32, #tpu.memory_space<vmem>>) target(%dma_start3A_212 : memref<16x1024xf32, #tpu.memory_space<hbm>>) target_semaphore(%dma_start3A_210 : memref<!tpu.dma_semaphore, #tpu.memory_space<semaphore_mem>>)
    %dma_start3A_217 = arith.constant 1 : i32
    %dma_start3A_218 = arith.constant 1 : i32
    %dma_start3A_219 = arith.constant 0 : i32
    %dma_start3A_220 = arith.constant 0 : i32
    %dma_start3A_221 = tpu.memref_slice %arg4[%dma_start3A_217, %dma_start3A_219, %dma_start3A_220] : memref<4x16x1024xf32, #tpu.memory_space<vmem>> -> memref<1x16x1024xf32, #tpu.memory_space<vmem>>
    %dma_start3A_222 = tpu.memref_squeeze %dma_start3A_221 : memref<1x16x1024xf32, #tpu.memory_space<vmem>> -> memref<16x1024xf32, #tpu.memory_space<vmem>>
    %dma_start3A_223 = arith.constant 0 : i32
    %dma_start3A_224 = tpu.memref_slice %arg3[%add3A_192, %dma_start3A_223] : memref<16384x1024xf32, #tpu.memory_space<hbm>> -> memref<16x1024xf32, #tpu.memory_space<hbm>>
    %dma_start3A_225 = tpu.memref_slice %arg6[%dma_start3A_218] : memref<4x!tpu.dma_semaphore, #tpu.memory_space<semaphore_mem>> -> memref<1x!tpu.dma_semaphore, #tpu.memory_space<semaphore_mem>>
    %dma_start3A_226 = tpu.memref_squeeze %dma_start3A_225 : memref<1x!tpu.dma_semaphore, #tpu.memory_space<semaphore_mem>> -> memref<!tpu.dma_semaphore, #tpu.memory_space<semaphore_mem>>
    %dma_start3A_227 = arith.constant 0 : i32
    %dma_start3A_228 = tpu.memref_slice %arg3[%add3A_192, %dma_start3A_227] : memref<16384x1024xf32, #tpu.memory_space<hbm>> -> memref<16x1024xf32, #tpu.memory_space<hbm>>
    %dma_start3A_229 = arith.constant 0 : i32
    %dma_start3A_230 = arith.constant 0 : i32
    %dma_start3A_231 = tpu.memref_slice %arg4[%dma_start3A_217, %dma_start3A_229, %dma_start3A_230] : memref<4x16x1024xf32, #tpu.memory_space<vmem>> -> memref<1x16x1024xf32, #tpu.memory_space<vmem>>
    %dma_start3A_232 = tpu.memref_squeeze %dma_start3A_231 : memref<1x16x1024xf32, #tpu.memory_space<vmem>> -> memref<16x1024xf32, #tpu.memory_space<vmem>>
    tpu.enqueue_dma source(%dma_start3A_232 : memref<16x1024xf32, #tpu.memory_space<vmem>>) target(%dma_start3A_228 : memref<16x1024xf32, #tpu.memory_space<hbm>>) target_semaphore(%dma_start3A_226 : memref<!tpu.dma_semaphore, #tpu.memory_space<semaphore_mem>>)
    %dma_start3A_233 = arith.constant 1 : i32
    %dma_start3A_234 = arith.constant 1 : i32
    %dma_start3A_235 = arith.constant 0 : i32
    %dma_start3A_236 = arith.constant 0 : i32
    %dma_start3A_237 = tpu.memref_slice %arg4[%dma_start3A_233, %dma_start3A_235, %dma_start3A_236] : memref<4x16x1024xf32, #tpu.memory_space<vmem>> -> memref<1x16x1024xf32, #tpu.memory_space<vmem>>
    %dma_start3A_238 = tpu.memref_squeeze %dma_start3A_237 : memref<1x16x1024xf32, #tpu.memory_space<vmem>> -> memref<16x1024xf32, #tpu.memory_space<vmem>>
    %dma_start3A_239 = arith.constant 0 : i32
    %dma_start3A_240 = tpu.memref_slice %arg3[%add3A_196, %dma_start3A_239] : memref<16384x1024xf32, #tpu.memory_space<hbm>> -> memref<16x1024xf32, #tpu.memory_space<hbm>>
    %dma_start3A_241 = tpu.memref_slice %arg6[%dma_start3A_234] : memref<4x!tpu.dma_semaphore, #tpu.memory_space<semaphore_mem>> -> memref<1x!tpu.dma_semaphore, #tpu.memory_space<semaphore_mem>>
    %dma_start3A_242 = tpu.memref_squeeze %dma_start3A_241 : memref<1x!tpu.dma_semaphore, #tpu.memory_space<semaphore_mem>> -> memref<!tpu.dma_semaphore, #tpu.memory_space<semaphore_mem>>
    %dma_start3A_243 = arith.constant 0 : i32
    %dma_start3A_244 = tpu.memref_slice %arg3[%add3A_196, %dma_start3A_243] : memref<16384x1024xf32, #tpu.memory_space<hbm>> -> memref<16x1024xf32, #tpu.memory_space<hbm>>
    %dma_start3A_245 = arith.constant 0 : i32
    %dma_start3A_246 = arith.constant 0 : i32
    %dma_start3A_247 = tpu.memref_slice %arg4[%dma_start3A_233, %dma_start3A_245, %dma_start3A_246] : memref<4x16x1024xf32, #tpu.memory_space<vmem>> -> memref<1x16x1024xf32, #tpu.memory_space<vmem>>
    %dma_start3A_248 = tpu.memref_squeeze %dma_start3A_247 : memref<1x16x1024xf32, #tpu.memory_space<vmem>> -> memref<16x1024xf32, #tpu.memory_space<vmem>>
    tpu.enqueue_dma source(%dma_start3A_248 : memref<16x1024xf32, #tpu.memory_space<vmem>>) target(%dma_start3A_244 : memref<16x1024xf32, #tpu.memory_space<hbm>>) target_semaphore(%dma_start3A_242 : memref<!tpu.dma_semaphore, #tpu.memory_space<semaphore_mem>>)
    %dma_start3A_249 = arith.constant 1 : i32
    %dma_start3A_250 = arith.constant 1 : i32
    %dma_start3A_251 = arith.constant 0 : i32
    %dma_start3A_252 = arith.constant 0 : i32
    %dma_start3A_253 = tpu.memref_slice %arg4[%dma_start3A_249, %dma_start3A_251, %dma_start3A_252] : memref<4x16x1024xf32, #tpu.memory_space<vmem>> -> memref<1x16x1024xf32, #tpu.memory_space<vmem>>
    %dma_start3A_254 = tpu.memref_squeeze %dma_start3A_253 : memref<1x16x1024xf32, #tpu.memory_space<vmem>> -> memref<16x1024xf32, #tpu.memory_space<vmem>>
    %dma_start3A_255 = arith.constant 0 : i32
    %dma_start3A_256 = tpu.memref_slice %arg3[%add3A_200, %dma_start3A_255] : memref<16384x1024xf32, #tpu.memory_space<hbm>> -> memref<16x1024xf32, #tpu.memory_space<hbm>>
    %dma_start3A_257 = tpu.memref_slice %arg6[%dma_start3A_250] : memref<4x!tpu.dma_semaphore, #tpu.memory_space<semaphore_mem>> -> memref<1x!tpu.dma_semaphore, #tpu.memory_space<semaphore_mem>>
    %dma_start3A_258 = tpu.memref_squeeze %dma_start3A_257 : memref<1x!tpu.dma_semaphore, #tpu.memory_space<semaphore_mem>> -> memref<!tpu.dma_semaphore, #tpu.memory_space<semaphore_mem>>
    %dma_start3A_259 = arith.constant 0 : i32
    %dma_start3A_260 = tpu.memref_slice %arg3[%add3A_200, %dma_start3A_259] : memref<16384x1024xf32, #tpu.memory_space<hbm>> -> memref<16x1024xf32, #tpu.memory_space<hbm>>
    %dma_start3A_261 = arith.constant 0 : i32
    %dma_start3A_262 = arith.constant 0 : i32
    %dma_start3A_263 = tpu.memref_slice %arg4[%dma_start3A_249, %dma_start3A_261, %dma_start3A_262] : memref<4x16x1024xf32, #tpu.memory_space<vmem>> -> memref<1x16x1024xf32, #tpu.memory_space<vmem>>
    %dma_start3A_264 = tpu.memref_squeeze %dma_start3A_263 : memref<1x16x1024xf32, #tpu.memory_space<vmem>> -> memref<16x1024xf32, #tpu.memory_space<vmem>>
    tpu.enqueue_dma source(%dma_start3A_264 : memref<16x1024xf32, #tpu.memory_space<vmem>>) target(%dma_start3A_260 : memref<16x1024xf32, #tpu.memory_space<hbm>>) target_semaphore(%dma_start3A_258 : memref<!tpu.dma_semaphore, #tpu.memory_space<semaphore_mem>>)
    %dma_wait3A_265 = arith.constant 2 : i32
    %dma_wait3A_266 = arith.constant 2 : i32
    %dma_wait3A_267 = arith.constant 0 : i32
    %dma_wait3A_268 = arith.constant 0 : i32
    %dma_wait3A_269 = tpu.memref_slice %arg4[%dma_wait3A_265, %dma_wait3A_267, %dma_wait3A_268] : memref<4x16x1024xf32, #tpu.memory_space<vmem>> -> memref<1x16x1024xf32, #tpu.memory_space<vmem>>
    %dma_wait3A_270 = tpu.memref_squeeze %dma_wait3A_269 : memref<1x16x1024xf32, #tpu.memory_space<vmem>> -> memref<16x1024xf32, #tpu.memory_space<vmem>>
    %dma_wait3A_271 = arith.constant 0 : i32
    %dma_wait3A_272 = tpu.memref_slice %arg2[%add3A_39, %dma_wait3A_271] : memref<8192x1024xf32, #tpu.memory_space<hbm>> -> memref<16x1024xf32, #tpu.memory_space<hbm>>
    %dma_wait3A_273 = tpu.memref_slice %arg5[%dma_wait3A_266] : memref<4x!tpu.dma_semaphore, #tpu.memory_space<semaphore_mem>> -> memref<1x!tpu.dma_semaphore, #tpu.memory_space<semaphore_mem>>
    %dma_wait3A_274 = tpu.memref_squeeze %dma_wait3A_273 : memref<1x!tpu.dma_semaphore, #tpu.memory_space<semaphore_mem>> -> memref<!tpu.dma_semaphore, #tpu.memory_space<semaphore_mem>>
    %dma_wait3A_275 = arith.constant 0 : i32
    %dma_wait3A_276 = arith.constant 0 : i32
    %dma_wait3A_277 = tpu.memref_slice %arg4[%dma_wait3A_265, %dma_wait3A_275, %dma_wait3A_276] : memref<4x16x1024xf32, #tpu.memory_space<vmem>> -> memref<1x16x1024xf32, #tpu.memory_space<vmem>>
    %dma_wait3A_278 = tpu.memref_squeeze %dma_wait3A_277 : memref<1x16x1024xf32, #tpu.memory_space<vmem>> -> memref<16x1024xf32, #tpu.memory_space<vmem>>
    %dma_wait3A_279 = arith.constant 0 : i32
    %dma_wait3A_280 = tpu.memref_slice %arg2[%add3A_39, %dma_wait3A_279] : memref<8192x1024xf32, #tpu.memory_space<hbm>> -> memref<16x1024xf32, #tpu.memory_space<hbm>>
    tpu.wait_dma2 semaphore(%dma_wait3A_274 : memref<!tpu.dma_semaphore, #tpu.memory_space<semaphore_mem>>) src(%dma_wait3A_280 : memref<16x1024xf32, #tpu.memory_space<hbm>>) dst(%dma_wait3A_278 : memref<16x1024xf32, #tpu.memory_space<vmem>>)
    %add3A_281 = arith.constant 0 : i32
    %add3A_282 = arith.addi %add3A_281, %mul3A_2 : i32
    %add3A_283 = arith.constant 32 : i32
    %add3A_284 = arith.addi %add3A_282, %add3A_283 : i32
    %add3A_285 = arith.constant 4096 : i32
    %add3A_286 = arith.addi %add3A_285, %mul3A_2 : i32
    %add3A_287 = arith.constant 32 : i32
    %add3A_288 = arith.addi %add3A_286, %add3A_287 : i32
    %add3A_289 = arith.constant 8192 : i32
    %add3A_290 = arith.addi %add3A_289, %mul3A_2 : i32
    %add3A_291 = arith.constant 32 : i32
    %add3A_292 = arith.addi %add3A_290, %add3A_291 : i32
    %add3A_293 = arith.constant 12288 : i32
    %add3A_294 = arith.addi %add3A_293, %mul3A_2 : i32
    %add3A_295 = arith.constant 32 : i32
    %add3A_296 = arith.addi %add3A_294, %add3A_295 : i32
    %dma_start3A_297 = arith.constant 2 : i32
    %dma_start3A_298 = arith.constant 2 : i32
    %dma_start3A_299 = arith.constant 0 : i32
    %dma_start3A_300 = arith.constant 0 : i32
    %dma_start3A_301 = tpu.memref_slice %arg4[%dma_start3A_297, %dma_start3A_299, %dma_start3A_300] : memref<4x16x1024xf32, #tpu.memory_space<vmem>> -> memref<1x16x1024xf32, #tpu.memory_space<vmem>>
    %dma_start3A_302 = tpu.memref_squeeze %dma_start3A_301 : memref<1x16x1024xf32, #tpu.memory_space<vmem>> -> memref<16x1024xf32, #tpu.memory_space<vmem>>
    %dma_start3A_303 = arith.constant 0 : i32
    %dma_start3A_304 = tpu.memref_slice %arg3[%add3A_284, %dma_start3A_303] : memref<16384x1024xf32, #tpu.memory_space<hbm>> -> memref<16x1024xf32, #tpu.memory_space<hbm>>
    %dma_start3A_305 = tpu.memref_slice %arg6[%dma_start3A_298] : memref<4x!tpu.dma_semaphore, #tpu.memory_space<semaphore_mem>> -> memref<1x!tpu.dma_semaphore, #tpu.memory_space<semaphore_mem>>
    %dma_start3A_306 = tpu.memref_squeeze %dma_start3A_305 : memref<1x!tpu.dma_semaphore, #tpu.memory_space<semaphore_mem>> -> memref<!tpu.dma_semaphore, #tpu.memory_space<semaphore_mem>>
    %dma_start3A_307 = arith.constant 0 : i32
    %dma_start3A_308 = tpu.memref_slice %arg3[%add3A_284, %dma_start3A_307] : memref<16384x1024xf32, #tpu.memory_space<hbm>> -> memref<16x1024xf32, #tpu.memory_space<hbm>>
    %dma_start3A_309 = arith.constant 0 : i32
    %dma_start3A_310 = arith.constant 0 : i32
    %dma_start3A_311 = tpu.memref_slice %arg4[%dma_start3A_297, %dma_start3A_309, %dma_start3A_310] : memref<4x16x1024xf32, #tpu.memory_space<vmem>> -> memref<1x16x1024xf32, #tpu.memory_space<vmem>>
    %dma_start3A_312 = tpu.memref_squeeze %dma_start3A_311 : memref<1x16x1024xf32, #tpu.memory_space<vmem>> -> memref<16x1024xf32, #tpu.memory_space<vmem>>
    tpu.enqueue_dma source(%dma_start3A_312 : memref<16x1024xf32, #tpu.memory_space<vmem>>) target(%dma_start3A_308 : memref<16x1024xf32, #tpu.memory_space<hbm>>) target_semaphore(%dma_start3A_306 : memref<!tpu.dma_semaphore, #tpu.memory_space<semaphore_mem>>)
    %dma_start3A_313 = arith.constant 2 : i32
    %dma_start3A_314 = arith.constant 2 : i32
    %dma_start3A_315 = arith.constant 0 : i32
    %dma_start3A_316 = arith.constant 0 : i32
    %dma_start3A_317 = tpu.memref_slice %arg4[%dma_start3A_313, %dma_start3A_315, %dma_start3A_316] : memref<4x16x1024xf32, #tpu.memory_space<vmem>> -> memref<1x16x1024xf32, #tpu.memory_space<vmem>>
    %dma_start3A_318 = tpu.memref_squeeze %dma_start3A_317 : memref<1x16x1024xf32, #tpu.memory_space<vmem>> -> memref<16x1024xf32, #tpu.memory_space<vmem>>
    %dma_start3A_319 = arith.constant 0 : i32
    %dma_start3A_320 = tpu.memref_slice %arg3[%add3A_288, %dma_start3A_319] : memref<16384x1024xf32, #tpu.memory_space<hbm>> -> memref<16x1024xf32, #tpu.memory_space<hbm>>
    %dma_start3A_321 = tpu.memref_slice %arg6[%dma_start3A_314] : memref<4x!tpu.dma_semaphore, #tpu.memory_space<semaphore_mem>> -> memref<1x!tpu.dma_semaphore, #tpu.memory_space<semaphore_mem>>
    %dma_start3A_322 = tpu.memref_squeeze %dma_start3A_321 : memref<1x!tpu.dma_semaphore, #tpu.memory_space<semaphore_mem>> -> memref<!tpu.dma_semaphore, #tpu.memory_space<semaphore_mem>>
    %dma_start3A_323 = arith.constant 0 : i32
    %dma_start3A_324 = tpu.memref_slice %arg3[%add3A_288, %dma_start3A_323] : memref<16384x1024xf32, #tpu.memory_space<hbm>> -> memref<16x1024xf32, #tpu.memory_space<hbm>>
    %dma_start3A_325 = arith.constant 0 : i32
    %dma_start3A_326 = arith.constant 0 : i32
    %dma_start3A_327 = tpu.memref_slice %arg4[%dma_start3A_313, %dma_start3A_325, %dma_start3A_326] : memref<4x16x1024xf32, #tpu.memory_space<vmem>> -> memref<1x16x1024xf32, #tpu.memory_space<vmem>>
    %dma_start3A_328 = tpu.memref_squeeze %dma_start3A_327 : memref<1x16x1024xf32, #tpu.memory_space<vmem>> -> memref<16x1024xf32, #tpu.memory_space<vmem>>
    tpu.enqueue_dma source(%dma_start3A_328 : memref<16x1024xf32, #tpu.memory_space<vmem>>) target(%dma_start3A_324 : memref<16x1024xf32, #tpu.memory_space<hbm>>) target_semaphore(%dma_start3A_322 : memref<!tpu.dma_semaphore, #tpu.memory_space<semaphore_mem>>)
    %dma_start3A_329 = arith.constant 2 : i32
    %dma_start3A_330 = arith.constant 2 : i32
    %dma_start3A_331 = arith.constant 0 : i32
    %dma_start3A_332 = arith.constant 0 : i32
    %dma_start3A_333 = tpu.memref_slice %arg4[%dma_start3A_329, %dma_start3A_331, %dma_start3A_332] : memref<4x16x1024xf32, #tpu.memory_space<vmem>> -> memref<1x16x1024xf32, #tpu.memory_space<vmem>>
    %dma_start3A_334 = tpu.memref_squeeze %dma_start3A_333 : memref<1x16x1024xf32, #tpu.memory_space<vmem>> -> memref<16x1024xf32, #tpu.memory_space<vmem>>
    %dma_start3A_335 = arith.constant 0 : i32
    %dma_start3A_336 = tpu.memref_slice %arg3[%add3A_292, %dma_start3A_335] : memref<16384x1024xf32, #tpu.memory_space<hbm>> -> memref<16x1024xf32, #tpu.memory_space<hbm>>
    %dma_start3A_337 = tpu.memref_slice %arg6[%dma_start3A_330] : memref<4x!tpu.dma_semaphore, #tpu.memory_space<semaphore_mem>> -> memref<1x!tpu.dma_semaphore, #tpu.memory_space<semaphore_mem>>
    %dma_start3A_338 = tpu.memref_squeeze %dma_start3A_337 : memref<1x!tpu.dma_semaphore, #tpu.memory_space<semaphore_mem>> -> memref<!tpu.dma_semaphore, #tpu.memory_space<semaphore_mem>>
    %dma_start3A_339 = arith.constant 0 : i32
    %dma_start3A_340 = tpu.memref_slice %arg3[%add3A_292, %dma_start3A_339] : memref<16384x1024xf32, #tpu.memory_space<hbm>> -> memref<16x1024xf32, #tpu.memory_space<hbm>>
    %dma_start3A_341 = arith.constant 0 : i32
    %dma_start3A_342 = arith.constant 0 : i32
    %dma_start3A_343 = tpu.memref_slice %arg4[%dma_start3A_329, %dma_start3A_341, %dma_start3A_342] : memref<4x16x1024xf32, #tpu.memory_space<vmem>> -> memref<1x16x1024xf32, #tpu.memory_space<vmem>>
    %dma_start3A_344 = tpu.memref_squeeze %dma_start3A_343 : memref<1x16x1024xf32, #tpu.memory_space<vmem>> -> memref<16x1024xf32, #tpu.memory_space<vmem>>
    tpu.enqueue_dma source(%dma_start3A_344 : memref<16x1024xf32, #tpu.memory_space<vmem>>) target(%dma_start3A_340 : memref<16x1024xf32, #tpu.memory_space<hbm>>) target_semaphore(%dma_start3A_338 : memref<!tpu.dma_semaphore, #tpu.memory_space<semaphore_mem>>)
    %dma_start3A_345 = arith.constant 2 : i32
    %dma_start3A_346 = arith.constant 2 : i32
    %dma_start3A_347 = arith.constant 0 : i32
    %dma_start3A_348 = arith.constant 0 : i32
    %dma_start3A_349 = tpu.memref_slice %arg4[%dma_start3A_345, %dma_start3A_347, %dma_start3A_348] : memref<4x16x1024xf32, #tpu.memory_space<vmem>> -> memref<1x16x1024xf32, #tpu.memory_space<vmem>>
    %dma_start3A_350 = tpu.memref_squeeze %dma_start3A_349 : memref<1x16x1024xf32, #tpu.memory_space<vmem>> -> memref<16x1024xf32, #tpu.memory_space<vmem>>
    %dma_start3A_351 = arith.constant 0 : i32
    %dma_start3A_352 = tpu.memref_slice %arg3[%add3A_296, %dma_start3A_351] : memref<16384x1024xf32, #tpu.memory_space<hbm>> -> memref<16x1024xf32, #tpu.memory_space<hbm>>
    %dma_start3A_353 = tpu.memref_slice %arg6[%dma_start3A_346] : memref<4x!tpu.dma_semaphore, #tpu.memory_space<semaphore_mem>> -> memref<1x!tpu.dma_semaphore, #tpu.memory_space<semaphore_mem>>
    %dma_start3A_354 = tpu.memref_squeeze %dma_start3A_353 : memref<1x!tpu.dma_semaphore, #tpu.memory_space<semaphore_mem>> -> memref<!tpu.dma_semaphore, #tpu.memory_space<semaphore_mem>>
    %dma_start3A_355 = arith.constant 0 : i32
    %dma_start3A_356 = tpu.memref_slice %arg3[%add3A_296, %dma_start3A_355] : memref<16384x1024xf32, #tpu.memory_space<hbm>> -> memref<16x1024xf32, #tpu.memory_space<hbm>>
    %dma_start3A_357 = arith.constant 0 : i32
    %dma_start3A_358 = arith.constant 0 : i32
    %dma_start3A_359 = tpu.memref_slice %arg4[%dma_start3A_345, %dma_start3A_357, %dma_start3A_358] : memref<4x16x1024xf32, #tpu.memory_space<vmem>> -> memref<1x16x1024xf32, #tpu.memory_space<vmem>>
    %dma_start3A_360 = tpu.memref_squeeze %dma_start3A_359 : memref<1x16x1024xf32, #tpu.memory_space<vmem>> -> memref<16x1024xf32, #tpu.memory_space<vmem>>
    tpu.enqueue_dma source(%dma_start3A_360 : memref<16x1024xf32, #tpu.memory_space<vmem>>) target(%dma_start3A_356 : memref<16x1024xf32, #tpu.memory_space<hbm>>) target_semaphore(%dma_start3A_354 : memref<!tpu.dma_semaphore, #tpu.memory_space<semaphore_mem>>)
    %dma_wait3A_361 = arith.constant 3 : i32
    %dma_wait3A_362 = arith.constant 3 : i32
    %dma_wait3A_363 = arith.constant 0 : i32
    %dma_wait3A_364 = arith.constant 0 : i32
    %dma_wait3A_365 = tpu.memref_slice %arg4[%dma_wait3A_361, %dma_wait3A_363, %dma_wait3A_364] : memref<4x16x1024xf32, #tpu.memory_space<vmem>> -> memref<1x16x1024xf32, #tpu.memory_space<vmem>>
    %dma_wait3A_366 = tpu.memref_squeeze %dma_wait3A_365 : memref<1x16x1024xf32, #tpu.memory_space<vmem>> -> memref<16x1024xf32, #tpu.memory_space<vmem>>
    %dma_wait3A_367 = arith.constant 0 : i32
    %dma_wait3A_368 = tpu.memref_slice %arg2[%add3A_57, %dma_wait3A_367] : memref<8192x1024xf32, #tpu.memory_space<hbm>> -> memref<16x1024xf32, #tpu.memory_space<hbm>>
    %dma_wait3A_369 = tpu.memref_slice %arg5[%dma_wait3A_362] : memref<4x!tpu.dma_semaphore, #tpu.memory_space<semaphore_mem>> -> memref<1x!tpu.dma_semaphore, #tpu.memory_space<semaphore_mem>>
    %dma_wait3A_370 = tpu.memref_squeeze %dma_wait3A_369 : memref<1x!tpu.dma_semaphore, #tpu.memory_space<semaphore_mem>> -> memref<!tpu.dma_semaphore, #tpu.memory_space<semaphore_mem>>
    %dma_wait3A_371 = arith.constant 0 : i32
    %dma_wait3A_372 = arith.constant 0 : i32
    %dma_wait3A_373 = tpu.memref_slice %arg4[%dma_wait3A_361, %dma_wait3A_371, %dma_wait3A_372] : memref<4x16x1024xf32, #tpu.memory_space<vmem>> -> memref<1x16x1024xf32, #tpu.memory_space<vmem>>
    %dma_wait3A_374 = tpu.memref_squeeze %dma_wait3A_373 : memref<1x16x1024xf32, #tpu.memory_space<vmem>> -> memref<16x1024xf32, #tpu.memory_space<vmem>>
    %dma_wait3A_375 = arith.constant 0 : i32
    %dma_wait3A_376 = tpu.memref_slice %arg2[%add3A_57, %dma_wait3A_375] : memref<8192x1024xf32, #tpu.memory_space<hbm>> -> memref<16x1024xf32, #tpu.memory_space<hbm>>
    tpu.wait_dma2 semaphore(%dma_wait3A_370 : memref<!tpu.dma_semaphore, #tpu.memory_space<semaphore_mem>>) src(%dma_wait3A_376 : memref<16x1024xf32, #tpu.memory_space<hbm>>) dst(%dma_wait3A_374 : memref<16x1024xf32, #tpu.memory_space<vmem>>)
    %add3A_377 = arith.constant 0 : i32
    %add3A_378 = arith.addi %add3A_377, %mul3A_2 : i32
    %add3A_379 = arith.constant 48 : i32
    %add3A_380 = arith.addi %add3A_378, %add3A_379 : i32
    %add3A_381 = arith.constant 4096 : i32
    %add3A_382 = arith.addi %add3A_381, %mul3A_2 : i32
    %add3A_383 = arith.constant 48 : i32
    %add3A_384 = arith.addi %add3A_382, %add3A_383 : i32
    %add3A_385 = arith.constant 8192 : i32
    %add3A_386 = arith.addi %add3A_385, %mul3A_2 : i32
    %add3A_387 = arith.constant 48 : i32
    %add3A_388 = arith.addi %add3A_386, %add3A_387 : i32
    %add3A_389 = arith.constant 12288 : i32
    %add3A_390 = arith.addi %add3A_389, %mul3A_2 : i32
    %add3A_391 = arith.constant 48 : i32
    %add3A_392 = arith.addi %add3A_390, %add3A_391 : i32
    %dma_start3A_393 = arith.constant 3 : i32
    %dma_start3A_394 = arith.constant 3 : i32
    %dma_start3A_395 = arith.constant 0 : i32
    %dma_start3A_396 = arith.constant 0 : i32
    %dma_start3A_397 = tpu.memref_slice %arg4[%dma_start3A_393, %dma_start3A_395, %dma_start3A_396] : memref<4x16x1024xf32, #tpu.memory_space<vmem>> -> memref<1x16x1024xf32, #tpu.memory_space<vmem>>
    %dma_start3A_398 = tpu.memref_squeeze %dma_start3A_397 : memref<1x16x1024xf32, #tpu.memory_space<vmem>> -> memref<16x1024xf32, #tpu.memory_space<vmem>>
    %dma_start3A_399 = arith.constant 0 : i32
    %dma_start3A_400 = tpu.memref_slice %arg3[%add3A_380, %dma_start3A_399] : memref<16384x1024xf32, #tpu.memory_space<hbm>> -> memref<16x1024xf32, #tpu.memory_space<hbm>>
    %dma_start3A_401 = tpu.memref_slice %arg6[%dma_start3A_394] : memref<4x!tpu.dma_semaphore, #tpu.memory_space<semaphore_mem>> -> memref<1x!tpu.dma_semaphore, #tpu.memory_space<semaphore_mem>>
    %dma_start3A_402 = tpu.memref_squeeze %dma_start3A_401 : memref<1x!tpu.dma_semaphore, #tpu.memory_space<semaphore_mem>> -> memref<!tpu.dma_semaphore, #tpu.memory_space<semaphore_mem>>
    %dma_start3A_403 = arith.constant 0 : i32
    %dma_start3A_404 = tpu.memref_slice %arg3[%add3A_380, %dma_start3A_403] : memref<16384x1024xf32, #tpu.memory_space<hbm>> -> memref<16x1024xf32, #tpu.memory_space<hbm>>
    %dma_start3A_405 = arith.constant 0 : i32
    %dma_start3A_406 = arith.constant 0 : i32
    %dma_start3A_407 = tpu.memref_slice %arg4[%dma_start3A_393, %dma_start3A_405, %dma_start3A_406] : memref<4x16x1024xf32, #tpu.memory_space<vmem>> -> memref<1x16x1024xf32, #tpu.memory_space<vmem>>
    %dma_start3A_408 = tpu.memref_squeeze %dma_start3A_407 : memref<1x16x1024xf32, #tpu.memory_space<vmem>> -> memref<16x1024xf32, #tpu.memory_space<vmem>>
    tpu.enqueue_dma source(%dma_start3A_408 : memref<16x1024xf32, #tpu.memory_space<vmem>>) target(%dma_start3A_404 : memref<16x1024xf32, #tpu.memory_space<hbm>>) target_semaphore(%dma_start3A_402 : memref<!tpu.dma_semaphore, #tpu.memory_space<semaphore_mem>>)
    %dma_start3A_409 = arith.constant 3 : i32
    %dma_start3A_410 = arith.constant 3 : i32
    %dma_start3A_411 = arith.constant 0 : i32
    %dma_start3A_412 = arith.constant 0 : i32
    %dma_start3A_413 = tpu.memref_slice %arg4[%dma_start3A_409, %dma_start3A_411, %dma_start3A_412] : memref<4x16x1024xf32, #tpu.memory_space<vmem>> -> memref<1x16x1024xf32, #tpu.memory_space<vmem>>
    %dma_start3A_414 = tpu.memref_squeeze %dma_start3A_413 : memref<1x16x1024xf32, #tpu.memory_space<vmem>> -> memref<16x1024xf32, #tpu.memory_space<vmem>>
    %dma_start3A_415 = arith.constant 0 : i32
    %dma_start3A_416 = tpu.memref_slice %arg3[%add3A_384, %dma_start3A_415] : memref<16384x1024xf32, #tpu.memory_space<hbm>> -> memref<16x1024xf32, #tpu.memory_space<hbm>>
    %dma_start3A_417 = tpu.memref_slice %arg6[%dma_start3A_410] : memref<4x!tpu.dma_semaphore, #tpu.memory_space<semaphore_mem>> -> memref<1x!tpu.dma_semaphore, #tpu.memory_space<semaphore_mem>>
    %dma_start3A_418 = tpu.memref_squeeze %dma_start3A_417 : memref<1x!tpu.dma_semaphore, #tpu.memory_space<semaphore_mem>> -> memref<!tpu.dma_semaphore, #tpu.memory_space<semaphore_mem>>
    %dma_start3A_419 = arith.constant 0 : i32
    %dma_start3A_420 = tpu.memref_slice %arg3[%add3A_384, %dma_start3A_419] : memref<16384x1024xf32, #tpu.memory_space<hbm>> -> memref<16x1024xf32, #tpu.memory_space<hbm>>
    %dma_start3A_421 = arith.constant 0 : i32
    %dma_start3A_422 = arith.constant 0 : i32
    %dma_start3A_423 = tpu.memref_slice %arg4[%dma_start3A_409, %dma_start3A_421, %dma_start3A_422] : memref<4x16x1024xf32, #tpu.memory_space<vmem>> -> memref<1x16x1024xf32, #tpu.memory_space<vmem>>
    %dma_start3A_424 = tpu.memref_squeeze %dma_start3A_423 : memref<1x16x1024xf32, #tpu.memory_space<vmem>> -> memref<16x1024xf32, #tpu.memory_space<vmem>>
    tpu.enqueue_dma source(%dma_start3A_424 : memref<16x1024xf32, #tpu.memory_space<vmem>>) target(%dma_start3A_420 : memref<16x1024xf32, #tpu.memory_space<hbm>>) target_semaphore(%dma_start3A_418 : memref<!tpu.dma_semaphore, #tpu.memory_space<semaphore_mem>>)
    %dma_start3A_425 = arith.constant 3 : i32
    %dma_start3A_426 = arith.constant 3 : i32
    %dma_start3A_427 = arith.constant 0 : i32
    %dma_start3A_428 = arith.constant 0 : i32
    %dma_start3A_429 = tpu.memref_slice %arg4[%dma_start3A_425, %dma_start3A_427, %dma_start3A_428] : memref<4x16x1024xf32, #tpu.memory_space<vmem>> -> memref<1x16x1024xf32, #tpu.memory_space<vmem>>
    %dma_start3A_430 = tpu.memref_squeeze %dma_start3A_429 : memref<1x16x1024xf32, #tpu.memory_space<vmem>> -> memref<16x1024xf32, #tpu.memory_space<vmem>>
    %dma_start3A_431 = arith.constant 0 : i32
    %dma_start3A_432 = tpu.memref_slice %arg3[%add3A_388, %dma_start3A_431] : memref<16384x1024xf32, #tpu.memory_space<hbm>> -> memref<16x1024xf32, #tpu.memory_space<hbm>>
    %dma_start3A_433 = tpu.memref_slice %arg6[%dma_start3A_426] : memref<4x!tpu.dma_semaphore, #tpu.memory_space<semaphore_mem>> -> memref<1x!tpu.dma_semaphore, #tpu.memory_space<semaphore_mem>>
    %dma_start3A_434 = tpu.memref_squeeze %dma_start3A_433 : memref<1x!tpu.dma_semaphore, #tpu.memory_space<semaphore_mem>> -> memref<!tpu.dma_semaphore, #tpu.memory_space<semaphore_mem>>
    %dma_start3A_435 = arith.constant 0 : i32
    %dma_start3A_436 = tpu.memref_slice %arg3[%add3A_388, %dma_start3A_435] : memref<16384x1024xf32, #tpu.memory_space<hbm>> -> memref<16x1024xf32, #tpu.memory_space<hbm>>
    %dma_start3A_437 = arith.constant 0 : i32
    %dma_start3A_438 = arith.constant 0 : i32
    %dma_start3A_439 = tpu.memref_slice %arg4[%dma_start3A_425, %dma_start3A_437, %dma_start3A_438] : memref<4x16x1024xf32, #tpu.memory_space<vmem>> -> memref<1x16x1024xf32, #tpu.memory_space<vmem>>
    %dma_start3A_440 = tpu.memref_squeeze %dma_start3A_439 : memref<1x16x1024xf32, #tpu.memory_space<vmem>> -> memref<16x1024xf32, #tpu.memory_space<vmem>>
    tpu.enqueue_dma source(%dma_start3A_440 : memref<16x1024xf32, #tpu.memory_space<vmem>>) target(%dma_start3A_436 : memref<16x1024xf32, #tpu.memory_space<hbm>>) target_semaphore(%dma_start3A_434 : memref<!tpu.dma_semaphore, #tpu.memory_space<semaphore_mem>>)
    %dma_start3A_441 = arith.constant 3 : i32
    %dma_start3A_442 = arith.constant 3 : i32
    %dma_start3A_443 = arith.constant 0 : i32
    %dma_start3A_444 = arith.constant 0 : i32
    %dma_start3A_445 = tpu.memref_slice %arg4[%dma_start3A_441, %dma_start3A_443, %dma_start3A_444] : memref<4x16x1024xf32, #tpu.memory_space<vmem>> -> memref<1x16x1024xf32, #tpu.memory_space<vmem>>
    %dma_start3A_446 = tpu.memref_squeeze %dma_start3A_445 : memref<1x16x1024xf32, #tpu.memory_space<vmem>> -> memref<16x1024xf32, #tpu.memory_space<vmem>>
    %dma_start3A_447 = arith.constant 0 : i32
    %dma_start3A_448 = tpu.memref_slice %arg3[%add3A_392, %dma_start3A_447] : memref<16384x1024xf32, #tpu.memory_space<hbm>> -> memref<16x1024xf32, #tpu.memory_space<hbm>>
    %dma_start3A_449 = tpu.memref_slice %arg6[%dma_start3A_442] : memref<4x!tpu.dma_semaphore, #tpu.memory_space<semaphore_mem>> -> memref<1x!tpu.dma_semaphore, #tpu.memory_space<semaphore_mem>>
    %dma_start3A_450 = tpu.memref_squeeze %dma_start3A_449 : memref<1x!tpu.dma_semaphore, #tpu.memory_space<semaphore_mem>> -> memref<!tpu.dma_semaphore, #tpu.memory_space<semaphore_mem>>
    %dma_start3A_451 = arith.constant 0 : i32
    %dma_start3A_452 = tpu.memref_slice %arg3[%add3A_392, %dma_start3A_451] : memref<16384x1024xf32, #tpu.memory_space<hbm>> -> memref<16x1024xf32, #tpu.memory_space<hbm>>
    %dma_start3A_453 = arith.constant 0 : i32
    %dma_start3A_454 = arith.constant 0 : i32
    %dma_start3A_455 = tpu.memref_slice %arg4[%dma_start3A_441, %dma_start3A_453, %dma_start3A_454] : memref<4x16x1024xf32, #tpu.memory_space<vmem>> -> memref<1x16x1024xf32, #tpu.memory_space<vmem>>
    %dma_start3A_456 = tpu.memref_squeeze %dma_start3A_455 : memref<1x16x1024xf32, #tpu.memory_space<vmem>> -> memref<16x1024xf32, #tpu.memory_space<vmem>>
    tpu.enqueue_dma source(%dma_start3A_456 : memref<16x1024xf32, #tpu.memory_space<vmem>>) target(%dma_start3A_452 : memref<16x1024xf32, #tpu.memory_space<hbm>>) target_semaphore(%dma_start3A_450 : memref<!tpu.dma_semaphore, #tpu.memory_space<semaphore_mem>>)
    %dma_wait3A_457 = arith.constant 0 : i32
    %dma_wait3A_458 = arith.constant 0 : i32
    %dma_wait3A_459 = arith.constant 0 : i32
    %dma_wait3A_460 = arith.constant 0 : i32
    %dma_wait3A_461 = tpu.memref_slice %arg4[%dma_wait3A_457, %dma_wait3A_459, %dma_wait3A_460] : memref<4x16x1024xf32, #tpu.memory_space<vmem>> -> memref<1x16x1024xf32, #tpu.memory_space<vmem>>
    %dma_wait3A_462 = tpu.memref_squeeze %dma_wait3A_461 : memref<1x16x1024xf32, #tpu.memory_space<vmem>> -> memref<16x1024xf32, #tpu.memory_space<vmem>>
    %dma_wait3A_463 = arith.constant 0 : i32
    %dma_wait3A_464 = tpu.memref_slice %arg3[%add3A_92, %dma_wait3A_463] : memref<16384x1024xf32, #tpu.memory_space<hbm>> -> memref<16x1024xf32, #tpu.memory_space<hbm>>
    %dma_wait3A_465 = tpu.memref_slice %arg6[%dma_wait3A_458] : memref<4x!tpu.dma_semaphore, #tpu.memory_space<semaphore_mem>> -> memref<1x!tpu.dma_semaphore, #tpu.memory_space<semaphore_mem>>
    %dma_wait3A_466 = tpu.memref_squeeze %dma_wait3A_465 : memref<1x!tpu.dma_semaphore, #tpu.memory_space<semaphore_mem>> -> memref<!tpu.dma_semaphore, #tpu.memory_space<semaphore_mem>>
    %dma_wait3A_467 = arith.constant 0 : i32
    %dma_wait3A_468 = tpu.memref_slice %arg3[%add3A_92, %dma_wait3A_467] : memref<16384x1024xf32, #tpu.memory_space<hbm>> -> memref<16x1024xf32, #tpu.memory_space<hbm>>
    %dma_wait3A_469 = arith.constant 0 : i32
    %dma_wait3A_470 = arith.constant 0 : i32
    %dma_wait3A_471 = tpu.memref_slice %arg4[%dma_wait3A_457, %dma_wait3A_469, %dma_wait3A_470] : memref<4x16x1024xf32, #tpu.memory_space<vmem>> -> memref<1x16x1024xf32, #tpu.memory_space<vmem>>
    %dma_wait3A_472 = tpu.memref_squeeze %dma_wait3A_471 : memref<1x16x1024xf32, #tpu.memory_space<vmem>> -> memref<16x1024xf32, #tpu.memory_space<vmem>>
    tpu.wait_dma2 semaphore(%dma_wait3A_466 : memref<!tpu.dma_semaphore, #tpu.memory_space<semaphore_mem>>) src(%dma_wait3A_472 : memref<16x1024xf32, #tpu.memory_space<vmem>>) dst(%dma_wait3A_468 : memref<16x1024xf32, #tpu.memory_space<hbm>>)
    %dma_wait3A_473 = arith.constant 0 : i32
    %dma_wait3A_474 = arith.constant 0 : i32
    %dma_wait3A_475 = arith.constant 0 : i32
    %dma_wait3A_476 = arith.constant 0 : i32
    %dma_wait3A_477 = tpu.memref_slice %arg4[%dma_wait3A_473, %dma_wait3A_475, %dma_wait3A_476] : memref<4x16x1024xf32, #tpu.memory_space<vmem>> -> memref<1x16x1024xf32, #tpu.memory_space<vmem>>
    %dma_wait3A_478 = tpu.memref_squeeze %dma_wait3A_477 : memref<1x16x1024xf32, #tpu.memory_space<vmem>> -> memref<16x1024xf32, #tpu.memory_space<vmem>>
    %dma_wait3A_479 = arith.constant 0 : i32
    %dma_wait3A_480 = tpu.memref_slice %arg3[%add3A_96, %dma_wait3A_479] : memref<16384x1024xf32, #tpu.memory_space<hbm>> -> memref<16x1024xf32, #tpu.memory_space<hbm>>
    %dma_wait3A_481 = tpu.memref_slice %arg6[%dma_wait3A_474] : memref<4x!tpu.dma_semaphore, #tpu.memory_space<semaphore_mem>> -> memref<1x!tpu.dma_semaphore, #tpu.memory_space<semaphore_mem>>
    %dma_wait3A_482 = tpu.memref_squeeze %dma_wait3A_481 : memref<1x!tpu.dma_semaphore, #tpu.memory_space<semaphore_mem>> -> memref<!tpu.dma_semaphore, #tpu.memory_space<semaphore_mem>>
    %dma_wait3A_483 = arith.constant 0 : i32
    %dma_wait3A_484 = tpu.memref_slice %arg3[%add3A_96, %dma_wait3A_483] : memref<16384x1024xf32, #tpu.memory_space<hbm>> -> memref<16x1024xf32, #tpu.memory_space<hbm>>
    %dma_wait3A_485 = arith.constant 0 : i32
    %dma_wait3A_486 = arith.constant 0 : i32
    %dma_wait3A_487 = tpu.memref_slice %arg4[%dma_wait3A_473, %dma_wait3A_485, %dma_wait3A_486] : memref<4x16x1024xf32, #tpu.memory_space<vmem>> -> memref<1x16x1024xf32, #tpu.memory_space<vmem>>
    %dma_wait3A_488 = tpu.memref_squeeze %dma_wait3A_487 : memref<1x16x1024xf32, #tpu.memory_space<vmem>> -> memref<16x1024xf32, #tpu.memory_space<vmem>>
    tpu.wait_dma2 semaphore(%dma_wait3A_482 : memref<!tpu.dma_semaphore, #tpu.memory_space<semaphore_mem>>) src(%dma_wait3A_488 : memref<16x1024xf32, #tpu.memory_space<vmem>>) dst(%dma_wait3A_484 : memref<16x1024xf32, #tpu.memory_space<hbm>>)
    %dma_wait3A_489 = arith.constant 0 : i32
    %dma_wait3A_490 = arith.constant 0 : i32
    %dma_wait3A_491 = arith.constant 0 : i32
    %dma_wait3A_492 = arith.constant 0 : i32
    %dma_wait3A_493 = tpu.memref_slice %arg4[%dma_wait3A_489, %dma_wait3A_491, %dma_wait3A_492] : memref<4x16x1024xf32, #tpu.memory_space<vmem>> -> memref<1x16x1024xf32, #tpu.memory_space<vmem>>
    %dma_wait3A_494 = tpu.memref_squeeze %dma_wait3A_493 : memref<1x16x1024xf32, #tpu.memory_space<vmem>> -> memref<16x1024xf32, #tpu.memory_space<vmem>>
    %dma_wait3A_495 = arith.constant 0 : i32
    %dma_wait3A_496 = tpu.memref_slice %arg3[%add3A_100, %dma_wait3A_495] : memref<16384x1024xf32, #tpu.memory_space<hbm>> -> memref<16x1024xf32, #tpu.memory_space<hbm>>
    %dma_wait3A_497 = tpu.memref_slice %arg6[%dma_wait3A_490] : memref<4x!tpu.dma_semaphore, #tpu.memory_space<semaphore_mem>> -> memref<1x!tpu.dma_semaphore, #tpu.memory_space<semaphore_mem>>
    %dma_wait3A_498 = tpu.memref_squeeze %dma_wait3A_497 : memref<1x!tpu.dma_semaphore, #tpu.memory_space<semaphore_mem>> -> memref<!tpu.dma_semaphore, #tpu.memory_space<semaphore_mem>>
    %dma_wait3A_499 = arith.constant 0 : i32
    %dma_wait3A_500 = tpu.memref_slice %arg3[%add3A_100, %dma_wait3A_499] : memref<16384x1024xf32, #tpu.memory_space<hbm>> -> memref<16x1024xf32, #tpu.memory_space<hbm>>
    %dma_wait3A_501 = arith.constant 0 : i32
    %dma_wait3A_502 = arith.constant 0 : i32
    %dma_wait3A_503 = tpu.memref_slice %arg4[%dma_wait3A_489, %dma_wait3A_501, %dma_wait3A_502] : memref<4x16x1024xf32, #tpu.memory_space<vmem>> -> memref<1x16x1024xf32, #tpu.memory_space<vmem>>
    %dma_wait3A_504 = tpu.memref_squeeze %dma_wait3A_503 : memref<1x16x1024xf32, #tpu.memory_space<vmem>> -> memref<16x1024xf32, #tpu.memory_space<vmem>>
    tpu.wait_dma2 semaphore(%dma_wait3A_498 : memref<!tpu.dma_semaphore, #tpu.memory_space<semaphore_mem>>) src(%dma_wait3A_504 : memref<16x1024xf32, #tpu.memory_space<vmem>>) dst(%dma_wait3A_500 : memref<16x1024xf32, #tpu.memory_space<hbm>>)
    %dma_wait3A_505 = arith.constant 0 : i32
    %dma_wait3A_506 = arith.constant 0 : i32
    %dma_wait3A_507 = arith.constant 0 : i32
    %dma_wait3A_508 = arith.constant 0 : i32
    %dma_wait3A_509 = tpu.memref_slice %arg4[%dma_wait3A_505, %dma_wait3A_507, %dma_wait3A_508] : memref<4x16x1024xf32, #tpu.memory_space<vmem>> -> memref<1x16x1024xf32, #tpu.memory_space<vmem>>
    %dma_wait3A_510 = tpu.memref_squeeze %dma_wait3A_509 : memref<1x16x1024xf32, #tpu.memory_space<vmem>> -> memref<16x1024xf32, #tpu.memory_space<vmem>>
    %dma_wait3A_511 = arith.constant 0 : i32
    %dma_wait3A_512 = tpu.memref_slice %arg3[%add3A_104, %dma_wait3A_511] : memref<16384x1024xf32, #tpu.memory_space<hbm>> -> memref<16x1024xf32, #tpu.memory_space<hbm>>
    %dma_wait3A_513 = tpu.memref_slice %arg6[%dma_wait3A_506] : memref<4x!tpu.dma_semaphore, #tpu.memory_space<semaphore_mem>> -> memref<1x!tpu.dma_semaphore, #tpu.memory_space<semaphore_mem>>
    %dma_wait3A_514 = tpu.memref_squeeze %dma_wait3A_513 : memref<1x!tpu.dma_semaphore, #tpu.memory_space<semaphore_mem>> -> memref<!tpu.dma_semaphore, #tpu.memory_space<semaphore_mem>>
    %dma_wait3A_515 = arith.constant 0 : i32
    %dma_wait3A_516 = tpu.memref_slice %arg3[%add3A_104, %dma_wait3A_515] : memref<16384x1024xf32, #tpu.memory_space<hbm>> -> memref<16x1024xf32, #tpu.memory_space<hbm>>
    %dma_wait3A_517 = arith.constant 0 : i32
    %dma_wait3A_518 = arith.constant 0 : i32
    %dma_wait3A_519 = tpu.memref_slice %arg4[%dma_wait3A_505, %dma_wait3A_517, %dma_wait3A_518] : memref<4x16x1024xf32, #tpu.memory_space<vmem>> -> memref<1x16x1024xf32, #tpu.memory_space<vmem>>
    %dma_wait3A_520 = tpu.memref_squeeze %dma_wait3A_519 : memref<1x16x1024xf32, #tpu.memory_space<vmem>> -> memref<16x1024xf32, #tpu.memory_space<vmem>>
    tpu.wait_dma2 semaphore(%dma_wait3A_514 : memref<!tpu.dma_semaphore, #tpu.memory_space<semaphore_mem>>) src(%dma_wait3A_520 : memref<16x1024xf32, #tpu.memory_space<vmem>>) dst(%dma_wait3A_516 : memref<16x1024xf32, #tpu.memory_space<hbm>>)
    %add3A_521 = arith.constant 64 : i32
    %add3A_522 = arith.addi %mul3A_2, %add3A_521 : i32
    %dma_start3A_523 = arith.constant 0 : i32
    %dma_start3A_524 = arith.constant 0 : i32
    %dma_start3A_525 = arith.constant 0 : i32
    %dma_start3A_526 = arith.constant 0 : i32
    %dma_start3A_527 = tpu.memref_slice %arg4[%dma_start3A_523, %dma_start3A_525, %dma_start3A_526] : memref<4x16x1024xf32, #tpu.memory_space<vmem>> -> memref<1x16x1024xf32, #tpu.memory_space<vmem>>
    %dma_start3A_528 = tpu.memref_squeeze %dma_start3A_527 : memref<1x16x1024xf32, #tpu.memory_space<vmem>> -> memref<16x1024xf32, #tpu.memory_space<vmem>>
    %dma_start3A_529 = arith.constant 0 : i32
    %dma_start3A_530 = tpu.memref_slice %arg2[%add3A_522, %dma_start3A_529] : memref<8192x1024xf32, #tpu.memory_space<hbm>> -> memref<16x1024xf32, #tpu.memory_space<hbm>>
    %dma_start3A_531 = tpu.memref_slice %arg5[%dma_start3A_524] : memref<4x!tpu.dma_semaphore, #tpu.memory_space<semaphore_mem>> -> memref<1x!tpu.dma_semaphore, #tpu.memory_space<semaphore_mem>>
    %dma_start3A_532 = tpu.memref_squeeze %dma_start3A_531 : memref<1x!tpu.dma_semaphore, #tpu.memory_space<semaphore_mem>> -> memref<!tpu.dma_semaphore, #tpu.memory_space<semaphore_mem>>
    %dma_start3A_533 = arith.constant 0 : i32
    %dma_start3A_534 = arith.constant 0 : i32
    %dma_start3A_535 = tpu.memref_slice %arg4[%dma_start3A_523, %dma_start3A_533, %dma_start3A_534] : memref<4x16x1024xf32, #tpu.memory_space<vmem>> -> memref<1x16x1024xf32, #tpu.memory_space<vmem>>
    %dma_start3A_536 = tpu.memref_squeeze %dma_start3A_535 : memref<1x16x1024xf32, #tpu.memory_space<vmem>> -> memref<16x1024xf32, #tpu.memory_space<vmem>>
    %dma_start3A_537 = arith.constant 0 : i32
    %dma_start3A_538 = tpu.memref_slice %arg2[%add3A_522, %dma_start3A_537] : memref<8192x1024xf32, #tpu.memory_space<hbm>> -> memref<16x1024xf32, #tpu.memory_space<hbm>>
    tpu.enqueue_dma source(%dma_start3A_538 : memref<16x1024xf32, #tpu.memory_space<hbm>>) target(%dma_start3A_536 : memref<16x1024xf32, #tpu.memory_space<vmem>>) target_semaphore(%dma_start3A_532 : memref<!tpu.dma_semaphore, #tpu.memory_space<semaphore_mem>>)
    %dma_wait3A_539 = arith.constant 0 : i32
    %dma_wait3A_540 = arith.constant 0 : i32
    %dma_wait3A_541 = arith.constant 0 : i32
    %dma_wait3A_542 = arith.constant 0 : i32
    %dma_wait3A_543 = tpu.memref_slice %arg4[%dma_wait3A_539, %dma_wait3A_541, %dma_wait3A_542] : memref<4x16x1024xf32, #tpu.memory_space<vmem>> -> memref<1x16x1024xf32, #tpu.memory_space<vmem>>
    %dma_wait3A_544 = tpu.memref_squeeze %dma_wait3A_543 : memref<1x16x1024xf32, #tpu.memory_space<vmem>> -> memref<16x1024xf32, #tpu.memory_space<vmem>>
    %dma_wait3A_545 = arith.constant 0 : i32
    %dma_wait3A_546 = tpu.memref_slice %arg2[%add3A_522, %dma_wait3A_545] : memref<8192x1024xf32, #tpu.memory_space<hbm>> -> memref<16x1024xf32, #tpu.memory_space<hbm>>
    %dma_wait3A_547 = tpu.memref_slice %arg5[%dma_wait3A_540] : memref<4x!tpu.dma_semaphore, #tpu.memory_space<semaphore_mem>> -> memref<1x!tpu.dma_semaphore, #tpu.memory_space<semaphore_mem>>
    %dma_wait3A_548 = tpu.memref_squeeze %dma_wait3A_547 : memref<1x!tpu.dma_semaphore, #tpu.memory_space<semaphore_mem>> -> memref<!tpu.dma_semaphore, #tpu.memory_space<semaphore_mem>>
    %dma_wait3A_549 = arith.constant 0 : i32
    %dma_wait3A_550 = arith.constant 0 : i32
    %dma_wait3A_551 = tpu.memref_slice %arg4[%dma_wait3A_539, %dma_wait3A_549, %dma_wait3A_550] : memref<4x16x1024xf32, #tpu.memory_space<vmem>> -> memref<1x16x1024xf32, #tpu.memory_space<vmem>>
    %dma_wait3A_552 = tpu.memref_squeeze %dma_wait3A_551 : memref<1x16x1024xf32, #tpu.memory_space<vmem>> -> memref<16x1024xf32, #tpu.memory_space<vmem>>
    %dma_wait3A_553 = arith.constant 0 : i32
    %dma_wait3A_554 = tpu.memref_slice %arg2[%add3A_522, %dma_wait3A_553] : memref<8192x1024xf32, #tpu.memory_space<hbm>> -> memref<16x1024xf32, #tpu.memory_space<hbm>>
    tpu.wait_dma2 semaphore(%dma_wait3A_548 : memref<!tpu.dma_semaphore, #tpu.memory_space<semaphore_mem>>) src(%dma_wait3A_554 : memref<16x1024xf32, #tpu.memory_space<hbm>>) dst(%dma_wait3A_552 : memref<16x1024xf32, #tpu.memory_space<vmem>>)
    %add3A_555 = arith.constant 0 : i32
    %add3A_556 = arith.addi %add3A_555, %mul3A_2 : i32
    %add3A_557 = arith.constant 64 : i32
    %add3A_558 = arith.addi %add3A_556, %add3A_557 : i32
    %add3A_559 = arith.constant 4096 : i32
    %add3A_560 = arith.addi %add3A_559, %mul3A_2 : i32
    %add3A_561 = arith.constant 64 : i32
    %add3A_562 = arith.addi %add3A_560, %add3A_561 : i32
    %add3A_563 = arith.constant 8192 : i32
    %add3A_564 = arith.addi %add3A_563, %mul3A_2 : i32
    %add3A_565 = arith.constant 64 : i32
    %add3A_566 = arith.addi %add3A_564, %add3A_565 : i32
    %add3A_567 = arith.constant 12288 : i32
    %add3A_568 = arith.addi %add3A_567, %mul3A_2 : i32
    %add3A_569 = arith.constant 64 : i32
    %add3A_570 = arith.addi %add3A_568, %add3A_569 : i32
    %dma_start3A_571 = arith.constant 0 : i32
    %dma_start3A_572 = arith.constant 0 : i32
    %dma_start3A_573 = arith.constant 0 : i32
    %dma_start3A_574 = arith.constant 0 : i32
    %dma_start3A_575 = tpu.memref_slice %arg4[%dma_start3A_571, %dma_start3A_573, %dma_start3A_574] : memref<4x16x1024xf32, #tpu.memory_space<vmem>> -> memref<1x16x1024xf32, #tpu.memory_space<vmem>>
    %dma_start3A_576 = tpu.memref_squeeze %dma_start3A_575 : memref<1x16x1024xf32, #tpu.memory_space<vmem>> -> memref<16x1024xf32, #tpu.memory_space<vmem>>
    %dma_start3A_577 = arith.constant 0 : i32
    %dma_start3A_578 = tpu.memref_slice %arg3[%add3A_558, %dma_start3A_577] : memref<16384x1024xf32, #tpu.memory_space<hbm>> -> memref<16x1024xf32, #tpu.memory_space<hbm>>
    %dma_start3A_579 = tpu.memref_slice %arg6[%dma_start3A_572] : memref<4x!tpu.dma_semaphore, #tpu.memory_space<semaphore_mem>> -> memref<1x!tpu.dma_semaphore, #tpu.memory_space<semaphore_mem>>
    %dma_start3A_580 = tpu.memref_squeeze %dma_start3A_579 : memref<1x!tpu.dma_semaphore, #tpu.memory_space<semaphore_mem>> -> memref<!tpu.dma_semaphore, #tpu.memory_space<semaphore_mem>>
    %dma_start3A_581 = arith.constant 0 : i32
    %dma_start3A_582 = tpu.memref_slice %arg3[%add3A_558, %dma_start3A_581] : memref<16384x1024xf32, #tpu.memory_space<hbm>> -> memref<16x1024xf32, #tpu.memory_space<hbm>>
    %dma_start3A_583 = arith.constant 0 : i32
    %dma_start3A_584 = arith.constant 0 : i32
    %dma_start3A_585 = tpu.memref_slice %arg4[%dma_start3A_571, %dma_start3A_583, %dma_start3A_584] : memref<4x16x1024xf32, #tpu.memory_space<vmem>> -> memref<1x16x1024xf32, #tpu.memory_space<vmem>>
    %dma_start3A_586 = tpu.memref_squeeze %dma_start3A_585 : memref<1x16x1024xf32, #tpu.memory_space<vmem>> -> memref<16x1024xf32, #tpu.memory_space<vmem>>
    tpu.enqueue_dma source(%dma_start3A_586 : memref<16x1024xf32, #tpu.memory_space<vmem>>) target(%dma_start3A_582 : memref<16x1024xf32, #tpu.memory_space<hbm>>) target_semaphore(%dma_start3A_580 : memref<!tpu.dma_semaphore, #tpu.memory_space<semaphore_mem>>)
    %dma_start3A_587 = arith.constant 0 : i32
    %dma_start3A_588 = arith.constant 0 : i32
    %dma_start3A_589 = arith.constant 0 : i32
    %dma_start3A_590 = arith.constant 0 : i32
    %dma_start3A_591 = tpu.memref_slice %arg4[%dma_start3A_587, %dma_start3A_589, %dma_start3A_590] : memref<4x16x1024xf32, #tpu.memory_space<vmem>> -> memref<1x16x1024xf32, #tpu.memory_space<vmem>>
    %dma_start3A_592 = tpu.memref_squeeze %dma_start3A_591 : memref<1x16x1024xf32, #tpu.memory_space<vmem>> -> memref<16x1024xf32, #tpu.memory_space<vmem>>
    %dma_start3A_593 = arith.constant 0 : i32
    %dma_start3A_594 = tpu.memref_slice %arg3[%add3A_562, %dma_start3A_593] : memref<16384x1024xf32, #tpu.memory_space<hbm>> -> memref<16x1024xf32, #tpu.memory_space<hbm>>
    %dma_start3A_595 = tpu.memref_slice %arg6[%dma_start3A_588] : memref<4x!tpu.dma_semaphore, #tpu.memory_space<semaphore_mem>> -> memref<1x!tpu.dma_semaphore, #tpu.memory_space<semaphore_mem>>
    %dma_start3A_596 = tpu.memref_squeeze %dma_start3A_595 : memref<1x!tpu.dma_semaphore, #tpu.memory_space<semaphore_mem>> -> memref<!tpu.dma_semaphore, #tpu.memory_space<semaphore_mem>>
    %dma_start3A_597 = arith.constant 0 : i32
    %dma_start3A_598 = tpu.memref_slice %arg3[%add3A_562, %dma_start3A_597] : memref<16384x1024xf32, #tpu.memory_space<hbm>> -> memref<16x1024xf32, #tpu.memory_space<hbm>>
    %dma_start3A_599 = arith.constant 0 : i32
    %dma_start3A_600 = arith.constant 0 : i32
    %dma_start3A_601 = tpu.memref_slice %arg4[%dma_start3A_587, %dma_start3A_599, %dma_start3A_600] : memref<4x16x1024xf32, #tpu.memory_space<vmem>> -> memref<1x16x1024xf32, #tpu.memory_space<vmem>>
    %dma_start3A_602 = tpu.memref_squeeze %dma_start3A_601 : memref<1x16x1024xf32, #tpu.memory_space<vmem>> -> memref<16x1024xf32, #tpu.memory_space<vmem>>
    tpu.enqueue_dma source(%dma_start3A_602 : memref<16x1024xf32, #tpu.memory_space<vmem>>) target(%dma_start3A_598 : memref<16x1024xf32, #tpu.memory_space<hbm>>) target_semaphore(%dma_start3A_596 : memref<!tpu.dma_semaphore, #tpu.memory_space<semaphore_mem>>)
    %dma_start3A_603 = arith.constant 0 : i32
    %dma_start3A_604 = arith.constant 0 : i32
    %dma_start3A_605 = arith.constant 0 : i32
    %dma_start3A_606 = arith.constant 0 : i32
    %dma_start3A_607 = tpu.memref_slice %arg4[%dma_start3A_603, %dma_start3A_605, %dma_start3A_606] : memref<4x16x1024xf32, #tpu.memory_space<vmem>> -> memref<1x16x1024xf32, #tpu.memory_space<vmem>>
    %dma_start3A_608 = tpu.memref_squeeze %dma_start3A_607 : memref<1x16x1024xf32, #tpu.memory_space<vmem>> -> memref<16x1024xf32, #tpu.memory_space<vmem>>
    %dma_start3A_609 = arith.constant 0 : i32
    %dma_start3A_610 = tpu.memref_slice %arg3[%add3A_566, %dma_start3A_609] : memref<16384x1024xf32, #tpu.memory_space<hbm>> -> memref<16x1024xf32, #tpu.memory_space<hbm>>
    %dma_start3A_611 = tpu.memref_slice %arg6[%dma_start3A_604] : memref<4x!tpu.dma_semaphore, #tpu.memory_space<semaphore_mem>> -> memref<1x!tpu.dma_semaphore, #tpu.memory_space<semaphore_mem>>
    %dma_start3A_612 = tpu.memref_squeeze %dma_start3A_611 : memref<1x!tpu.dma_semaphore, #tpu.memory_space<semaphore_mem>> -> memref<!tpu.dma_semaphore, #tpu.memory_space<semaphore_mem>>
    %dma_start3A_613 = arith.constant 0 : i32
    %dma_start3A_614 = tpu.memref_slice %arg3[%add3A_566, %dma_start3A_613] : memref<16384x1024xf32, #tpu.memory_space<hbm>> -> memref<16x1024xf32, #tpu.memory_space<hbm>>
    %dma_start3A_615 = arith.constant 0 : i32
    %dma_start3A_616 = arith.constant 0 : i32
    %dma_start3A_617 = tpu.memref_slice %arg4[%dma_start3A_603, %dma_start3A_615, %dma_start3A_616] : memref<4x16x1024xf32, #tpu.memory_space<vmem>> -> memref<1x16x1024xf32, #tpu.memory_space<vmem>>
    %dma_start3A_618 = tpu.memref_squeeze %dma_start3A_617 : memref<1x16x1024xf32, #tpu.memory_space<vmem>> -> memref<16x1024xf32, #tpu.memory_space<vmem>>
    tpu.enqueue_dma source(%dma_start3A_618 : memref<16x1024xf32, #tpu.memory_space<vmem>>) target(%dma_start3A_614 : memref<16x1024xf32, #tpu.memory_space<hbm>>) target_semaphore(%dma_start3A_612 : memref<!tpu.dma_semaphore, #tpu.memory_space<semaphore_mem>>)
    %dma_start3A_619 = arith.constant 0 : i32
    %dma_start3A_620 = arith.constant 0 : i32
    %dma_start3A_621 = arith.constant 0 : i32
    %dma_start3A_622 = arith.constant 0 : i32
    %dma_start3A_623 = tpu.memref_slice %arg4[%dma_start3A_619, %dma_start3A_621, %dma_start3A_622] : memref<4x16x1024xf32, #tpu.memory_space<vmem>> -> memref<1x16x1024xf32, #tpu.memory_space<vmem>>
    %dma_start3A_624 = tpu.memref_squeeze %dma_start3A_623 : memref<1x16x1024xf32, #tpu.memory_space<vmem>> -> memref<16x1024xf32, #tpu.memory_space<vmem>>
    %dma_start3A_625 = arith.constant 0 : i32
    %dma_start3A_626 = tpu.memref_slice %arg3[%add3A_570, %dma_start3A_625] : memref<16384x1024xf32, #tpu.memory_space<hbm>> -> memref<16x1024xf32, #tpu.memory_space<hbm>>
    %dma_start3A_627 = tpu.memref_slice %arg6[%dma_start3A_620] : memref<4x!tpu.dma_semaphore, #tpu.memory_space<semaphore_mem>> -> memref<1x!tpu.dma_semaphore, #tpu.memory_space<semaphore_mem>>
    %dma_start3A_628 = tpu.memref_squeeze %dma_start3A_627 : memref<1x!tpu.dma_semaphore, #tpu.memory_space<semaphore_mem>> -> memref<!tpu.dma_semaphore, #tpu.memory_space<semaphore_mem>>
    %dma_start3A_629 = arith.constant 0 : i32
    %dma_start3A_630 = tpu.memref_slice %arg3[%add3A_570, %dma_start3A_629] : memref<16384x1024xf32, #tpu.memory_space<hbm>> -> memref<16x1024xf32, #tpu.memory_space<hbm>>
    %dma_start3A_631 = arith.constant 0 : i32
    %dma_start3A_632 = arith.constant 0 : i32
    %dma_start3A_633 = tpu.memref_slice %arg4[%dma_start3A_619, %dma_start3A_631, %dma_start3A_632] : memref<4x16x1024xf32, #tpu.memory_space<vmem>> -> memref<1x16x1024xf32, #tpu.memory_space<vmem>>
    %dma_start3A_634 = tpu.memref_squeeze %dma_start3A_633 : memref<1x16x1024xf32, #tpu.memory_space<vmem>> -> memref<16x1024xf32, #tpu.memory_space<vmem>>
    tpu.enqueue_dma source(%dma_start3A_634 : memref<16x1024xf32, #tpu.memory_space<vmem>>) target(%dma_start3A_630 : memref<16x1024xf32, #tpu.memory_space<hbm>>) target_semaphore(%dma_start3A_628 : memref<!tpu.dma_semaphore, #tpu.memory_space<semaphore_mem>>)
    %dma_wait3A_635 = arith.constant 1 : i32
    %dma_wait3A_636 = arith.constant 1 : i32
    %dma_wait3A_637 = arith.constant 0 : i32
    %dma_wait3A_638 = arith.constant 0 : i32
    %dma_wait3A_639 = tpu.memref_slice %arg4[%dma_wait3A_635, %dma_wait3A_637, %dma_wait3A_638] : memref<4x16x1024xf32, #tpu.memory_space<vmem>> -> memref<1x16x1024xf32, #tpu.memory_space<vmem>>
    %dma_wait3A_640 = tpu.memref_squeeze %dma_wait3A_639 : memref<1x16x1024xf32, #tpu.memory_space<vmem>> -> memref<16x1024xf32, #tpu.memory_space<vmem>>
    %dma_wait3A_641 = arith.constant 0 : i32
    %dma_wait3A_642 = tpu.memref_slice %arg3[%add3A_188, %dma_wait3A_641] : memref<16384x1024xf32, #tpu.memory_space<hbm>> -> memref<16x1024xf32, #tpu.memory_space<hbm>>
    %dma_wait3A_643 = tpu.memref_slice %arg6[%dma_wait3A_636] : memref<4x!tpu.dma_semaphore, #tpu.memory_space<semaphore_mem>> -> memref<1x!tpu.dma_semaphore, #tpu.memory_space<semaphore_mem>>
    %dma_wait3A_644 = tpu.memref_squeeze %dma_wait3A_643 : memref<1x!tpu.dma_semaphore, #tpu.memory_space<semaphore_mem>> -> memref<!tpu.dma_semaphore, #tpu.memory_space<semaphore_mem>>
    %dma_wait3A_645 = arith.constant 0 : i32
    %dma_wait3A_646 = tpu.memref_slice %arg3[%add3A_188, %dma_wait3A_645] : memref<16384x1024xf32, #tpu.memory_space<hbm>> -> memref<16x1024xf32, #tpu.memory_space<hbm>>
    %dma_wait3A_647 = arith.constant 0 : i32
    %dma_wait3A_648 = arith.constant 0 : i32
    %dma_wait3A_649 = tpu.memref_slice %arg4[%dma_wait3A_635, %dma_wait3A_647, %dma_wait3A_648] : memref<4x16x1024xf32, #tpu.memory_space<vmem>> -> memref<1x16x1024xf32, #tpu.memory_space<vmem>>
    %dma_wait3A_650 = tpu.memref_squeeze %dma_wait3A_649 : memref<1x16x1024xf32, #tpu.memory_space<vmem>> -> memref<16x1024xf32, #tpu.memory_space<vmem>>
    tpu.wait_dma2 semaphore(%dma_wait3A_644 : memref<!tpu.dma_semaphore, #tpu.memory_space<semaphore_mem>>) src(%dma_wait3A_650 : memref<16x1024xf32, #tpu.memory_space<vmem>>) dst(%dma_wait3A_646 : memref<16x1024xf32, #tpu.memory_space<hbm>>)
    %dma_wait3A_651 = arith.constant 1 : i32
    %dma_wait3A_652 = arith.constant 1 : i32
    %dma_wait3A_653 = arith.constant 0 : i32
    %dma_wait3A_654 = arith.constant 0 : i32
    %dma_wait3A_655 = tpu.memref_slice %arg4[%dma_wait3A_651, %dma_wait3A_653, %dma_wait3A_654] : memref<4x16x1024xf32, #tpu.memory_space<vmem>> -> memref<1x16x1024xf32, #tpu.memory_space<vmem>>
    %dma_wait3A_656 = tpu.memref_squeeze %dma_wait3A_655 : memref<1x16x1024xf32, #tpu.memory_space<vmem>> -> memref<16x1024xf32, #tpu.memory_space<vmem>>
    %dma_wait3A_657 = arith.constant 0 : i32
    %dma_wait3A_658 = tpu.memref_slice %arg3[%add3A_192, %dma_wait3A_657] : memref<16384x1024xf32, #tpu.memory_space<hbm>> -> memref<16x1024xf32, #tpu.memory_space<hbm>>
    %dma_wait3A_659 = tpu.memref_slice %arg6[%dma_wait3A_652] : memref<4x!tpu.dma_semaphore, #tpu.memory_space<semaphore_mem>> -> memref<1x!tpu.dma_semaphore, #tpu.memory_space<semaphore_mem>>
    %dma_wait3A_660 = tpu.memref_squeeze %dma_wait3A_659 : memref<1x!tpu.dma_semaphore, #tpu.memory_space<semaphore_mem>> -> memref<!tpu.dma_semaphore, #tpu.memory_space<semaphore_mem>>
    %dma_wait3A_661 = arith.constant 0 : i32
    %dma_wait3A_662 = tpu.memref_slice %arg3[%add3A_192, %dma_wait3A_661] : memref<16384x1024xf32, #tpu.memory_space<hbm>> -> memref<16x1024xf32, #tpu.memory_space<hbm>>
    %dma_wait3A_663 = arith.constant 0 : i32
    %dma_wait3A_664 = arith.constant 0 : i32
    %dma_wait3A_665 = tpu.memref_slice %arg4[%dma_wait3A_651, %dma_wait3A_663, %dma_wait3A_664] : memref<4x16x1024xf32, #tpu.memory_space<vmem>> -> memref<1x16x1024xf32, #tpu.memory_space<vmem>>
    %dma_wait3A_666 = tpu.memref_squeeze %dma_wait3A_665 : memref<1x16x1024xf32, #tpu.memory_space<vmem>> -> memref<16x1024xf32, #tpu.memory_space<vmem>>
    tpu.wait_dma2 semaphore(%dma_wait3A_660 : memref<!tpu.dma_semaphore, #tpu.memory_space<semaphore_mem>>) src(%dma_wait3A_666 : memref<16x1024xf32, #tpu.memory_space<vmem>>) dst(%dma_wait3A_662 : memref<16x1024xf32, #tpu.memory_space<hbm>>)
    %dma_wait3A_667 = arith.constant 1 : i32
    %dma_wait3A_668 = arith.constant 1 : i32
    %dma_wait3A_669 = arith.constant 0 : i32
    %dma_wait3A_670 = arith.constant 0 : i32
    %dma_wait3A_671 = tpu.memref_slice %arg4[%dma_wait3A_667, %dma_wait3A_669, %dma_wait3A_670] : memref<4x16x1024xf32, #tpu.memory_space<vmem>> -> memref<1x16x1024xf32, #tpu.memory_space<vmem>>
    %dma_wait3A_672 = tpu.memref_squeeze %dma_wait3A_671 : memref<1x16x1024xf32, #tpu.memory_space<vmem>> -> memref<16x1024xf32, #tpu.memory_space<vmem>>
    %dma_wait3A_673 = arith.constant 0 : i32
    %dma_wait3A_674 = tpu.memref_slice %arg3[%add3A_196, %dma_wait3A_673] : memref<16384x1024xf32, #tpu.memory_space<hbm>> -> memref<16x1024xf32, #tpu.memory_space<hbm>>
    %dma_wait3A_675 = tpu.memref_slice %arg6[%dma_wait3A_668] : memref<4x!tpu.dma_semaphore, #tpu.memory_space<semaphore_mem>> -> memref<1x!tpu.dma_semaphore, #tpu.memory_space<semaphore_mem>>
    %dma_wait3A_676 = tpu.memref_squeeze %dma_wait3A_675 : memref<1x!tpu.dma_semaphore, #tpu.memory_space<semaphore_mem>> -> memref<!tpu.dma_semaphore, #tpu.memory_space<semaphore_mem>>
    %dma_wait3A_677 = arith.constant 0 : i32
    %dma_wait3A_678 = tpu.memref_slice %arg3[%add3A_196, %dma_wait3A_677] : memref<16384x1024xf32, #tpu.memory_space<hbm>> -> memref<16x1024xf32, #tpu.memory_space<hbm>>
    %dma_wait3A_679 = arith.constant 0 : i32
    %dma_wait3A_680 = arith.constant 0 : i32
    %dma_wait3A_681 = tpu.memref_slice %arg4[%dma_wait3A_667, %dma_wait3A_679, %dma_wait3A_680] : memref<4x16x1024xf32, #tpu.memory_space<vmem>> -> memref<1x16x1024xf32, #tpu.memory_space<vmem>>
    %dma_wait3A_682 = tpu.memref_squeeze %dma_wait3A_681 : memref<1x16x1024xf32, #tpu.memory_space<vmem>> -> memref<16x1024xf32, #tpu.memory_space<vmem>>
    tpu.wait_dma2 semaphore(%dma_wait3A_676 : memref<!tpu.dma_semaphore, #tpu.memory_space<semaphore_mem>>) src(%dma_wait3A_682 : memref<16x1024xf32, #tpu.memory_space<vmem>>) dst(%dma_wait3A_678 : memref<16x1024xf32, #tpu.memory_space<hbm>>)
    %dma_wait3A_683 = arith.constant 1 : i32
    %dma_wait3A_684 = arith.constant 1 : i32
    %dma_wait3A_685 = arith.constant 0 : i32
    %dma_wait3A_686 = arith.constant 0 : i32
    %dma_wait3A_687 = tpu.memref_slice %arg4[%dma_wait3A_683, %dma_wait3A_685, %dma_wait3A_686] : memref<4x16x1024xf32, #tpu.memory_space<vmem>> -> memref<1x16x1024xf32, #tpu.memory_space<vmem>>
    %dma_wait3A_688 = tpu.memref_squeeze %dma_wait3A_687 : memref<1x16x1024xf32, #tpu.memory_space<vmem>> -> memref<16x1024xf32, #tpu.memory_space<vmem>>
    %dma_wait3A_689 = arith.constant 0 : i32
    %dma_wait3A_690 = tpu.memref_slice %arg3[%add3A_200, %dma_wait3A_689] : memref<16384x1024xf32, #tpu.memory_space<hbm>> -> memref<16x1024xf32, #tpu.memory_space<hbm>>
    %dma_wait3A_691 = tpu.memref_slice %arg6[%dma_wait3A_684] : memref<4x!tpu.dma_semaphore, #tpu.memory_space<semaphore_mem>> -> memref<1x!tpu.dma_semaphore, #tpu.memory_space<semaphore_mem>>
    %dma_wait3A_692 = tpu.memref_squeeze %dma_wait3A_691 : memref<1x!tpu.dma_semaphore, #tpu.memory_space<semaphore_mem>> -> memref<!tpu.dma_semaphore, #tpu.memory_space<semaphore_mem>>
    %dma_wait3A_693 = arith.constant 0 : i32
    %dma_wait3A_694 = tpu.memref_slice %arg3[%add3A_200, %dma_wait3A_693] : memref<16384x1024xf32, #tpu.memory_space<hbm>> -> memref<16x1024xf32, #tpu.memory_space<hbm>>
    %dma_wait3A_695 = arith.constant 0 : i32
    %dma_wait3A_696 = arith.constant 0 : i32
    %dma_wait3A_697 = tpu.memref_slice %arg4[%dma_wait3A_683, %dma_wait3A_695, %dma_wait3A_696] : memref<4x16x1024xf32, #tpu.memory_space<vmem>> -> memref<1x16x1024xf32, #tpu.memory_space<vmem>>
    %dma_wait3A_698 = tpu.memref_squeeze %dma_wait3A_697 : memref<1x16x1024xf32, #tpu.memory_space<vmem>> -> memref<16x1024xf32, #tpu.memory_space<vmem>>
    tpu.wait_dma2 semaphore(%dma_wait3A_692 : memref<!tpu.dma_semaphore, #tpu.memory_space<semaphore_mem>>) src(%dma_wait3A_698 : memref<16x1024xf32, #tpu.memory_space<vmem>>) dst(%dma_wait3A_694 : memref<16x1024xf32, #tpu.memory_space<hbm>>)
    %add3A_699 = arith.constant 80 : i32
    %add3A_700 = arith.addi %mul3A_2, %add3A_699 : i32
    %dma_start3A_701 = arith.constant 1 : i32
    %dma_start3A_702 = arith.constant 1 : i32
    %dma_start3A_703 = arith.constant 0 : i32
    %dma_start3A_704 = arith.constant 0 : i32
    %dma_start3A_705 = tpu.memref_slice %arg4[%dma_start3A_701, %dma_start3A_703, %dma_start3A_704] : memref<4x16x1024xf32, #tpu.memory_space<vmem>> -> memref<1x16x1024xf32, #tpu.memory_space<vmem>>
    %dma_start3A_706 = tpu.memref_squeeze %dma_start3A_705 : memref<1x16x1024xf32, #tpu.memory_space<vmem>> -> memref<16x1024xf32, #tpu.memory_space<vmem>>
    %dma_start3A_707 = arith.constant 0 : i32
    %dma_start3A_708 = tpu.memref_slice %arg2[%add3A_700, %dma_start3A_707] : memref<8192x1024xf32, #tpu.memory_space<hbm>> -> memref<16x1024xf32, #tpu.memory_space<hbm>>
    %dma_start3A_709 = tpu.memref_slice %arg5[%dma_start3A_702] : memref<4x!tpu.dma_semaphore, #tpu.memory_space<semaphore_mem>> -> memref<1x!tpu.dma_semaphore, #tpu.memory_space<semaphore_mem>>
    %dma_start3A_710 = tpu.memref_squeeze %dma_start3A_709 : memref<1x!tpu.dma_semaphore, #tpu.memory_space<semaphore_mem>> -> memref<!tpu.dma_semaphore, #tpu.memory_space<semaphore_mem>>
    %dma_start3A_711 = arith.constant 0 : i32
    %dma_start3A_712 = arith.constant 0 : i32
    %dma_start3A_713 = tpu.memref_slice %arg4[%dma_start3A_701, %dma_start3A_711, %dma_start3A_712] : memref<4x16x1024xf32, #tpu.memory_space<vmem>> -> memref<1x16x1024xf32, #tpu.memory_space<vmem>>
    %dma_start3A_714 = tpu.memref_squeeze %dma_start3A_713 : memref<1x16x1024xf32, #tpu.memory_space<vmem>> -> memref<16x1024xf32, #tpu.memory_space<vmem>>
    %dma_start3A_715 = arith.constant 0 : i32
    %dma_start3A_716 = tpu.memref_slice %arg2[%add3A_700, %dma_start3A_715] : memref<8192x1024xf32, #tpu.memory_space<hbm>> -> memref<16x1024xf32, #tpu.memory_space<hbm>>
    tpu.enqueue_dma source(%dma_start3A_716 : memref<16x1024xf32, #tpu.memory_space<hbm>>) target(%dma_start3A_714 : memref<16x1024xf32, #tpu.memory_space<vmem>>) target_semaphore(%dma_start3A_710 : memref<!tpu.dma_semaphore, #tpu.memory_space<semaphore_mem>>)
    %dma_wait3A_717 = arith.constant 1 : i32
    %dma_wait3A_718 = arith.constant 1 : i32
    %dma_wait3A_719 = arith.constant 0 : i32
    %dma_wait3A_720 = arith.constant 0 : i32
    %dma_wait3A_721 = tpu.memref_slice %arg4[%dma_wait3A_717, %dma_wait3A_719, %dma_wait3A_720] : memref<4x16x1024xf32, #tpu.memory_space<vmem>> -> memref<1x16x1024xf32, #tpu.memory_space<vmem>>
    %dma_wait3A_722 = tpu.memref_squeeze %dma_wait3A_721 : memref<1x16x1024xf32, #tpu.memory_space<vmem>> -> memref<16x1024xf32, #tpu.memory_space<vmem>>
    %dma_wait3A_723 = arith.constant 0 : i32
    %dma_wait3A_724 = tpu.memref_slice %arg2[%add3A_700, %dma_wait3A_723] : memref<8192x1024xf32, #tpu.memory_space<hbm>> -> memref<16x1024xf32, #tpu.memory_space<hbm>>
    %dma_wait3A_725 = tpu.memref_slice %arg5[%dma_wait3A_718] : memref<4x!tpu.dma_semaphore, #tpu.memory_space<semaphore_mem>> -> memref<1x!tpu.dma_semaphore, #tpu.memory_space<semaphore_mem>>
    %dma_wait3A_726 = tpu.memref_squeeze %dma_wait3A_725 : memref<1x!tpu.dma_semaphore, #tpu.memory_space<semaphore_mem>> -> memref<!tpu.dma_semaphore, #tpu.memory_space<semaphore_mem>>
    %dma_wait3A_727 = arith.constant 0 : i32
    %dma_wait3A_728 = arith.constant 0 : i32
    %dma_wait3A_729 = tpu.memref_slice %arg4[%dma_wait3A_717, %dma_wait3A_727, %dma_wait3A_728] : memref<4x16x1024xf32, #tpu.memory_space<vmem>> -> memref<1x16x1024xf32, #tpu.memory_space<vmem>>
    %dma_wait3A_730 = tpu.memref_squeeze %dma_wait3A_729 : memref<1x16x1024xf32, #tpu.memory_space<vmem>> -> memref<16x1024xf32, #tpu.memory_space<vmem>>
    %dma_wait3A_731 = arith.constant 0 : i32
    %dma_wait3A_732 = tpu.memref_slice %arg2[%add3A_700, %dma_wait3A_731] : memref<8192x1024xf32, #tpu.memory_space<hbm>> -> memref<16x1024xf32, #tpu.memory_space<hbm>>
    tpu.wait_dma2 semaphore(%dma_wait3A_726 : memref<!tpu.dma_semaphore, #tpu.memory_space<semaphore_mem>>) src(%dma_wait3A_732 : memref<16x1024xf32, #tpu.memory_space<hbm>>) dst(%dma_wait3A_730 : memref<16x1024xf32, #tpu.memory_space<vmem>>)
    %add3A_733 = arith.constant 0 : i32
    %add3A_734 = arith.addi %add3A_733, %mul3A_2 : i32
    %add3A_735 = arith.constant 80 : i32
    %add3A_736 = arith.addi %add3A_734, %add3A_735 : i32
    %add3A_737 = arith.constant 4096 : i32
    %add3A_738 = arith.addi %add3A_737, %mul3A_2 : i32
    %add3A_739 = arith.constant 80 : i32
    %add3A_740 = arith.addi %add3A_738, %add3A_739 : i32
    %add3A_741 = arith.constant 8192 : i32
    %add3A_742 = arith.addi %add3A_741, %mul3A_2 : i32
    %add3A_743 = arith.constant 80 : i32
    %add3A_744 = arith.addi %add3A_742, %add3A_743 : i32
    %add3A_745 = arith.constant 12288 : i32
    %add3A_746 = arith.addi %add3A_745, %mul3A_2 : i32
    %add3A_747 = arith.constant 80 : i32
    %add3A_748 = arith.addi %add3A_746, %add3A_747 : i32
    %dma_start3A_749 = arith.constant 1 : i32
    %dma_start3A_750 = arith.constant 1 : i32
    %dma_start3A_751 = arith.constant 0 : i32
    %dma_start3A_752 = arith.constant 0 : i32
    %dma_start3A_753 = tpu.memref_slice %arg4[%dma_start3A_749, %dma_start3A_751, %dma_start3A_752] : memref<4x16x1024xf32, #tpu.memory_space<vmem>> -> memref<1x16x1024xf32, #tpu.memory_space<vmem>>
    %dma_start3A_754 = tpu.memref_squeeze %dma_start3A_753 : memref<1x16x1024xf32, #tpu.memory_space<vmem>> -> memref<16x1024xf32, #tpu.memory_space<vmem>>
    %dma_start3A_755 = arith.constant 0 : i32
    %dma_start3A_756 = tpu.memref_slice %arg3[%add3A_736, %dma_start3A_755] : memref<16384x1024xf32, #tpu.memory_space<hbm>> -> memref<16x1024xf32, #tpu.memory_space<hbm>>
    %dma_start3A_757 = tpu.memref_slice %arg6[%dma_start3A_750] : memref<4x!tpu.dma_semaphore, #tpu.memory_space<semaphore_mem>> -> memref<1x!tpu.dma_semaphore, #tpu.memory_space<semaphore_mem>>
    %dma_start3A_758 = tpu.memref_squeeze %dma_start3A_757 : memref<1x!tpu.dma_semaphore, #tpu.memory_space<semaphore_mem>> -> memref<!tpu.dma_semaphore, #tpu.memory_space<semaphore_mem>>
    %dma_start3A_759 = arith.constant 0 : i32
    %dma_start3A_760 = tpu.memref_slice %arg3[%add3A_736, %dma_start3A_759] : memref<16384x1024xf32, #tpu.memory_space<hbm>> -> memref<16x1024xf32, #tpu.memory_space<hbm>>
    %dma_start3A_761 = arith.constant 0 : i32
    %dma_start3A_762 = arith.constant 0 : i32
    %dma_start3A_763 = tpu.memref_slice %arg4[%dma_start3A_749, %dma_start3A_761, %dma_start3A_762] : memref<4x16x1024xf32, #tpu.memory_space<vmem>> -> memref<1x16x1024xf32, #tpu.memory_space<vmem>>
    %dma_start3A_764 = tpu.memref_squeeze %dma_start3A_763 : memref<1x16x1024xf32, #tpu.memory_space<vmem>> -> memref<16x1024xf32, #tpu.memory_space<vmem>>
    tpu.enqueue_dma source(%dma_start3A_764 : memref<16x1024xf32, #tpu.memory_space<vmem>>) target(%dma_start3A_760 : memref<16x1024xf32, #tpu.memory_space<hbm>>) target_semaphore(%dma_start3A_758 : memref<!tpu.dma_semaphore, #tpu.memory_space<semaphore_mem>>)
    %dma_start3A_765 = arith.constant 1 : i32
    %dma_start3A_766 = arith.constant 1 : i32
    %dma_start3A_767 = arith.constant 0 : i32
    %dma_start3A_768 = arith.constant 0 : i32
    %dma_start3A_769 = tpu.memref_slice %arg4[%dma_start3A_765, %dma_start3A_767, %dma_start3A_768] : memref<4x16x1024xf32, #tpu.memory_space<vmem>> -> memref<1x16x1024xf32, #tpu.memory_space<vmem>>
    %dma_start3A_770 = tpu.memref_squeeze %dma_start3A_769 : memref<1x16x1024xf32, #tpu.memory_space<vmem>> -> memref<16x1024xf32, #tpu.memory_space<vmem>>
    %dma_start3A_771 = arith.constant 0 : i32
    %dma_start3A_772 = tpu.memref_slice %arg3[%add3A_740, %dma_start3A_771] : memref<16384x1024xf32, #tpu.memory_space<hbm>> -> memref<16x1024xf32, #tpu.memory_space<hbm>>
    %dma_start3A_773 = tpu.memref_slice %arg6[%dma_start3A_766] : memref<4x!tpu.dma_semaphore, #tpu.memory_space<semaphore_mem>> -> memref<1x!tpu.dma_semaphore, #tpu.memory_space<semaphore_mem>>
    %dma_start3A_774 = tpu.memref_squeeze %dma_start3A_773 : memref<1x!tpu.dma_semaphore, #tpu.memory_space<semaphore_mem>> -> memref<!tpu.dma_semaphore, #tpu.memory_space<semaphore_mem>>
    %dma_start3A_775 = arith.constant 0 : i32
    %dma_start3A_776 = tpu.memref_slice %arg3[%add3A_740, %dma_start3A_775] : memref<16384x1024xf32, #tpu.memory_space<hbm>> -> memref<16x1024xf32, #tpu.memory_space<hbm>>
    %dma_start3A_777 = arith.constant 0 : i32
    %dma_start3A_778 = arith.constant 0 : i32
    %dma_start3A_779 = tpu.memref_slice %arg4[%dma_start3A_765, %dma_start3A_777, %dma_start3A_778] : memref<4x16x1024xf32, #tpu.memory_space<vmem>> -> memref<1x16x1024xf32, #tpu.memory_space<vmem>>
    %dma_start3A_780 = tpu.memref_squeeze %dma_start3A_779 : memref<1x16x1024xf32, #tpu.memory_space<vmem>> -> memref<16x1024xf32, #tpu.memory_space<vmem>>
    tpu.enqueue_dma source(%dma_start3A_780 : memref<16x1024xf32, #tpu.memory_space<vmem>>) target(%dma_start3A_776 : memref<16x1024xf32, #tpu.memory_space<hbm>>) target_semaphore(%dma_start3A_774 : memref<!tpu.dma_semaphore, #tpu.memory_space<semaphore_mem>>)
    %dma_start3A_781 = arith.constant 1 : i32
    %dma_start3A_782 = arith.constant 1 : i32
    %dma_start3A_783 = arith.constant 0 : i32
    %dma_start3A_784 = arith.constant 0 : i32
    %dma_start3A_785 = tpu.memref_slice %arg4[%dma_start3A_781, %dma_start3A_783, %dma_start3A_784] : memref<4x16x1024xf32, #tpu.memory_space<vmem>> -> memref<1x16x1024xf32, #tpu.memory_space<vmem>>
    %dma_start3A_786 = tpu.memref_squeeze %dma_start3A_785 : memref<1x16x1024xf32, #tpu.memory_space<vmem>> -> memref<16x1024xf32, #tpu.memory_space<vmem>>
    %dma_start3A_787 = arith.constant 0 : i32
    %dma_start3A_788 = tpu.memref_slice %arg3[%add3A_744, %dma_start3A_787] : memref<16384x1024xf32, #tpu.memory_space<hbm>> -> memref<16x1024xf32, #tpu.memory_space<hbm>>
    %dma_start3A_789 = tpu.memref_slice %arg6[%dma_start3A_782] : memref<4x!tpu.dma_semaphore, #tpu.memory_space<semaphore_mem>> -> memref<1x!tpu.dma_semaphore, #tpu.memory_space<semaphore_mem>>
    %dma_start3A_790 = tpu.memref_squeeze %dma_start3A_789 : memref<1x!tpu.dma_semaphore, #tpu.memory_space<semaphore_mem>> -> memref<!tpu.dma_semaphore, #tpu.memory_space<semaphore_mem>>
    %dma_start3A_791 = arith.constant 0 : i32
    %dma_start3A_792 = tpu.memref_slice %arg3[%add3A_744, %dma_start3A_791] : memref<16384x1024xf32, #tpu.memory_space<hbm>> -> memref<16x1024xf32, #tpu.memory_space<hbm>>
    %dma_start3A_793 = arith.constant 0 : i32
    %dma_start3A_794 = arith.constant 0 : i32
    %dma_start3A_795 = tpu.memref_slice %arg4[%dma_start3A_781, %dma_start3A_793, %dma_start3A_794] : memref<4x16x1024xf32, #tpu.memory_space<vmem>> -> memref<1x16x1024xf32, #tpu.memory_space<vmem>>
    %dma_start3A_796 = tpu.memref_squeeze %dma_start3A_795 : memref<1x16x1024xf32, #tpu.memory_space<vmem>> -> memref<16x1024xf32, #tpu.memory_space<vmem>>
    tpu.enqueue_dma source(%dma_start3A_796 : memref<16x1024xf32, #tpu.memory_space<vmem>>) target(%dma_start3A_792 : memref<16x1024xf32, #tpu.memory_space<hbm>>) target_semaphore(%dma_start3A_790 : memref<!tpu.dma_semaphore, #tpu.memory_space<semaphore_mem>>)
    %dma_start3A_797 = arith.constant 1 : i32
    %dma_start3A_798 = arith.constant 1 : i32
    %dma_start3A_799 = arith.constant 0 : i32
    %dma_start3A_800 = arith.constant 0 : i32
    %dma_start3A_801 = tpu.memref_slice %arg4[%dma_start3A_797, %dma_start3A_799, %dma_start3A_800] : memref<4x16x1024xf32, #tpu.memory_space<vmem>> -> memref<1x16x1024xf32, #tpu.memory_space<vmem>>
    %dma_start3A_802 = tpu.memref_squeeze %dma_start3A_801 : memref<1x16x1024xf32, #tpu.memory_space<vmem>> -> memref<16x1024xf32, #tpu.memory_space<vmem>>
    %dma_start3A_803 = arith.constant 0 : i32
    %dma_start3A_804 = tpu.memref_slice %arg3[%add3A_748, %dma_start3A_803] : memref<16384x1024xf32, #tpu.memory_space<hbm>> -> memref<16x1024xf32, #tpu.memory_space<hbm>>
    %dma_start3A_805 = tpu.memref_slice %arg6[%dma_start3A_798] : memref<4x!tpu.dma_semaphore, #tpu.memory_space<semaphore_mem>> -> memref<1x!tpu.dma_semaphore, #tpu.memory_space<semaphore_mem>>
    %dma_start3A_806 = tpu.memref_squeeze %dma_start3A_805 : memref<1x!tpu.dma_semaphore, #tpu.memory_space<semaphore_mem>> -> memref<!tpu.dma_semaphore, #tpu.memory_space<semaphore_mem>>
    %dma_start3A_807 = arith.constant 0 : i32
    %dma_start3A_808 = tpu.memref_slice %arg3[%add3A_748, %dma_start3A_807] : memref<16384x1024xf32, #tpu.memory_space<hbm>> -> memref<16x1024xf32, #tpu.memory_space<hbm>>
    %dma_start3A_809 = arith.constant 0 : i32
    %dma_start3A_810 = arith.constant 0 : i32
    %dma_start3A_811 = tpu.memref_slice %arg4[%dma_start3A_797, %dma_start3A_809, %dma_start3A_810] : memref<4x16x1024xf32, #tpu.memory_space<vmem>> -> memref<1x16x1024xf32, #tpu.memory_space<vmem>>
    %dma_start3A_812 = tpu.memref_squeeze %dma_start3A_811 : memref<1x16x1024xf32, #tpu.memory_space<vmem>> -> memref<16x1024xf32, #tpu.memory_space<vmem>>
    tpu.enqueue_dma source(%dma_start3A_812 : memref<16x1024xf32, #tpu.memory_space<vmem>>) target(%dma_start3A_808 : memref<16x1024xf32, #tpu.memory_space<hbm>>) target_semaphore(%dma_start3A_806 : memref<!tpu.dma_semaphore, #tpu.memory_space<semaphore_mem>>)
    %dma_wait3A_813 = arith.constant 2 : i32
    %dma_wait3A_814 = arith.constant 2 : i32
    %dma_wait3A_815 = arith.constant 0 : i32
    %dma_wait3A_816 = arith.constant 0 : i32
    %dma_wait3A_817 = tpu.memref_slice %arg4[%dma_wait3A_813, %dma_wait3A_815, %dma_wait3A_816] : memref<4x16x1024xf32, #tpu.memory_space<vmem>> -> memref<1x16x1024xf32, #tpu.memory_space<vmem>>
    %dma_wait3A_818 = tpu.memref_squeeze %dma_wait3A_817 : memref<1x16x1024xf32, #tpu.memory_space<vmem>> -> memref<16x1024xf32, #tpu.memory_space<vmem>>
    %dma_wait3A_819 = arith.constant 0 : i32
    %dma_wait3A_820 = tpu.memref_slice %arg3[%add3A_284, %dma_wait3A_819] : memref<16384x1024xf32, #tpu.memory_space<hbm>> -> memref<16x1024xf32, #tpu.memory_space<hbm>>
    %dma_wait3A_821 = tpu.memref_slice %arg6[%dma_wait3A_814] : memref<4x!tpu.dma_semaphore, #tpu.memory_space<semaphore_mem>> -> memref<1x!tpu.dma_semaphore, #tpu.memory_space<semaphore_mem>>
    %dma_wait3A_822 = tpu.memref_squeeze %dma_wait3A_821 : memref<1x!tpu.dma_semaphore, #tpu.memory_space<semaphore_mem>> -> memref<!tpu.dma_semaphore, #tpu.memory_space<semaphore_mem>>
    %dma_wait3A_823 = arith.constant 0 : i32
    %dma_wait3A_824 = tpu.memref_slice %arg3[%add3A_284, %dma_wait3A_823] : memref<16384x1024xf32, #tpu.memory_space<hbm>> -> memref<16x1024xf32, #tpu.memory_space<hbm>>
    %dma_wait3A_825 = arith.constant 0 : i32
    %dma_wait3A_826 = arith.constant 0 : i32
    %dma_wait3A_827 = tpu.memref_slice %arg4[%dma_wait3A_813, %dma_wait3A_825, %dma_wait3A_826] : memref<4x16x1024xf32, #tpu.memory_space<vmem>> -> memref<1x16x1024xf32, #tpu.memory_space<vmem>>
    %dma_wait3A_828 = tpu.memref_squeeze %dma_wait3A_827 : memref<1x16x1024xf32, #tpu.memory_space<vmem>> -> memref<16x1024xf32, #tpu.memory_space<vmem>>
    tpu.wait_dma2 semaphore(%dma_wait3A_822 : memref<!tpu.dma_semaphore, #tpu.memory_space<semaphore_mem>>) src(%dma_wait3A_828 : memref<16x1024xf32, #tpu.memory_space<vmem>>) dst(%dma_wait3A_824 : memref<16x1024xf32, #tpu.memory_space<hbm>>)
    %dma_wait3A_829 = arith.constant 2 : i32
    %dma_wait3A_830 = arith.constant 2 : i32
    %dma_wait3A_831 = arith.constant 0 : i32
    %dma_wait3A_832 = arith.constant 0 : i32
    %dma_wait3A_833 = tpu.memref_slice %arg4[%dma_wait3A_829, %dma_wait3A_831, %dma_wait3A_832] : memref<4x16x1024xf32, #tpu.memory_space<vmem>> -> memref<1x16x1024xf32, #tpu.memory_space<vmem>>
    %dma_wait3A_834 = tpu.memref_squeeze %dma_wait3A_833 : memref<1x16x1024xf32, #tpu.memory_space<vmem>> -> memref<16x1024xf32, #tpu.memory_space<vmem>>
    %dma_wait3A_835 = arith.constant 0 : i32
    %dma_wait3A_836 = tpu.memref_slice %arg3[%add3A_288, %dma_wait3A_835] : memref<16384x1024xf32, #tpu.memory_space<hbm>> -> memref<16x1024xf32, #tpu.memory_space<hbm>>
    %dma_wait3A_837 = tpu.memref_slice %arg6[%dma_wait3A_830] : memref<4x!tpu.dma_semaphore, #tpu.memory_space<semaphore_mem>> -> memref<1x!tpu.dma_semaphore, #tpu.memory_space<semaphore_mem>>
    %dma_wait3A_838 = tpu.memref_squeeze %dma_wait3A_837 : memref<1x!tpu.dma_semaphore, #tpu.memory_space<semaphore_mem>> -> memref<!tpu.dma_semaphore, #tpu.memory_space<semaphore_mem>>
    %dma_wait3A_839 = arith.constant 0 : i32
    %dma_wait3A_840 = tpu.memref_slice %arg3[%add3A_288, %dma_wait3A_839] : memref<16384x1024xf32, #tpu.memory_space<hbm>> -> memref<16x1024xf32, #tpu.memory_space<hbm>>
    %dma_wait3A_841 = arith.constant 0 : i32
    %dma_wait3A_842 = arith.constant 0 : i32
    %dma_wait3A_843 = tpu.memref_slice %arg4[%dma_wait3A_829, %dma_wait3A_841, %dma_wait3A_842] : memref<4x16x1024xf32, #tpu.memory_space<vmem>> -> memref<1x16x1024xf32, #tpu.memory_space<vmem>>
    %dma_wait3A_844 = tpu.memref_squeeze %dma_wait3A_843 : memref<1x16x1024xf32, #tpu.memory_space<vmem>> -> memref<16x1024xf32, #tpu.memory_space<vmem>>
    tpu.wait_dma2 semaphore(%dma_wait3A_838 : memref<!tpu.dma_semaphore, #tpu.memory_space<semaphore_mem>>) src(%dma_wait3A_844 : memref<16x1024xf32, #tpu.memory_space<vmem>>) dst(%dma_wait3A_840 : memref<16x1024xf32, #tpu.memory_space<hbm>>)
    %dma_wait3A_845 = arith.constant 2 : i32
    %dma_wait3A_846 = arith.constant 2 : i32
    %dma_wait3A_847 = arith.constant 0 : i32
    %dma_wait3A_848 = arith.constant 0 : i32
    %dma_wait3A_849 = tpu.memref_slice %arg4[%dma_wait3A_845, %dma_wait3A_847, %dma_wait3A_848] : memref<4x16x1024xf32, #tpu.memory_space<vmem>> -> memref<1x16x1024xf32, #tpu.memory_space<vmem>>
    %dma_wait3A_850 = tpu.memref_squeeze %dma_wait3A_849 : memref<1x16x1024xf32, #tpu.memory_space<vmem>> -> memref<16x1024xf32, #tpu.memory_space<vmem>>
    %dma_wait3A_851 = arith.constant 0 : i32
    %dma_wait3A_852 = tpu.memref_slice %arg3[%add3A_292, %dma_wait3A_851] : memref<16384x1024xf32, #tpu.memory_space<hbm>> -> memref<16x1024xf32, #tpu.memory_space<hbm>>
    %dma_wait3A_853 = tpu.memref_slice %arg6[%dma_wait3A_846] : memref<4x!tpu.dma_semaphore, #tpu.memory_space<semaphore_mem>> -> memref<1x!tpu.dma_semaphore, #tpu.memory_space<semaphore_mem>>
    %dma_wait3A_854 = tpu.memref_squeeze %dma_wait3A_853 : memref<1x!tpu.dma_semaphore, #tpu.memory_space<semaphore_mem>> -> memref<!tpu.dma_semaphore, #tpu.memory_space<semaphore_mem>>
    %dma_wait3A_855 = arith.constant 0 : i32
    %dma_wait3A_856 = tpu.memref_slice %arg3[%add3A_292, %dma_wait3A_855] : memref<16384x1024xf32, #tpu.memory_space<hbm>> -> memref<16x1024xf32, #tpu.memory_space<hbm>>
    %dma_wait3A_857 = arith.constant 0 : i32
    %dma_wait3A_858 = arith.constant 0 : i32
    %dma_wait3A_859 = tpu.memref_slice %arg4[%dma_wait3A_845, %dma_wait3A_857, %dma_wait3A_858] : memref<4x16x1024xf32, #tpu.memory_space<vmem>> -> memref<1x16x1024xf32, #tpu.memory_space<vmem>>
    %dma_wait3A_860 = tpu.memref_squeeze %dma_wait3A_859 : memref<1x16x1024xf32, #tpu.memory_space<vmem>> -> memref<16x1024xf32, #tpu.memory_space<vmem>>
    tpu.wait_dma2 semaphore(%dma_wait3A_854 : memref<!tpu.dma_semaphore, #tpu.memory_space<semaphore_mem>>) src(%dma_wait3A_860 : memref<16x1024xf32, #tpu.memory_space<vmem>>) dst(%dma_wait3A_856 : memref<16x1024xf32, #tpu.memory_space<hbm>>)
    %dma_wait3A_861 = arith.constant 2 : i32
    %dma_wait3A_862 = arith.constant 2 : i32
    %dma_wait3A_863 = arith.constant 0 : i32
    %dma_wait3A_864 = arith.constant 0 : i32
    %dma_wait3A_865 = tpu.memref_slice %arg4[%dma_wait3A_861, %dma_wait3A_863, %dma_wait3A_864] : memref<4x16x1024xf32, #tpu.memory_space<vmem>> -> memref<1x16x1024xf32, #tpu.memory_space<vmem>>
    %dma_wait3A_866 = tpu.memref_squeeze %dma_wait3A_865 : memref<1x16x1024xf32, #tpu.memory_space<vmem>> -> memref<16x1024xf32, #tpu.memory_space<vmem>>
    %dma_wait3A_867 = arith.constant 0 : i32
    %dma_wait3A_868 = tpu.memref_slice %arg3[%add3A_296, %dma_wait3A_867] : memref<16384x1024xf32, #tpu.memory_space<hbm>> -> memref<16x1024xf32, #tpu.memory_space<hbm>>
    %dma_wait3A_869 = tpu.memref_slice %arg6[%dma_wait3A_862] : memref<4x!tpu.dma_semaphore, #tpu.memory_space<semaphore_mem>> -> memref<1x!tpu.dma_semaphore, #tpu.memory_space<semaphore_mem>>
    %dma_wait3A_870 = tpu.memref_squeeze %dma_wait3A_869 : memref<1x!tpu.dma_semaphore, #tpu.memory_space<semaphore_mem>> -> memref<!tpu.dma_semaphore, #tpu.memory_space<semaphore_mem>>
    %dma_wait3A_871 = arith.constant 0 : i32
    %dma_wait3A_872 = tpu.memref_slice %arg3[%add3A_296, %dma_wait3A_871] : memref<16384x1024xf32, #tpu.memory_space<hbm>> -> memref<16x1024xf32, #tpu.memory_space<hbm>>
    %dma_wait3A_873 = arith.constant 0 : i32
    %dma_wait3A_874 = arith.constant 0 : i32
    %dma_wait3A_875 = tpu.memref_slice %arg4[%dma_wait3A_861, %dma_wait3A_873, %dma_wait3A_874] : memref<4x16x1024xf32, #tpu.memory_space<vmem>> -> memref<1x16x1024xf32, #tpu.memory_space<vmem>>
    %dma_wait3A_876 = tpu.memref_squeeze %dma_wait3A_875 : memref<1x16x1024xf32, #tpu.memory_space<vmem>> -> memref<16x1024xf32, #tpu.memory_space<vmem>>
    tpu.wait_dma2 semaphore(%dma_wait3A_870 : memref<!tpu.dma_semaphore, #tpu.memory_space<semaphore_mem>>) src(%dma_wait3A_876 : memref<16x1024xf32, #tpu.memory_space<vmem>>) dst(%dma_wait3A_872 : memref<16x1024xf32, #tpu.memory_space<hbm>>)
    %add3A_877 = arith.constant 96 : i32
    %add3A_878 = arith.addi %mul3A_2, %add3A_877 : i32
    %dma_start3A_879 = arith.constant 2 : i32
    %dma_start3A_880 = arith.constant 2 : i32
    %dma_start3A_881 = arith.constant 0 : i32
    %dma_start3A_882 = arith.constant 0 : i32
    %dma_start3A_883 = tpu.memref_slice %arg4[%dma_start3A_879, %dma_start3A_881, %dma_start3A_882] : memref<4x16x1024xf32, #tpu.memory_space<vmem>> -> memref<1x16x1024xf32, #tpu.memory_space<vmem>>
    %dma_start3A_884 = tpu.memref_squeeze %dma_start3A_883 : memref<1x16x1024xf32, #tpu.memory_space<vmem>> -> memref<16x1024xf32, #tpu.memory_space<vmem>>
    %dma_start3A_885 = arith.constant 0 : i32
    %dma_start3A_886 = tpu.memref_slice %arg2[%add3A_878, %dma_start3A_885] : memref<8192x1024xf32, #tpu.memory_space<hbm>> -> memref<16x1024xf32, #tpu.memory_space<hbm>>
    %dma_start3A_887 = tpu.memref_slice %arg5[%dma_start3A_880] : memref<4x!tpu.dma_semaphore, #tpu.memory_space<semaphore_mem>> -> memref<1x!tpu.dma_semaphore, #tpu.memory_space<semaphore_mem>>
    %dma_start3A_888 = tpu.memref_squeeze %dma_start3A_887 : memref<1x!tpu.dma_semaphore, #tpu.memory_space<semaphore_mem>> -> memref<!tpu.dma_semaphore, #tpu.memory_space<semaphore_mem>>
    %dma_start3A_889 = arith.constant 0 : i32
    %dma_start3A_890 = arith.constant 0 : i32
    %dma_start3A_891 = tpu.memref_slice %arg4[%dma_start3A_879, %dma_start3A_889, %dma_start3A_890] : memref<4x16x1024xf32, #tpu.memory_space<vmem>> -> memref<1x16x1024xf32, #tpu.memory_space<vmem>>
    %dma_start3A_892 = tpu.memref_squeeze %dma_start3A_891 : memref<1x16x1024xf32, #tpu.memory_space<vmem>> -> memref<16x1024xf32, #tpu.memory_space<vmem>>
    %dma_start3A_893 = arith.constant 0 : i32
    %dma_start3A_894 = tpu.memref_slice %arg2[%add3A_878, %dma_start3A_893] : memref<8192x1024xf32, #tpu.memory_space<hbm>> -> memref<16x1024xf32, #tpu.memory_space<hbm>>
    tpu.enqueue_dma source(%dma_start3A_894 : memref<16x1024xf32, #tpu.memory_space<hbm>>) target(%dma_start3A_892 : memref<16x1024xf32, #tpu.memory_space<vmem>>) target_semaphore(%dma_start3A_888 : memref<!tpu.dma_semaphore, #tpu.memory_space<semaphore_mem>>)
    %dma_wait3A_895 = arith.constant 2 : i32
    %dma_wait3A_896 = arith.constant 2 : i32
    %dma_wait3A_897 = arith.constant 0 : i32
    %dma_wait3A_898 = arith.constant 0 : i32
    %dma_wait3A_899 = tpu.memref_slice %arg4[%dma_wait3A_895, %dma_wait3A_897, %dma_wait3A_898] : memref<4x16x1024xf32, #tpu.memory_space<vmem>> -> memref<1x16x1024xf32, #tpu.memory_space<vmem>>
    %dma_wait3A_900 = tpu.memref_squeeze %dma_wait3A_899 : memref<1x16x1024xf32, #tpu.memory_space<vmem>> -> memref<16x1024xf32, #tpu.memory_space<vmem>>
    %dma_wait3A_901 = arith.constant 0 : i32
    %dma_wait3A_902 = tpu.memref_slice %arg2[%add3A_878, %dma_wait3A_901] : memref<8192x1024xf32, #tpu.memory_space<hbm>> -> memref<16x1024xf32, #tpu.memory_space<hbm>>
    %dma_wait3A_903 = tpu.memref_slice %arg5[%dma_wait3A_896] : memref<4x!tpu.dma_semaphore, #tpu.memory_space<semaphore_mem>> -> memref<1x!tpu.dma_semaphore, #tpu.memory_space<semaphore_mem>>
    %dma_wait3A_904 = tpu.memref_squeeze %dma_wait3A_903 : memref<1x!tpu.dma_semaphore, #tpu.memory_space<semaphore_mem>> -> memref<!tpu.dma_semaphore, #tpu.memory_space<semaphore_mem>>
    %dma_wait3A_905 = arith.constant 0 : i32
    %dma_wait3A_906 = arith.constant 0 : i32
    %dma_wait3A_907 = tpu.memref_slice %arg4[%dma_wait3A_895, %dma_wait3A_905, %dma_wait3A_906] : memref<4x16x1024xf32, #tpu.memory_space<vmem>> -> memref<1x16x1024xf32, #tpu.memory_space<vmem>>
    %dma_wait3A_908 = tpu.memref_squeeze %dma_wait3A_907 : memref<1x16x1024xf32, #tpu.memory_space<vmem>> -> memref<16x1024xf32, #tpu.memory_space<vmem>>
    %dma_wait3A_909 = arith.constant 0 : i32
    %dma_wait3A_910 = tpu.memref_slice %arg2[%add3A_878, %dma_wait3A_909] : memref<8192x1024xf32, #tpu.memory_space<hbm>> -> memref<16x1024xf32, #tpu.memory_space<hbm>>
    tpu.wait_dma2 semaphore(%dma_wait3A_904 : memref<!tpu.dma_semaphore, #tpu.memory_space<semaphore_mem>>) src(%dma_wait3A_910 : memref<16x1024xf32, #tpu.memory_space<hbm>>) dst(%dma_wait3A_908 : memref<16x1024xf32, #tpu.memory_space<vmem>>)
    %add3A_911 = arith.constant 0 : i32
    %add3A_912 = arith.addi %add3A_911, %mul3A_2 : i32
    %add3A_913 = arith.constant 96 : i32
    %add3A_914 = arith.addi %add3A_912, %add3A_913 : i32
    %add3A_915 = arith.constant 4096 : i32
    %add3A_916 = arith.addi %add3A_915, %mul3A_2 : i32
    %add3A_917 = arith.constant 96 : i32
    %add3A_918 = arith.addi %add3A_916, %add3A_917 : i32
    %add3A_919 = arith.constant 8192 : i32
    %add3A_920 = arith.addi %add3A_919, %mul3A_2 : i32
    %add3A_921 = arith.constant 96 : i32
    %add3A_922 = arith.addi %add3A_920, %add3A_921 : i32
    %add3A_923 = arith.constant 12288 : i32
    %add3A_924 = arith.addi %add3A_923, %mul3A_2 : i32
    %add3A_925 = arith.constant 96 : i32
    %add3A_926 = arith.addi %add3A_924, %add3A_925 : i32
    %dma_start3A_927 = arith.constant 2 : i32
    %dma_start3A_928 = arith.constant 2 : i32
    %dma_start3A_929 = arith.constant 0 : i32
    %dma_start3A_930 = arith.constant 0 : i32
    %dma_start3A_931 = tpu.memref_slice %arg4[%dma_start3A_927, %dma_start3A_929, %dma_start3A_930] : memref<4x16x1024xf32, #tpu.memory_space<vmem>> -> memref<1x16x1024xf32, #tpu.memory_space<vmem>>
    %dma_start3A_932 = tpu.memref_squeeze %dma_start3A_931 : memref<1x16x1024xf32, #tpu.memory_space<vmem>> -> memref<16x1024xf32, #tpu.memory_space<vmem>>
    %dma_start3A_933 = arith.constant 0 : i32
    %dma_start3A_934 = tpu.memref_slice %arg3[%add3A_914, %dma_start3A_933] : memref<16384x1024xf32, #tpu.memory_space<hbm>> -> memref<16x1024xf32, #tpu.memory_space<hbm>>
    %dma_start3A_935 = tpu.memref_slice %arg6[%dma_start3A_928] : memref<4x!tpu.dma_semaphore, #tpu.memory_space<semaphore_mem>> -> memref<1x!tpu.dma_semaphore, #tpu.memory_space<semaphore_mem>>
    %dma_start3A_936 = tpu.memref_squeeze %dma_start3A_935 : memref<1x!tpu.dma_semaphore, #tpu.memory_space<semaphore_mem>> -> memref<!tpu.dma_semaphore, #tpu.memory_space<semaphore_mem>>
    %dma_start3A_937 = arith.constant 0 : i32
    %dma_start3A_938 = tpu.memref_slice %arg3[%add3A_914, %dma_start3A_937] : memref<16384x1024xf32, #tpu.memory_space<hbm>> -> memref<16x1024xf32, #tpu.memory_space<hbm>>
    %dma_start3A_939 = arith.constant 0 : i32
    %dma_start3A_940 = arith.constant 0 : i32
    %dma_start3A_941 = tpu.memref_slice %arg4[%dma_start3A_927, %dma_start3A_939, %dma_start3A_940] : memref<4x16x1024xf32, #tpu.memory_space<vmem>> -> memref<1x16x1024xf32, #tpu.memory_space<vmem>>
    %dma_start3A_942 = tpu.memref_squeeze %dma_start3A_941 : memref<1x16x1024xf32, #tpu.memory_space<vmem>> -> memref<16x1024xf32, #tpu.memory_space<vmem>>
    tpu.enqueue_dma source(%dma_start3A_942 : memref<16x1024xf32, #tpu.memory_space<vmem>>) target(%dma_start3A_938 : memref<16x1024xf32, #tpu.memory_space<hbm>>) target_semaphore(%dma_start3A_936 : memref<!tpu.dma_semaphore, #tpu.memory_space<semaphore_mem>>)
    %dma_start3A_943 = arith.constant 2 : i32
    %dma_start3A_944 = arith.constant 2 : i32
    %dma_start3A_945 = arith.constant 0 : i32
    %dma_start3A_946 = arith.constant 0 : i32
    %dma_start3A_947 = tpu.memref_slice %arg4[%dma_start3A_943, %dma_start3A_945, %dma_start3A_946] : memref<4x16x1024xf32, #tpu.memory_space<vmem>> -> memref<1x16x1024xf32, #tpu.memory_space<vmem>>
    %dma_start3A_948 = tpu.memref_squeeze %dma_start3A_947 : memref<1x16x1024xf32, #tpu.memory_space<vmem>> -> memref<16x1024xf32, #tpu.memory_space<vmem>>
    %dma_start3A_949 = arith.constant 0 : i32
    %dma_start3A_950 = tpu.memref_slice %arg3[%add3A_918, %dma_start3A_949] : memref<16384x1024xf32, #tpu.memory_space<hbm>> -> memref<16x1024xf32, #tpu.memory_space<hbm>>
    %dma_start3A_951 = tpu.memref_slice %arg6[%dma_start3A_944] : memref<4x!tpu.dma_semaphore, #tpu.memory_space<semaphore_mem>> -> memref<1x!tpu.dma_semaphore, #tpu.memory_space<semaphore_mem>>
    %dma_start3A_952 = tpu.memref_squeeze %dma_start3A_951 : memref<1x!tpu.dma_semaphore, #tpu.memory_space<semaphore_mem>> -> memref<!tpu.dma_semaphore, #tpu.memory_space<semaphore_mem>>
    %dma_start3A_953 = arith.constant 0 : i32
    %dma_start3A_954 = tpu.memref_slice %arg3[%add3A_918, %dma_start3A_953] : memref<16384x1024xf32, #tpu.memory_space<hbm>> -> memref<16x1024xf32, #tpu.memory_space<hbm>>
    %dma_start3A_955 = arith.constant 0 : i32
    %dma_start3A_956 = arith.constant 0 : i32
    %dma_start3A_957 = tpu.memref_slice %arg4[%dma_start3A_943, %dma_start3A_955, %dma_start3A_956] : memref<4x16x1024xf32, #tpu.memory_space<vmem>> -> memref<1x16x1024xf32, #tpu.memory_space<vmem>>
    %dma_start3A_958 = tpu.memref_squeeze %dma_start3A_957 : memref<1x16x1024xf32, #tpu.memory_space<vmem>> -> memref<16x1024xf32, #tpu.memory_space<vmem>>
    tpu.enqueue_dma source(%dma_start3A_958 : memref<16x1024xf32, #tpu.memory_space<vmem>>) target(%dma_start3A_954 : memref<16x1024xf32, #tpu.memory_space<hbm>>) target_semaphore(%dma_start3A_952 : memref<!tpu.dma_semaphore, #tpu.memory_space<semaphore_mem>>)
    %dma_start3A_959 = arith.constant 2 : i32
    %dma_start3A_960 = arith.constant 2 : i32
    %dma_start3A_961 = arith.constant 0 : i32
    %dma_start3A_962 = arith.constant 0 : i32
    %dma_start3A_963 = tpu.memref_slice %arg4[%dma_start3A_959, %dma_start3A_961, %dma_start3A_962] : memref<4x16x1024xf32, #tpu.memory_space<vmem>> -> memref<1x16x1024xf32, #tpu.memory_space<vmem>>
    %dma_start3A_964 = tpu.memref_squeeze %dma_start3A_963 : memref<1x16x1024xf32, #tpu.memory_space<vmem>> -> memref<16x1024xf32, #tpu.memory_space<vmem>>
    %dma_start3A_965 = arith.constant 0 : i32
    %dma_start3A_966 = tpu.memref_slice %arg3[%add3A_922, %dma_start3A_965] : memref<16384x1024xf32, #tpu.memory_space<hbm>> -> memref<16x1024xf32, #tpu.memory_space<hbm>>
    %dma_start3A_967 = tpu.memref_slice %arg6[%dma_start3A_960] : memref<4x!tpu.dma_semaphore, #tpu.memory_space<semaphore_mem>> -> memref<1x!tpu.dma_semaphore, #tpu.memory_space<semaphore_mem>>
    %dma_start3A_968 = tpu.memref_squeeze %dma_start3A_967 : memref<1x!tpu.dma_semaphore, #tpu.memory_space<semaphore_mem>> -> memref<!tpu.dma_semaphore, #tpu.memory_space<semaphore_mem>>
    %dma_start3A_969 = arith.constant 0 : i32
    %dma_start3A_970 = tpu.memref_slice %arg3[%add3A_922, %dma_start3A_969] : memref<16384x1024xf32, #tpu.memory_space<hbm>> -> memref<16x1024xf32, #tpu.memory_space<hbm>>
    %dma_start3A_971 = arith.constant 0 : i32
    %dma_start3A_972 = arith.constant 0 : i32
    %dma_start3A_973 = tpu.memref_slice %arg4[%dma_start3A_959, %dma_start3A_971, %dma_start3A_972] : memref<4x16x1024xf32, #tpu.memory_space<vmem>> -> memref<1x16x1024xf32, #tpu.memory_space<vmem>>
    %dma_start3A_974 = tpu.memref_squeeze %dma_start3A_973 : memref<1x16x1024xf32, #tpu.memory_space<vmem>> -> memref<16x1024xf32, #tpu.memory_space<vmem>>
    tpu.enqueue_dma source(%dma_start3A_974 : memref<16x1024xf32, #tpu.memory_space<vmem>>) target(%dma_start3A_970 : memref<16x1024xf32, #tpu.memory_space<hbm>>) target_semaphore(%dma_start3A_968 : memref<!tpu.dma_semaphore, #tpu.memory_space<semaphore_mem>>)
    %dma_start3A_975 = arith.constant 2 : i32
    %dma_start3A_976 = arith.constant 2 : i32
    %dma_start3A_977 = arith.constant 0 : i32
    %dma_start3A_978 = arith.constant 0 : i32
    %dma_start3A_979 = tpu.memref_slice %arg4[%dma_start3A_975, %dma_start3A_977, %dma_start3A_978] : memref<4x16x1024xf32, #tpu.memory_space<vmem>> -> memref<1x16x1024xf32, #tpu.memory_space<vmem>>
    %dma_start3A_980 = tpu.memref_squeeze %dma_start3A_979 : memref<1x16x1024xf32, #tpu.memory_space<vmem>> -> memref<16x1024xf32, #tpu.memory_space<vmem>>
    %dma_start3A_981 = arith.constant 0 : i32
    %dma_start3A_982 = tpu.memref_slice %arg3[%add3A_926, %dma_start3A_981] : memref<16384x1024xf32, #tpu.memory_space<hbm>> -> memref<16x1024xf32, #tpu.memory_space<hbm>>
    %dma_start3A_983 = tpu.memref_slice %arg6[%dma_start3A_976] : memref<4x!tpu.dma_semaphore, #tpu.memory_space<semaphore_mem>> -> memref<1x!tpu.dma_semaphore, #tpu.memory_space<semaphore_mem>>
    %dma_start3A_984 = tpu.memref_squeeze %dma_start3A_983 : memref<1x!tpu.dma_semaphore, #tpu.memory_space<semaphore_mem>> -> memref<!tpu.dma_semaphore, #tpu.memory_space<semaphore_mem>>
    %dma_start3A_985 = arith.constant 0 : i32
    %dma_start3A_986 = tpu.memref_slice %arg3[%add3A_926, %dma_start3A_985] : memref<16384x1024xf32, #tpu.memory_space<hbm>> -> memref<16x1024xf32, #tpu.memory_space<hbm>>
    %dma_start3A_987 = arith.constant 0 : i32
    %dma_start3A_988 = arith.constant 0 : i32
    %dma_start3A_989 = tpu.memref_slice %arg4[%dma_start3A_975, %dma_start3A_987, %dma_start3A_988] : memref<4x16x1024xf32, #tpu.memory_space<vmem>> -> memref<1x16x1024xf32, #tpu.memory_space<vmem>>
    %dma_start3A_990 = tpu.memref_squeeze %dma_start3A_989 : memref<1x16x1024xf32, #tpu.memory_space<vmem>> -> memref<16x1024xf32, #tpu.memory_space<vmem>>
    tpu.enqueue_dma source(%dma_start3A_990 : memref<16x1024xf32, #tpu.memory_space<vmem>>) target(%dma_start3A_986 : memref<16x1024xf32, #tpu.memory_space<hbm>>) target_semaphore(%dma_start3A_984 : memref<!tpu.dma_semaphore, #tpu.memory_space<semaphore_mem>>)
    %dma_wait3A_991 = arith.constant 3 : i32
    %dma_wait3A_992 = arith.constant 3 : i32
    %dma_wait3A_993 = arith.constant 0 : i32
    %dma_wait3A_994 = arith.constant 0 : i32
    %dma_wait3A_995 = tpu.memref_slice %arg4[%dma_wait3A_991, %dma_wait3A_993, %dma_wait3A_994] : memref<4x16x1024xf32, #tpu.memory_space<vmem>> -> memref<1x16x1024xf32, #tpu.memory_space<vmem>>
    %dma_wait3A_996 = tpu.memref_squeeze %dma_wait3A_995 : memref<1x16x1024xf32, #tpu.memory_space<vmem>> -> memref<16x1024xf32, #tpu.memory_space<vmem>>
    %dma_wait3A_997 = arith.constant 0 : i32
    %dma_wait3A_998 = tpu.memref_slice %arg3[%add3A_380, %dma_wait3A_997] : memref<16384x1024xf32, #tpu.memory_space<hbm>> -> memref<16x1024xf32, #tpu.memory_space<hbm>>
    %dma_wait3A_999 = tpu.memref_slice %arg6[%dma_wait3A_992] : memref<4x!tpu.dma_semaphore, #tpu.memory_space<semaphore_mem>> -> memref<1x!tpu.dma_semaphore, #tpu.memory_space<semaphore_mem>>
    %dma_wait3A_1000 = tpu.memref_squeeze %dma_wait3A_999 : memref<1x!tpu.dma_semaphore, #tpu.memory_space<semaphore_mem>> -> memref<!tpu.dma_semaphore, #tpu.memory_space<semaphore_mem>>
    %dma_wait3A_1001 = arith.constant 0 : i32
    %dma_wait3A_1002 = tpu.memref_slice %arg3[%add3A_380, %dma_wait3A_1001] : memref<16384x1024xf32, #tpu.memory_space<hbm>> -> memref<16x1024xf32, #tpu.memory_space<hbm>>
    %dma_wait3A_1003 = arith.constant 0 : i32
    %dma_wait3A_1004 = arith.constant 0 : i32
    %dma_wait3A_1005 = tpu.memref_slice %arg4[%dma_wait3A_991, %dma_wait3A_1003, %dma_wait3A_1004] : memref<4x16x1024xf32, #tpu.memory_space<vmem>> -> memref<1x16x1024xf32, #tpu.memory_space<vmem>>
    %dma_wait3A_1006 = tpu.memref_squeeze %dma_wait3A_1005 : memref<1x16x1024xf32, #tpu.memory_space<vmem>> -> memref<16x1024xf32, #tpu.memory_space<vmem>>
    tpu.wait_dma2 semaphore(%dma_wait3A_1000 : memref<!tpu.dma_semaphore, #tpu.memory_space<semaphore_mem>>) src(%dma_wait3A_1006 : memref<16x1024xf32, #tpu.memory_space<vmem>>) dst(%dma_wait3A_1002 : memref<16x1024xf32, #tpu.memory_space<hbm>>)
    %dma_wait3A_1007 = arith.constant 3 : i32
    %dma_wait3A_1008 = arith.constant 3 : i32
    %dma_wait3A_1009 = arith.constant 0 : i32
    %dma_wait3A_1010 = arith.constant 0 : i32
    %dma_wait3A_1011 = tpu.memref_slice %arg4[%dma_wait3A_1007, %dma_wait3A_1009, %dma_wait3A_1010] : memref<4x16x1024xf32, #tpu.memory_space<vmem>> -> memref<1x16x1024xf32, #tpu.memory_space<vmem>>
    %dma_wait3A_1012 = tpu.memref_squeeze %dma_wait3A_1011 : memref<1x16x1024xf32, #tpu.memory_space<vmem>> -> memref<16x1024xf32, #tpu.memory_space<vmem>>
    %dma_wait3A_1013 = arith.constant 0 : i32
    %dma_wait3A_1014 = tpu.memref_slice %arg3[%add3A_384, %dma_wait3A_1013] : memref<16384x1024xf32, #tpu.memory_space<hbm>> -> memref<16x1024xf32, #tpu.memory_space<hbm>>
    %dma_wait3A_1015 = tpu.memref_slice %arg6[%dma_wait3A_1008] : memref<4x!tpu.dma_semaphore, #tpu.memory_space<semaphore_mem>> -> memref<1x!tpu.dma_semaphore, #tpu.memory_space<semaphore_mem>>
    %dma_wait3A_1016 = tpu.memref_squeeze %dma_wait3A_1015 : memref<1x!tpu.dma_semaphore, #tpu.memory_space<semaphore_mem>> -> memref<!tpu.dma_semaphore, #tpu.memory_space<semaphore_mem>>
    %dma_wait3A_1017 = arith.constant 0 : i32
    %dma_wait3A_1018 = tpu.memref_slice %arg3[%add3A_384, %dma_wait3A_1017] : memref<16384x1024xf32, #tpu.memory_space<hbm>> -> memref<16x1024xf32, #tpu.memory_space<hbm>>
    %dma_wait3A_1019 = arith.constant 0 : i32
    %dma_wait3A_1020 = arith.constant 0 : i32
    %dma_wait3A_1021 = tpu.memref_slice %arg4[%dma_wait3A_1007, %dma_wait3A_1019, %dma_wait3A_1020] : memref<4x16x1024xf32, #tpu.memory_space<vmem>> -> memref<1x16x1024xf32, #tpu.memory_space<vmem>>
    %dma_wait3A_1022 = tpu.memref_squeeze %dma_wait3A_1021 : memref<1x16x1024xf32, #tpu.memory_space<vmem>> -> memref<16x1024xf32, #tpu.memory_space<vmem>>
    tpu.wait_dma2 semaphore(%dma_wait3A_1016 : memref<!tpu.dma_semaphore, #tpu.memory_space<semaphore_mem>>) src(%dma_wait3A_1022 : memref<16x1024xf32, #tpu.memory_space<vmem>>) dst(%dma_wait3A_1018 : memref<16x1024xf32, #tpu.memory_space<hbm>>)
    %dma_wait3A_1023 = arith.constant 3 : i32
    %dma_wait3A_1024 = arith.constant 3 : i32
    %dma_wait3A_1025 = arith.constant 0 : i32
    %dma_wait3A_1026 = arith.constant 0 : i32
    %dma_wait3A_1027 = tpu.memref_slice %arg4[%dma_wait3A_1023, %dma_wait3A_1025, %dma_wait3A_1026] : memref<4x16x1024xf32, #tpu.memory_space<vmem>> -> memref<1x16x1024xf32, #tpu.memory_space<vmem>>
    %dma_wait3A_1028 = tpu.memref_squeeze %dma_wait3A_1027 : memref<1x16x1024xf32, #tpu.memory_space<vmem>> -> memref<16x1024xf32, #tpu.memory_space<vmem>>
    %dma_wait3A_1029 = arith.constant 0 : i32
    %dma_wait3A_1030 = tpu.memref_slice %arg3[%add3A_388, %dma_wait3A_1029] : memref<16384x1024xf32, #tpu.memory_space<hbm>> -> memref<16x1024xf32, #tpu.memory_space<hbm>>
    %dma_wait3A_1031 = tpu.memref_slice %arg6[%dma_wait3A_1024] : memref<4x!tpu.dma_semaphore, #tpu.memory_space<semaphore_mem>> -> memref<1x!tpu.dma_semaphore, #tpu.memory_space<semaphore_mem>>
    %dma_wait3A_1032 = tpu.memref_squeeze %dma_wait3A_1031 : memref<1x!tpu.dma_semaphore, #tpu.memory_space<semaphore_mem>> -> memref<!tpu.dma_semaphore, #tpu.memory_space<semaphore_mem>>
    %dma_wait3A_1033 = arith.constant 0 : i32
    %dma_wait3A_1034 = tpu.memref_slice %arg3[%add3A_388, %dma_wait3A_1033] : memref<16384x1024xf32, #tpu.memory_space<hbm>> -> memref<16x1024xf32, #tpu.memory_space<hbm>>
    %dma_wait3A_1035 = arith.constant 0 : i32
    %dma_wait3A_1036 = arith.constant 0 : i32
    %dma_wait3A_1037 = tpu.memref_slice %arg4[%dma_wait3A_1023, %dma_wait3A_1035, %dma_wait3A_1036] : memref<4x16x1024xf32, #tpu.memory_space<vmem>> -> memref<1x16x1024xf32, #tpu.memory_space<vmem>>
    %dma_wait3A_1038 = tpu.memref_squeeze %dma_wait3A_1037 : memref<1x16x1024xf32, #tpu.memory_space<vmem>> -> memref<16x1024xf32, #tpu.memory_space<vmem>>
    tpu.wait_dma2 semaphore(%dma_wait3A_1032 : memref<!tpu.dma_semaphore, #tpu.memory_space<semaphore_mem>>) src(%dma_wait3A_1038 : memref<16x1024xf32, #tpu.memory_space<vmem>>) dst(%dma_wait3A_1034 : memref<16x1024xf32, #tpu.memory_space<hbm>>)
    %dma_wait3A_1039 = arith.constant 3 : i32
    %dma_wait3A_1040 = arith.constant 3 : i32
    %dma_wait3A_1041 = arith.constant 0 : i32
    %dma_wait3A_1042 = arith.constant 0 : i32
    %dma_wait3A_1043 = tpu.memref_slice %arg4[%dma_wait3A_1039, %dma_wait3A_1041, %dma_wait3A_1042] : memref<4x16x1024xf32, #tpu.memory_space<vmem>> -> memref<1x16x1024xf32, #tpu.memory_space<vmem>>
    %dma_wait3A_1044 = tpu.memref_squeeze %dma_wait3A_1043 : memref<1x16x1024xf32, #tpu.memory_space<vmem>> -> memref<16x1024xf32, #tpu.memory_space<vmem>>
    %dma_wait3A_1045 = arith.constant 0 : i32
    %dma_wait3A_1046 = tpu.memref_slice %arg3[%add3A_392, %dma_wait3A_1045] : memref<16384x1024xf32, #tpu.memory_space<hbm>> -> memref<16x1024xf32, #tpu.memory_space<hbm>>
    %dma_wait3A_1047 = tpu.memref_slice %arg6[%dma_wait3A_1040] : memref<4x!tpu.dma_semaphore, #tpu.memory_space<semaphore_mem>> -> memref<1x!tpu.dma_semaphore, #tpu.memory_space<semaphore_mem>>
    %dma_wait3A_1048 = tpu.memref_squeeze %dma_wait3A_1047 : memref<1x!tpu.dma_semaphore, #tpu.memory_space<semaphore_mem>> -> memref<!tpu.dma_semaphore, #tpu.memory_space<semaphore_mem>>
    %dma_wait3A_1049 = arith.constant 0 : i32
    %dma_wait3A_1050 = tpu.memref_slice %arg3[%add3A_392, %dma_wait3A_1049] : memref<16384x1024xf32, #tpu.memory_space<hbm>> -> memref<16x1024xf32, #tpu.memory_space<hbm>>
    %dma_wait3A_1051 = arith.constant 0 : i32
    %dma_wait3A_1052 = arith.constant 0 : i32
    %dma_wait3A_1053 = tpu.memref_slice %arg4[%dma_wait3A_1039, %dma_wait3A_1051, %dma_wait3A_1052] : memref<4x16x1024xf32, #tpu.memory_space<vmem>> -> memref<1x16x1024xf32, #tpu.memory_space<vmem>>
    %dma_wait3A_1054 = tpu.memref_squeeze %dma_wait3A_1053 : memref<1x16x1024xf32, #tpu.memory_space<vmem>> -> memref<16x1024xf32, #tpu.memory_space<vmem>>
    tpu.wait_dma2 semaphore(%dma_wait3A_1048 : memref<!tpu.dma_semaphore, #tpu.memory_space<semaphore_mem>>) src(%dma_wait3A_1054 : memref<16x1024xf32, #tpu.memory_space<vmem>>) dst(%dma_wait3A_1050 : memref<16x1024xf32, #tpu.memory_space<hbm>>)
    %add3A_1055 = arith.constant 112 : i32
    %add3A_1056 = arith.addi %mul3A_2, %add3A_1055 : i32
    %dma_start3A_1057 = arith.constant 3 : i32
    %dma_start3A_1058 = arith.constant 3 : i32
    %dma_start3A_1059 = arith.constant 0 : i32
    %dma_start3A_1060 = arith.constant 0 : i32
    %dma_start3A_1061 = tpu.memref_slice %arg4[%dma_start3A_1057, %dma_start3A_1059, %dma_start3A_1060] : memref<4x16x1024xf32, #tpu.memory_space<vmem>> -> memref<1x16x1024xf32, #tpu.memory_space<vmem>>
    %dma_start3A_1062 = tpu.memref_squeeze %dma_start3A_1061 : memref<1x16x1024xf32, #tpu.memory_space<vmem>> -> memref<16x1024xf32, #tpu.memory_space<vmem>>
    %dma_start3A_1063 = arith.constant 0 : i32
    %dma_start3A_1064 = tpu.memref_slice %arg2[%add3A_1056, %dma_start3A_1063] : memref<8192x1024xf32, #tpu.memory_space<hbm>> -> memref<16x1024xf32, #tpu.memory_space<hbm>>
    %dma_start3A_1065 = tpu.memref_slice %arg5[%dma_start3A_1058] : memref<4x!tpu.dma_semaphore, #tpu.memory_space<semaphore_mem>> -> memref<1x!tpu.dma_semaphore, #tpu.memory_space<semaphore_mem>>
    %dma_start3A_1066 = tpu.memref_squeeze %dma_start3A_1065 : memref<1x!tpu.dma_semaphore, #tpu.memory_space<semaphore_mem>> -> memref<!tpu.dma_semaphore, #tpu.memory_space<semaphore_mem>>
    %dma_start3A_1067 = arith.constant 0 : i32
    %dma_start3A_1068 = arith.constant 0 : i32
    %dma_start3A_1069 = tpu.memref_slice %arg4[%dma_start3A_1057, %dma_start3A_1067, %dma_start3A_1068] : memref<4x16x1024xf32, #tpu.memory_space<vmem>> -> memref<1x16x1024xf32, #tpu.memory_space<vmem>>
    %dma_start3A_1070 = tpu.memref_squeeze %dma_start3A_1069 : memref<1x16x1024xf32, #tpu.memory_space<vmem>> -> memref<16x1024xf32, #tpu.memory_space<vmem>>
    %dma_start3A_1071 = arith.constant 0 : i32
    %dma_start3A_1072 = tpu.memref_slice %arg2[%add3A_1056, %dma_start3A_1071] : memref<8192x1024xf32, #tpu.memory_space<hbm>> -> memref<16x1024xf32, #tpu.memory_space<hbm>>
    tpu.enqueue_dma source(%dma_start3A_1072 : memref<16x1024xf32, #tpu.memory_space<hbm>>) target(%dma_start3A_1070 : memref<16x1024xf32, #tpu.memory_space<vmem>>) target_semaphore(%dma_start3A_1066 : memref<!tpu.dma_semaphore, #tpu.memory_space<semaphore_mem>>)
    %dma_wait3A_1073 = arith.constant 3 : i32
    %dma_wait3A_1074 = arith.constant 3 : i32
    %dma_wait3A_1075 = arith.constant 0 : i32
    %dma_wait3A_1076 = arith.constant 0 : i32
    %dma_wait3A_1077 = tpu.memref_slice %arg4[%dma_wait3A_1073, %dma_wait3A_1075, %dma_wait3A_1076] : memref<4x16x1024xf32, #tpu.memory_space<vmem>> -> memref<1x16x1024xf32, #tpu.memory_space<vmem>>
    %dma_wait3A_1078 = tpu.memref_squeeze %dma_wait3A_1077 : memref<1x16x1024xf32, #tpu.memory_space<vmem>> -> memref<16x1024xf32, #tpu.memory_space<vmem>>
    %dma_wait3A_1079 = arith.constant 0 : i32
    %dma_wait3A_1080 = tpu.memref_slice %arg2[%add3A_1056, %dma_wait3A_1079] : memref<8192x1024xf32, #tpu.memory_space<hbm>> -> memref<16x1024xf32, #tpu.memory_space<hbm>>
    %dma_wait3A_1081 = tpu.memref_slice %arg5[%dma_wait3A_1074] : memref<4x!tpu.dma_semaphore, #tpu.memory_space<semaphore_mem>> -> memref<1x!tpu.dma_semaphore, #tpu.memory_space<semaphore_mem>>
    %dma_wait3A_1082 = tpu.memref_squeeze %dma_wait3A_1081 : memref<1x!tpu.dma_semaphore, #tpu.memory_space<semaphore_mem>> -> memref<!tpu.dma_semaphore, #tpu.memory_space<semaphore_mem>>
    %dma_wait3A_1083 = arith.constant 0 : i32
    %dma_wait3A_1084 = arith.constant 0 : i32
    %dma_wait3A_1085 = tpu.memref_slice %arg4[%dma_wait3A_1073, %dma_wait3A_1083, %dma_wait3A_1084] : memref<4x16x1024xf32, #tpu.memory_space<vmem>> -> memref<1x16x1024xf32, #tpu.memory_space<vmem>>
    %dma_wait3A_1086 = tpu.memref_squeeze %dma_wait3A_1085 : memref<1x16x1024xf32, #tpu.memory_space<vmem>> -> memref<16x1024xf32, #tpu.memory_space<vmem>>
    %dma_wait3A_1087 = arith.constant 0 : i32
    %dma_wait3A_1088 = tpu.memref_slice %arg2[%add3A_1056, %dma_wait3A_1087] : memref<8192x1024xf32, #tpu.memory_space<hbm>> -> memref<16x1024xf32, #tpu.memory_space<hbm>>
    tpu.wait_dma2 semaphore(%dma_wait3A_1082 : memref<!tpu.dma_semaphore, #tpu.memory_space<semaphore_mem>>) src(%dma_wait3A_1088 : memref<16x1024xf32, #tpu.memory_space<hbm>>) dst(%dma_wait3A_1086 : memref<16x1024xf32, #tpu.memory_space<vmem>>)
    %add3A_1089 = arith.constant 0 : i32
    %add3A_1090 = arith.addi %add3A_1089, %mul3A_2 : i32
    %add3A_1091 = arith.constant 112 : i32
    %add3A_1092 = arith.addi %add3A_1090, %add3A_1091 : i32
    %add3A_1093 = arith.constant 4096 : i32
    %add3A_1094 = arith.addi %add3A_1093, %mul3A_2 : i32
    %add3A_1095 = arith.constant 112 : i32
    %add3A_1096 = arith.addi %add3A_1094, %add3A_1095 : i32
    %add3A_1097 = arith.constant 8192 : i32
    %add3A_1098 = arith.addi %add3A_1097, %mul3A_2 : i32
    %add3A_1099 = arith.constant 112 : i32
    %add3A_1100 = arith.addi %add3A_1098, %add3A_1099 : i32
    %add3A_1101 = arith.constant 12288 : i32
    %add3A_1102 = arith.addi %add3A_1101, %mul3A_2 : i32
    %add3A_1103 = arith.constant 112 : i32
    %add3A_1104 = arith.addi %add3A_1102, %add3A_1103 : i32
    %dma_start3A_1105 = arith.constant 3 : i32
    %dma_start3A_1106 = arith.constant 3 : i32
    %dma_start3A_1107 = arith.constant 0 : i32
    %dma_start3A_1108 = arith.constant 0 : i32
    %dma_start3A_1109 = tpu.memref_slice %arg4[%dma_start3A_1105, %dma_start3A_1107, %dma_start3A_1108] : memref<4x16x1024xf32, #tpu.memory_space<vmem>> -> memref<1x16x1024xf32, #tpu.memory_space<vmem>>
    %dma_start3A_1110 = tpu.memref_squeeze %dma_start3A_1109 : memref<1x16x1024xf32, #tpu.memory_space<vmem>> -> memref<16x1024xf32, #tpu.memory_space<vmem>>
    %dma_start3A_1111 = arith.constant 0 : i32
    %dma_start3A_1112 = tpu.memref_slice %arg3[%add3A_1092, %dma_start3A_1111] : memref<16384x1024xf32, #tpu.memory_space<hbm>> -> memref<16x1024xf32, #tpu.memory_space<hbm>>
    %dma_start3A_1113 = tpu.memref_slice %arg6[%dma_start3A_1106] : memref<4x!tpu.dma_semaphore, #tpu.memory_space<semaphore_mem>> -> memref<1x!tpu.dma_semaphore, #tpu.memory_space<semaphore_mem>>
    %dma_start3A_1114 = tpu.memref_squeeze %dma_start3A_1113 : memref<1x!tpu.dma_semaphore, #tpu.memory_space<semaphore_mem>> -> memref<!tpu.dma_semaphore, #tpu.memory_space<semaphore_mem>>
    %dma_start3A_1115 = arith.constant 0 : i32
    %dma_start3A_1116 = tpu.memref_slice %arg3[%add3A_1092, %dma_start3A_1115] : memref<16384x1024xf32, #tpu.memory_space<hbm>> -> memref<16x1024xf32, #tpu.memory_space<hbm>>
    %dma_start3A_1117 = arith.constant 0 : i32
    %dma_start3A_1118 = arith.constant 0 : i32
    %dma_start3A_1119 = tpu.memref_slice %arg4[%dma_start3A_1105, %dma_start3A_1117, %dma_start3A_1118] : memref<4x16x1024xf32, #tpu.memory_space<vmem>> -> memref<1x16x1024xf32, #tpu.memory_space<vmem>>
    %dma_start3A_1120 = tpu.memref_squeeze %dma_start3A_1119 : memref<1x16x1024xf32, #tpu.memory_space<vmem>> -> memref<16x1024xf32, #tpu.memory_space<vmem>>
    tpu.enqueue_dma source(%dma_start3A_1120 : memref<16x1024xf32, #tpu.memory_space<vmem>>) target(%dma_start3A_1116 : memref<16x1024xf32, #tpu.memory_space<hbm>>) target_semaphore(%dma_start3A_1114 : memref<!tpu.dma_semaphore, #tpu.memory_space<semaphore_mem>>)
    %dma_start3A_1121 = arith.constant 3 : i32
    %dma_start3A_1122 = arith.constant 3 : i32
    %dma_start3A_1123 = arith.constant 0 : i32
    %dma_start3A_1124 = arith.constant 0 : i32
    %dma_start3A_1125 = tpu.memref_slice %arg4[%dma_start3A_1121, %dma_start3A_1123, %dma_start3A_1124] : memref<4x16x1024xf32, #tpu.memory_space<vmem>> -> memref<1x16x1024xf32, #tpu.memory_space<vmem>>
    %dma_start3A_1126 = tpu.memref_squeeze %dma_start3A_1125 : memref<1x16x1024xf32, #tpu.memory_space<vmem>> -> memref<16x1024xf32, #tpu.memory_space<vmem>>
    %dma_start3A_1127 = arith.constant 0 : i32
    %dma_start3A_1128 = tpu.memref_slice %arg3[%add3A_1096, %dma_start3A_1127] : memref<16384x1024xf32, #tpu.memory_space<hbm>> -> memref<16x1024xf32, #tpu.memory_space<hbm>>
    %dma_start3A_1129 = tpu.memref_slice %arg6[%dma_start3A_1122] : memref<4x!tpu.dma_semaphore, #tpu.memory_space<semaphore_mem>> -> memref<1x!tpu.dma_semaphore, #tpu.memory_space<semaphore_mem>>
    %dma_start3A_1130 = tpu.memref_squeeze %dma_start3A_1129 : memref<1x!tpu.dma_semaphore, #tpu.memory_space<semaphore_mem>> -> memref<!tpu.dma_semaphore, #tpu.memory_space<semaphore_mem>>
    %dma_start3A_1131 = arith.constant 0 : i32
    %dma_start3A_1132 = tpu.memref_slice %arg3[%add3A_1096, %dma_start3A_1131] : memref<16384x1024xf32, #tpu.memory_space<hbm>> -> memref<16x1024xf32, #tpu.memory_space<hbm>>
    %dma_start3A_1133 = arith.constant 0 : i32
    %dma_start3A_1134 = arith.constant 0 : i32
    %dma_start3A_1135 = tpu.memref_slice %arg4[%dma_start3A_1121, %dma_start3A_1133, %dma_start3A_1134] : memref<4x16x1024xf32, #tpu.memory_space<vmem>> -> memref<1x16x1024xf32, #tpu.memory_space<vmem>>
    %dma_start3A_1136 = tpu.memref_squeeze %dma_start3A_1135 : memref<1x16x1024xf32, #tpu.memory_space<vmem>> -> memref<16x1024xf32, #tpu.memory_space<vmem>>
    tpu.enqueue_dma source(%dma_start3A_1136 : memref<16x1024xf32, #tpu.memory_space<vmem>>) target(%dma_start3A_1132 : memref<16x1024xf32, #tpu.memory_space<hbm>>) target_semaphore(%dma_start3A_1130 : memref<!tpu.dma_semaphore, #tpu.memory_space<semaphore_mem>>)
    %dma_start3A_1137 = arith.constant 3 : i32
    %dma_start3A_1138 = arith.constant 3 : i32
    %dma_start3A_1139 = arith.constant 0 : i32
    %dma_start3A_1140 = arith.constant 0 : i32
    %dma_start3A_1141 = tpu.memref_slice %arg4[%dma_start3A_1137, %dma_start3A_1139, %dma_start3A_1140] : memref<4x16x1024xf32, #tpu.memory_space<vmem>> -> memref<1x16x1024xf32, #tpu.memory_space<vmem>>
    %dma_start3A_1142 = tpu.memref_squeeze %dma_start3A_1141 : memref<1x16x1024xf32, #tpu.memory_space<vmem>> -> memref<16x1024xf32, #tpu.memory_space<vmem>>
    %dma_start3A_1143 = arith.constant 0 : i32
    %dma_start3A_1144 = tpu.memref_slice %arg3[%add3A_1100, %dma_start3A_1143] : memref<16384x1024xf32, #tpu.memory_space<hbm>> -> memref<16x1024xf32, #tpu.memory_space<hbm>>
    %dma_start3A_1145 = tpu.memref_slice %arg6[%dma_start3A_1138] : memref<4x!tpu.dma_semaphore, #tpu.memory_space<semaphore_mem>> -> memref<1x!tpu.dma_semaphore, #tpu.memory_space<semaphore_mem>>
    %dma_start3A_1146 = tpu.memref_squeeze %dma_start3A_1145 : memref<1x!tpu.dma_semaphore, #tpu.memory_space<semaphore_mem>> -> memref<!tpu.dma_semaphore, #tpu.memory_space<semaphore_mem>>
    %dma_start3A_1147 = arith.constant 0 : i32
    %dma_start3A_1148 = tpu.memref_slice %arg3[%add3A_1100, %dma_start3A_1147] : memref<16384x1024xf32, #tpu.memory_space<hbm>> -> memref<16x1024xf32, #tpu.memory_space<hbm>>
    %dma_start3A_1149 = arith.constant 0 : i32
    %dma_start3A_1150 = arith.constant 0 : i32
    %dma_start3A_1151 = tpu.memref_slice %arg4[%dma_start3A_1137, %dma_start3A_1149, %dma_start3A_1150] : memref<4x16x1024xf32, #tpu.memory_space<vmem>> -> memref<1x16x1024xf32, #tpu.memory_space<vmem>>
    %dma_start3A_1152 = tpu.memref_squeeze %dma_start3A_1151 : memref<1x16x1024xf32, #tpu.memory_space<vmem>> -> memref<16x1024xf32, #tpu.memory_space<vmem>>
    tpu.enqueue_dma source(%dma_start3A_1152 : memref<16x1024xf32, #tpu.memory_space<vmem>>) target(%dma_start3A_1148 : memref<16x1024xf32, #tpu.memory_space<hbm>>) target_semaphore(%dma_start3A_1146 : memref<!tpu.dma_semaphore, #tpu.memory_space<semaphore_mem>>)
    %dma_start3A_1153 = arith.constant 3 : i32
    %dma_start3A_1154 = arith.constant 3 : i32
    %dma_start3A_1155 = arith.constant 0 : i32
    %dma_start3A_1156 = arith.constant 0 : i32
    %dma_start3A_1157 = tpu.memref_slice %arg4[%dma_start3A_1153, %dma_start3A_1155, %dma_start3A_1156] : memref<4x16x1024xf32, #tpu.memory_space<vmem>> -> memref<1x16x1024xf32, #tpu.memory_space<vmem>>
    %dma_start3A_1158 = tpu.memref_squeeze %dma_start3A_1157 : memref<1x16x1024xf32, #tpu.memory_space<vmem>> -> memref<16x1024xf32, #tpu.memory_space<vmem>>
    %dma_start3A_1159 = arith.constant 0 : i32
    %dma_start3A_1160 = tpu.memref_slice %arg3[%add3A_1104, %dma_start3A_1159] : memref<16384x1024xf32, #tpu.memory_space<hbm>> -> memref<16x1024xf32, #tpu.memory_space<hbm>>
    %dma_start3A_1161 = tpu.memref_slice %arg6[%dma_start3A_1154] : memref<4x!tpu.dma_semaphore, #tpu.memory_space<semaphore_mem>> -> memref<1x!tpu.dma_semaphore, #tpu.memory_space<semaphore_mem>>
    %dma_start3A_1162 = tpu.memref_squeeze %dma_start3A_1161 : memref<1x!tpu.dma_semaphore, #tpu.memory_space<semaphore_mem>> -> memref<!tpu.dma_semaphore, #tpu.memory_space<semaphore_mem>>
    %dma_start3A_1163 = arith.constant 0 : i32
    %dma_start3A_1164 = tpu.memref_slice %arg3[%add3A_1104, %dma_start3A_1163] : memref<16384x1024xf32, #tpu.memory_space<hbm>> -> memref<16x1024xf32, #tpu.memory_space<hbm>>
    %dma_start3A_1165 = arith.constant 0 : i32
    %dma_start3A_1166 = arith.constant 0 : i32
    %dma_start3A_1167 = tpu.memref_slice %arg4[%dma_start3A_1153, %dma_start3A_1165, %dma_start3A_1166] : memref<4x16x1024xf32, #tpu.memory_space<vmem>> -> memref<1x16x1024xf32, #tpu.memory_space<vmem>>
    %dma_start3A_1168 = tpu.memref_squeeze %dma_start3A_1167 : memref<1x16x1024xf32, #tpu.memory_space<vmem>> -> memref<16x1024xf32, #tpu.memory_space<vmem>>
    tpu.enqueue_dma source(%dma_start3A_1168 : memref<16x1024xf32, #tpu.memory_space<vmem>>) target(%dma_start3A_1164 : memref<16x1024xf32, #tpu.memory_space<hbm>>) target_semaphore(%dma_start3A_1162 : memref<!tpu.dma_semaphore, #tpu.memory_space<semaphore_mem>>)
    %dma_wait3A_1169 = arith.constant 0 : i32
    %dma_wait3A_1170 = arith.constant 0 : i32
    %dma_wait3A_1171 = arith.constant 0 : i32
    %dma_wait3A_1172 = arith.constant 0 : i32
    %dma_wait3A_1173 = tpu.memref_slice %arg4[%dma_wait3A_1169, %dma_wait3A_1171, %dma_wait3A_1172] : memref<4x16x1024xf32, #tpu.memory_space<vmem>> -> memref<1x16x1024xf32, #tpu.memory_space<vmem>>
    %dma_wait3A_1174 = tpu.memref_squeeze %dma_wait3A_1173 : memref<1x16x1024xf32, #tpu.memory_space<vmem>> -> memref<16x1024xf32, #tpu.memory_space<vmem>>
    %dma_wait3A_1175 = arith.constant 0 : i32
    %dma_wait3A_1176 = tpu.memref_slice %arg3[%add3A_558, %dma_wait3A_1175] : memref<16384x1024xf32, #tpu.memory_space<hbm>> -> memref<16x1024xf32, #tpu.memory_space<hbm>>
    %dma_wait3A_1177 = tpu.memref_slice %arg6[%dma_wait3A_1170] : memref<4x!tpu.dma_semaphore, #tpu.memory_space<semaphore_mem>> -> memref<1x!tpu.dma_semaphore, #tpu.memory_space<semaphore_mem>>
    %dma_wait3A_1178 = tpu.memref_squeeze %dma_wait3A_1177 : memref<1x!tpu.dma_semaphore, #tpu.memory_space<semaphore_mem>> -> memref<!tpu.dma_semaphore, #tpu.memory_space<semaphore_mem>>
    %dma_wait3A_1179 = arith.constant 0 : i32
    %dma_wait3A_1180 = tpu.memref_slice %arg3[%add3A_558, %dma_wait3A_1179] : memref<16384x1024xf32, #tpu.memory_space<hbm>> -> memref<16x1024xf32, #tpu.memory_space<hbm>>
    %dma_wait3A_1181 = arith.constant 0 : i32
    %dma_wait3A_1182 = arith.constant 0 : i32
    %dma_wait3A_1183 = tpu.memref_slice %arg4[%dma_wait3A_1169, %dma_wait3A_1181, %dma_wait3A_1182] : memref<4x16x1024xf32, #tpu.memory_space<vmem>> -> memref<1x16x1024xf32, #tpu.memory_space<vmem>>
    %dma_wait3A_1184 = tpu.memref_squeeze %dma_wait3A_1183 : memref<1x16x1024xf32, #tpu.memory_space<vmem>> -> memref<16x1024xf32, #tpu.memory_space<vmem>>
    tpu.wait_dma2 semaphore(%dma_wait3A_1178 : memref<!tpu.dma_semaphore, #tpu.memory_space<semaphore_mem>>) src(%dma_wait3A_1184 : memref<16x1024xf32, #tpu.memory_space<vmem>>) dst(%dma_wait3A_1180 : memref<16x1024xf32, #tpu.memory_space<hbm>>)
    %dma_wait3A_1185 = arith.constant 0 : i32
    %dma_wait3A_1186 = arith.constant 0 : i32
    %dma_wait3A_1187 = arith.constant 0 : i32
    %dma_wait3A_1188 = arith.constant 0 : i32
    %dma_wait3A_1189 = tpu.memref_slice %arg4[%dma_wait3A_1185, %dma_wait3A_1187, %dma_wait3A_1188] : memref<4x16x1024xf32, #tpu.memory_space<vmem>> -> memref<1x16x1024xf32, #tpu.memory_space<vmem>>
    %dma_wait3A_1190 = tpu.memref_squeeze %dma_wait3A_1189 : memref<1x16x1024xf32, #tpu.memory_space<vmem>> -> memref<16x1024xf32, #tpu.memory_space<vmem>>
    %dma_wait3A_1191 = arith.constant 0 : i32
    %dma_wait3A_1192 = tpu.memref_slice %arg3[%add3A_562, %dma_wait3A_1191] : memref<16384x1024xf32, #tpu.memory_space<hbm>> -> memref<16x1024xf32, #tpu.memory_space<hbm>>
    %dma_wait3A_1193 = tpu.memref_slice %arg6[%dma_wait3A_1186] : memref<4x!tpu.dma_semaphore, #tpu.memory_space<semaphore_mem>> -> memref<1x!tpu.dma_semaphore, #tpu.memory_space<semaphore_mem>>
    %dma_wait3A_1194 = tpu.memref_squeeze %dma_wait3A_1193 : memref<1x!tpu.dma_semaphore, #tpu.memory_space<semaphore_mem>> -> memref<!tpu.dma_semaphore, #tpu.memory_space<semaphore_mem>>
    %dma_wait3A_1195 = arith.constant 0 : i32
    %dma_wait3A_1196 = tpu.memref_slice %arg3[%add3A_562, %dma_wait3A_1195] : memref<16384x1024xf32, #tpu.memory_space<hbm>> -> memref<16x1024xf32, #tpu.memory_space<hbm>>
    %dma_wait3A_1197 = arith.constant 0 : i32
    %dma_wait3A_1198 = arith.constant 0 : i32
    %dma_wait3A_1199 = tpu.memref_slice %arg4[%dma_wait3A_1185, %dma_wait3A_1197, %dma_wait3A_1198] : memref<4x16x1024xf32, #tpu.memory_space<vmem>> -> memref<1x16x1024xf32, #tpu.memory_space<vmem>>
    %dma_wait3A_1200 = tpu.memref_squeeze %dma_wait3A_1199 : memref<1x16x1024xf32, #tpu.memory_space<vmem>> -> memref<16x1024xf32, #tpu.memory_space<vmem>>
    tpu.wait_dma2 semaphore(%dma_wait3A_1194 : memref<!tpu.dma_semaphore, #tpu.memory_space<semaphore_mem>>) src(%dma_wait3A_1200 : memref<16x1024xf32, #tpu.memory_space<vmem>>) dst(%dma_wait3A_1196 : memref<16x1024xf32, #tpu.memory_space<hbm>>)
    %dma_wait3A_1201 = arith.constant 0 : i32
    %dma_wait3A_1202 = arith.constant 0 : i32
    %dma_wait3A_1203 = arith.constant 0 : i32
    %dma_wait3A_1204 = arith.constant 0 : i32
    %dma_wait3A_1205 = tpu.memref_slice %arg4[%dma_wait3A_1201, %dma_wait3A_1203, %dma_wait3A_1204] : memref<4x16x1024xf32, #tpu.memory_space<vmem>> -> memref<1x16x1024xf32, #tpu.memory_space<vmem>>
    %dma_wait3A_1206 = tpu.memref_squeeze %dma_wait3A_1205 : memref<1x16x1024xf32, #tpu.memory_space<vmem>> -> memref<16x1024xf32, #tpu.memory_space<vmem>>
    %dma_wait3A_1207 = arith.constant 0 : i32
    %dma_wait3A_1208 = tpu.memref_slice %arg3[%add3A_566, %dma_wait3A_1207] : memref<16384x1024xf32, #tpu.memory_space<hbm>> -> memref<16x1024xf32, #tpu.memory_space<hbm>>
    %dma_wait3A_1209 = tpu.memref_slice %arg6[%dma_wait3A_1202] : memref<4x!tpu.dma_semaphore, #tpu.memory_space<semaphore_mem>> -> memref<1x!tpu.dma_semaphore, #tpu.memory_space<semaphore_mem>>
    %dma_wait3A_1210 = tpu.memref_squeeze %dma_wait3A_1209 : memref<1x!tpu.dma_semaphore, #tpu.memory_space<semaphore_mem>> -> memref<!tpu.dma_semaphore, #tpu.memory_space<semaphore_mem>>
    %dma_wait3A_1211 = arith.constant 0 : i32
    %dma_wait3A_1212 = tpu.memref_slice %arg3[%add3A_566, %dma_wait3A_1211] : memref<16384x1024xf32, #tpu.memory_space<hbm>> -> memref<16x1024xf32, #tpu.memory_space<hbm>>
    %dma_wait3A_1213 = arith.constant 0 : i32
    %dma_wait3A_1214 = arith.constant 0 : i32
    %dma_wait3A_1215 = tpu.memref_slice %arg4[%dma_wait3A_1201, %dma_wait3A_1213, %dma_wait3A_1214] : memref<4x16x1024xf32, #tpu.memory_space<vmem>> -> memref<1x16x1024xf32, #tpu.memory_space<vmem>>
    %dma_wait3A_1216 = tpu.memref_squeeze %dma_wait3A_1215 : memref<1x16x1024xf32, #tpu.memory_space<vmem>> -> memref<16x1024xf32, #tpu.memory_space<vmem>>
    tpu.wait_dma2 semaphore(%dma_wait3A_1210 : memref<!tpu.dma_semaphore, #tpu.memory_space<semaphore_mem>>) src(%dma_wait3A_1216 : memref<16x1024xf32, #tpu.memory_space<vmem>>) dst(%dma_wait3A_1212 : memref<16x1024xf32, #tpu.memory_space<hbm>>)
    %dma_wait3A_1217 = arith.constant 0 : i32
    %dma_wait3A_1218 = arith.constant 0 : i32
    %dma_wait3A_1219 = arith.constant 0 : i32
    %dma_wait3A_1220 = arith.constant 0 : i32
    %dma_wait3A_1221 = tpu.memref_slice %arg4[%dma_wait3A_1217, %dma_wait3A_1219, %dma_wait3A_1220] : memref<4x16x1024xf32, #tpu.memory_space<vmem>> -> memref<1x16x1024xf32, #tpu.memory_space<vmem>>
    %dma_wait3A_1222 = tpu.memref_squeeze %dma_wait3A_1221 : memref<1x16x1024xf32, #tpu.memory_space<vmem>> -> memref<16x1024xf32, #tpu.memory_space<vmem>>
    %dma_wait3A_1223 = arith.constant 0 : i32
    %dma_wait3A_1224 = tpu.memref_slice %arg3[%add3A_570, %dma_wait3A_1223] : memref<16384x1024xf32, #tpu.memory_space<hbm>> -> memref<16x1024xf32, #tpu.memory_space<hbm>>
    %dma_wait3A_1225 = tpu.memref_slice %arg6[%dma_wait3A_1218] : memref<4x!tpu.dma_semaphore, #tpu.memory_space<semaphore_mem>> -> memref<1x!tpu.dma_semaphore, #tpu.memory_space<semaphore_mem>>
    %dma_wait3A_1226 = tpu.memref_squeeze %dma_wait3A_1225 : memref<1x!tpu.dma_semaphore, #tpu.memory_space<semaphore_mem>> -> memref<!tpu.dma_semaphore, #tpu.memory_space<semaphore_mem>>
    %dma_wait3A_1227 = arith.constant 0 : i32
    %dma_wait3A_1228 = tpu.memref_slice %arg3[%add3A_570, %dma_wait3A_1227] : memref<16384x1024xf32, #tpu.memory_space<hbm>> -> memref<16x1024xf32, #tpu.memory_space<hbm>>
    %dma_wait3A_1229 = arith.constant 0 : i32
    %dma_wait3A_1230 = arith.constant 0 : i32
    %dma_wait3A_1231 = tpu.memref_slice %arg4[%dma_wait3A_1217, %dma_wait3A_1229, %dma_wait3A_1230] : memref<4x16x1024xf32, #tpu.memory_space<vmem>> -> memref<1x16x1024xf32, #tpu.memory_space<vmem>>
    %dma_wait3A_1232 = tpu.memref_squeeze %dma_wait3A_1231 : memref<1x16x1024xf32, #tpu.memory_space<vmem>> -> memref<16x1024xf32, #tpu.memory_space<vmem>>
    tpu.wait_dma2 semaphore(%dma_wait3A_1226 : memref<!tpu.dma_semaphore, #tpu.memory_space<semaphore_mem>>) src(%dma_wait3A_1232 : memref<16x1024xf32, #tpu.memory_space<vmem>>) dst(%dma_wait3A_1228 : memref<16x1024xf32, #tpu.memory_space<hbm>>)
    %dma_wait3A_1233 = arith.constant 1 : i32
    %dma_wait3A_1234 = arith.constant 1 : i32
    %dma_wait3A_1235 = arith.constant 0 : i32
    %dma_wait3A_1236 = arith.constant 0 : i32
    %dma_wait3A_1237 = tpu.memref_slice %arg4[%dma_wait3A_1233, %dma_wait3A_1235, %dma_wait3A_1236] : memref<4x16x1024xf32, #tpu.memory_space<vmem>> -> memref<1x16x1024xf32, #tpu.memory_space<vmem>>
    %dma_wait3A_1238 = tpu.memref_squeeze %dma_wait3A_1237 : memref<1x16x1024xf32, #tpu.memory_space<vmem>> -> memref<16x1024xf32, #tpu.memory_space<vmem>>
    %dma_wait3A_1239 = arith.constant 0 : i32
    %dma_wait3A_1240 = tpu.memref_slice %arg3[%add3A_736, %dma_wait3A_1239] : memref<16384x1024xf32, #tpu.memory_space<hbm>> -> memref<16x1024xf32, #tpu.memory_space<hbm>>
    %dma_wait3A_1241 = tpu.memref_slice %arg6[%dma_wait3A_1234] : memref<4x!tpu.dma_semaphore, #tpu.memory_space<semaphore_mem>> -> memref<1x!tpu.dma_semaphore, #tpu.memory_space<semaphore_mem>>
    %dma_wait3A_1242 = tpu.memref_squeeze %dma_wait3A_1241 : memref<1x!tpu.dma_semaphore, #tpu.memory_space<semaphore_mem>> -> memref<!tpu.dma_semaphore, #tpu.memory_space<semaphore_mem>>
    %dma_wait3A_1243 = arith.constant 0 : i32
    %dma_wait3A_1244 = tpu.memref_slice %arg3[%add3A_736, %dma_wait3A_1243] : memref<16384x1024xf32, #tpu.memory_space<hbm>> -> memref<16x1024xf32, #tpu.memory_space<hbm>>
    %dma_wait3A_1245 = arith.constant 0 : i32
    %dma_wait3A_1246 = arith.constant 0 : i32
    %dma_wait3A_1247 = tpu.memref_slice %arg4[%dma_wait3A_1233, %dma_wait3A_1245, %dma_wait3A_1246] : memref<4x16x1024xf32, #tpu.memory_space<vmem>> -> memref<1x16x1024xf32, #tpu.memory_space<vmem>>
    %dma_wait3A_1248 = tpu.memref_squeeze %dma_wait3A_1247 : memref<1x16x1024xf32, #tpu.memory_space<vmem>> -> memref<16x1024xf32, #tpu.memory_space<vmem>>
    tpu.wait_dma2 semaphore(%dma_wait3A_1242 : memref<!tpu.dma_semaphore, #tpu.memory_space<semaphore_mem>>) src(%dma_wait3A_1248 : memref<16x1024xf32, #tpu.memory_space<vmem>>) dst(%dma_wait3A_1244 : memref<16x1024xf32, #tpu.memory_space<hbm>>)
    %dma_wait3A_1249 = arith.constant 1 : i32
    %dma_wait3A_1250 = arith.constant 1 : i32
    %dma_wait3A_1251 = arith.constant 0 : i32
    %dma_wait3A_1252 = arith.constant 0 : i32
    %dma_wait3A_1253 = tpu.memref_slice %arg4[%dma_wait3A_1249, %dma_wait3A_1251, %dma_wait3A_1252] : memref<4x16x1024xf32, #tpu.memory_space<vmem>> -> memref<1x16x1024xf32, #tpu.memory_space<vmem>>
    %dma_wait3A_1254 = tpu.memref_squeeze %dma_wait3A_1253 : memref<1x16x1024xf32, #tpu.memory_space<vmem>> -> memref<16x1024xf32, #tpu.memory_space<vmem>>
    %dma_wait3A_1255 = arith.constant 0 : i32
    %dma_wait3A_1256 = tpu.memref_slice %arg3[%add3A_740, %dma_wait3A_1255] : memref<16384x1024xf32, #tpu.memory_space<hbm>> -> memref<16x1024xf32, #tpu.memory_space<hbm>>
    %dma_wait3A_1257 = tpu.memref_slice %arg6[%dma_wait3A_1250] : memref<4x!tpu.dma_semaphore, #tpu.memory_space<semaphore_mem>> -> memref<1x!tpu.dma_semaphore, #tpu.memory_space<semaphore_mem>>
    %dma_wait3A_1258 = tpu.memref_squeeze %dma_wait3A_1257 : memref<1x!tpu.dma_semaphore, #tpu.memory_space<semaphore_mem>> -> memref<!tpu.dma_semaphore, #tpu.memory_space<semaphore_mem>>
    %dma_wait3A_1259 = arith.constant 0 : i32
    %dma_wait3A_1260 = tpu.memref_slice %arg3[%add3A_740, %dma_wait3A_1259] : memref<16384x1024xf32, #tpu.memory_space<hbm>> -> memref<16x1024xf32, #tpu.memory_space<hbm>>
    %dma_wait3A_1261 = arith.constant 0 : i32
    %dma_wait3A_1262 = arith.constant 0 : i32
    %dma_wait3A_1263 = tpu.memref_slice %arg4[%dma_wait3A_1249, %dma_wait3A_1261, %dma_wait3A_1262] : memref<4x16x1024xf32, #tpu.memory_space<vmem>> -> memref<1x16x1024xf32, #tpu.memory_space<vmem>>
    %dma_wait3A_1264 = tpu.memref_squeeze %dma_wait3A_1263 : memref<1x16x1024xf32, #tpu.memory_space<vmem>> -> memref<16x1024xf32, #tpu.memory_space<vmem>>
    tpu.wait_dma2 semaphore(%dma_wait3A_1258 : memref<!tpu.dma_semaphore, #tpu.memory_space<semaphore_mem>>) src(%dma_wait3A_1264 : memref<16x1024xf32, #tpu.memory_space<vmem>>) dst(%dma_wait3A_1260 : memref<16x1024xf32, #tpu.memory_space<hbm>>)
    %dma_wait3A_1265 = arith.constant 1 : i32
    %dma_wait3A_1266 = arith.constant 1 : i32
    %dma_wait3A_1267 = arith.constant 0 : i32
    %dma_wait3A_1268 = arith.constant 0 : i32
    %dma_wait3A_1269 = tpu.memref_slice %arg4[%dma_wait3A_1265, %dma_wait3A_1267, %dma_wait3A_1268] : memref<4x16x1024xf32, #tpu.memory_space<vmem>> -> memref<1x16x1024xf32, #tpu.memory_space<vmem>>
    %dma_wait3A_1270 = tpu.memref_squeeze %dma_wait3A_1269 : memref<1x16x1024xf32, #tpu.memory_space<vmem>> -> memref<16x1024xf32, #tpu.memory_space<vmem>>
    %dma_wait3A_1271 = arith.constant 0 : i32
    %dma_wait3A_1272 = tpu.memref_slice %arg3[%add3A_744, %dma_wait3A_1271] : memref<16384x1024xf32, #tpu.memory_space<hbm>> -> memref<16x1024xf32, #tpu.memory_space<hbm>>
    %dma_wait3A_1273 = tpu.memref_slice %arg6[%dma_wait3A_1266] : memref<4x!tpu.dma_semaphore, #tpu.memory_space<semaphore_mem>> -> memref<1x!tpu.dma_semaphore, #tpu.memory_space<semaphore_mem>>
    %dma_wait3A_1274 = tpu.memref_squeeze %dma_wait3A_1273 : memref<1x!tpu.dma_semaphore, #tpu.memory_space<semaphore_mem>> -> memref<!tpu.dma_semaphore, #tpu.memory_space<semaphore_mem>>
    %dma_wait3A_1275 = arith.constant 0 : i32
    %dma_wait3A_1276 = tpu.memref_slice %arg3[%add3A_744, %dma_wait3A_1275] : memref<16384x1024xf32, #tpu.memory_space<hbm>> -> memref<16x1024xf32, #tpu.memory_space<hbm>>
    %dma_wait3A_1277 = arith.constant 0 : i32
    %dma_wait3A_1278 = arith.constant 0 : i32
    %dma_wait3A_1279 = tpu.memref_slice %arg4[%dma_wait3A_1265, %dma_wait3A_1277, %dma_wait3A_1278] : memref<4x16x1024xf32, #tpu.memory_space<vmem>> -> memref<1x16x1024xf32, #tpu.memory_space<vmem>>
    %dma_wait3A_1280 = tpu.memref_squeeze %dma_wait3A_1279 : memref<1x16x1024xf32, #tpu.memory_space<vmem>> -> memref<16x1024xf32, #tpu.memory_space<vmem>>
    tpu.wait_dma2 semaphore(%dma_wait3A_1274 : memref<!tpu.dma_semaphore, #tpu.memory_space<semaphore_mem>>) src(%dma_wait3A_1280 : memref<16x1024xf32, #tpu.memory_space<vmem>>) dst(%dma_wait3A_1276 : memref<16x1024xf32, #tpu.memory_space<hbm>>)
    %dma_wait3A_1281 = arith.constant 1 : i32
    %dma_wait3A_1282 = arith.constant 1 : i32
    %dma_wait3A_1283 = arith.constant 0 : i32
    %dma_wait3A_1284 = arith.constant 0 : i32
    %dma_wait3A_1285 = tpu.memref_slice %arg4[%dma_wait3A_1281, %dma_wait3A_1283, %dma_wait3A_1284] : memref<4x16x1024xf32, #tpu.memory_space<vmem>> -> memref<1x16x1024xf32, #tpu.memory_space<vmem>>
    %dma_wait3A_1286 = tpu.memref_squeeze %dma_wait3A_1285 : memref<1x16x1024xf32, #tpu.memory_space<vmem>> -> memref<16x1024xf32, #tpu.memory_space<vmem>>
    %dma_wait3A_1287 = arith.constant 0 : i32
    %dma_wait3A_1288 = tpu.memref_slice %arg3[%add3A_748, %dma_wait3A_1287] : memref<16384x1024xf32, #tpu.memory_space<hbm>> -> memref<16x1024xf32, #tpu.memory_space<hbm>>
    %dma_wait3A_1289 = tpu.memref_slice %arg6[%dma_wait3A_1282] : memref<4x!tpu.dma_semaphore, #tpu.memory_space<semaphore_mem>> -> memref<1x!tpu.dma_semaphore, #tpu.memory_space<semaphore_mem>>
    %dma_wait3A_1290 = tpu.memref_squeeze %dma_wait3A_1289 : memref<1x!tpu.dma_semaphore, #tpu.memory_space<semaphore_mem>> -> memref<!tpu.dma_semaphore, #tpu.memory_space<semaphore_mem>>
    %dma_wait3A_1291 = arith.constant 0 : i32
    %dma_wait3A_1292 = tpu.memref_slice %arg3[%add3A_748, %dma_wait3A_1291] : memref<16384x1024xf32, #tpu.memory_space<hbm>> -> memref<16x1024xf32, #tpu.memory_space<hbm>>
    %dma_wait3A_1293 = arith.constant 0 : i32
    %dma_wait3A_1294 = arith.constant 0 : i32
    %dma_wait3A_1295 = tpu.memref_slice %arg4[%dma_wait3A_1281, %dma_wait3A_1293, %dma_wait3A_1294] : memref<4x16x1024xf32, #tpu.memory_space<vmem>> -> memref<1x16x1024xf32, #tpu.memory_space<vmem>>
    %dma_wait3A_1296 = tpu.memref_squeeze %dma_wait3A_1295 : memref<1x16x1024xf32, #tpu.memory_space<vmem>> -> memref<16x1024xf32, #tpu.memory_space<vmem>>
    tpu.wait_dma2 semaphore(%dma_wait3A_1290 : memref<!tpu.dma_semaphore, #tpu.memory_space<semaphore_mem>>) src(%dma_wait3A_1296 : memref<16x1024xf32, #tpu.memory_space<vmem>>) dst(%dma_wait3A_1292 : memref<16x1024xf32, #tpu.memory_space<hbm>>)
    %dma_wait3A_1297 = arith.constant 2 : i32
    %dma_wait3A_1298 = arith.constant 2 : i32
    %dma_wait3A_1299 = arith.constant 0 : i32
    %dma_wait3A_1300 = arith.constant 0 : i32
    %dma_wait3A_1301 = tpu.memref_slice %arg4[%dma_wait3A_1297, %dma_wait3A_1299, %dma_wait3A_1300] : memref<4x16x1024xf32, #tpu.memory_space<vmem>> -> memref<1x16x1024xf32, #tpu.memory_space<vmem>>
    %dma_wait3A_1302 = tpu.memref_squeeze %dma_wait3A_1301 : memref<1x16x1024xf32, #tpu.memory_space<vmem>> -> memref<16x1024xf32, #tpu.memory_space<vmem>>
    %dma_wait3A_1303 = arith.constant 0 : i32
    %dma_wait3A_1304 = tpu.memref_slice %arg3[%add3A_914, %dma_wait3A_1303] : memref<16384x1024xf32, #tpu.memory_space<hbm>> -> memref<16x1024xf32, #tpu.memory_space<hbm>>
    %dma_wait3A_1305 = tpu.memref_slice %arg6[%dma_wait3A_1298] : memref<4x!tpu.dma_semaphore, #tpu.memory_space<semaphore_mem>> -> memref<1x!tpu.dma_semaphore, #tpu.memory_space<semaphore_mem>>
    %dma_wait3A_1306 = tpu.memref_squeeze %dma_wait3A_1305 : memref<1x!tpu.dma_semaphore, #tpu.memory_space<semaphore_mem>> -> memref<!tpu.dma_semaphore, #tpu.memory_space<semaphore_mem>>
    %dma_wait3A_1307 = arith.constant 0 : i32
    %dma_wait3A_1308 = tpu.memref_slice %arg3[%add3A_914, %dma_wait3A_1307] : memref<16384x1024xf32, #tpu.memory_space<hbm>> -> memref<16x1024xf32, #tpu.memory_space<hbm>>
    %dma_wait3A_1309 = arith.constant 0 : i32
    %dma_wait3A_1310 = arith.constant 0 : i32
    %dma_wait3A_1311 = tpu.memref_slice %arg4[%dma_wait3A_1297, %dma_wait3A_1309, %dma_wait3A_1310] : memref<4x16x1024xf32, #tpu.memory_space<vmem>> -> memref<1x16x1024xf32, #tpu.memory_space<vmem>>
    %dma_wait3A_1312 = tpu.memref_squeeze %dma_wait3A_1311 : memref<1x16x1024xf32, #tpu.memory_space<vmem>> -> memref<16x1024xf32, #tpu.memory_space<vmem>>
    tpu.wait_dma2 semaphore(%dma_wait3A_1306 : memref<!tpu.dma_semaphore, #tpu.memory_space<semaphore_mem>>) src(%dma_wait3A_1312 : memref<16x1024xf32, #tpu.memory_space<vmem>>) dst(%dma_wait3A_1308 : memref<16x1024xf32, #tpu.memory_space<hbm>>)
    %dma_wait3A_1313 = arith.constant 2 : i32
    %dma_wait3A_1314 = arith.constant 2 : i32
    %dma_wait3A_1315 = arith.constant 0 : i32
    %dma_wait3A_1316 = arith.constant 0 : i32
    %dma_wait3A_1317 = tpu.memref_slice %arg4[%dma_wait3A_1313, %dma_wait3A_1315, %dma_wait3A_1316] : memref<4x16x1024xf32, #tpu.memory_space<vmem>> -> memref<1x16x1024xf32, #tpu.memory_space<vmem>>
    %dma_wait3A_1318 = tpu.memref_squeeze %dma_wait3A_1317 : memref<1x16x1024xf32, #tpu.memory_space<vmem>> -> memref<16x1024xf32, #tpu.memory_space<vmem>>
    %dma_wait3A_1319 = arith.constant 0 : i32
    %dma_wait3A_1320 = tpu.memref_slice %arg3[%add3A_918, %dma_wait3A_1319] : memref<16384x1024xf32, #tpu.memory_space<hbm>> -> memref<16x1024xf32, #tpu.memory_space<hbm>>
    %dma_wait3A_1321 = tpu.memref_slice %arg6[%dma_wait3A_1314] : memref<4x!tpu.dma_semaphore, #tpu.memory_space<semaphore_mem>> -> memref<1x!tpu.dma_semaphore, #tpu.memory_space<semaphore_mem>>
    %dma_wait3A_1322 = tpu.memref_squeeze %dma_wait3A_1321 : memref<1x!tpu.dma_semaphore, #tpu.memory_space<semaphore_mem>> -> memref<!tpu.dma_semaphore, #tpu.memory_space<semaphore_mem>>
    %dma_wait3A_1323 = arith.constant 0 : i32
    %dma_wait3A_1324 = tpu.memref_slice %arg3[%add3A_918, %dma_wait3A_1323] : memref<16384x1024xf32, #tpu.memory_space<hbm>> -> memref<16x1024xf32, #tpu.memory_space<hbm>>
    %dma_wait3A_1325 = arith.constant 0 : i32
    %dma_wait3A_1326 = arith.constant 0 : i32
    %dma_wait3A_1327 = tpu.memref_slice %arg4[%dma_wait3A_1313, %dma_wait3A_1325, %dma_wait3A_1326] : memref<4x16x1024xf32, #tpu.memory_space<vmem>> -> memref<1x16x1024xf32, #tpu.memory_space<vmem>>
    %dma_wait3A_1328 = tpu.memref_squeeze %dma_wait3A_1327 : memref<1x16x1024xf32, #tpu.memory_space<vmem>> -> memref<16x1024xf32, #tpu.memory_space<vmem>>
    tpu.wait_dma2 semaphore(%dma_wait3A_1322 : memref<!tpu.dma_semaphore, #tpu.memory_space<semaphore_mem>>) src(%dma_wait3A_1328 : memref<16x1024xf32, #tpu.memory_space<vmem>>) dst(%dma_wait3A_1324 : memref<16x1024xf32, #tpu.memory_space<hbm>>)
    %dma_wait3A_1329 = arith.constant 2 : i32
    %dma_wait3A_1330 = arith.constant 2 : i32
    %dma_wait3A_1331 = arith.constant 0 : i32
    %dma_wait3A_1332 = arith.constant 0 : i32
    %dma_wait3A_1333 = tpu.memref_slice %arg4[%dma_wait3A_1329, %dma_wait3A_1331, %dma_wait3A_1332] : memref<4x16x1024xf32, #tpu.memory_space<vmem>> -> memref<1x16x1024xf32, #tpu.memory_space<vmem>>
    %dma_wait3A_1334 = tpu.memref_squeeze %dma_wait3A_1333 : memref<1x16x1024xf32, #tpu.memory_space<vmem>> -> memref<16x1024xf32, #tpu.memory_space<vmem>>
    %dma_wait3A_1335 = arith.constant 0 : i32
    %dma_wait3A_1336 = tpu.memref_slice %arg3[%add3A_922, %dma_wait3A_1335] : memref<16384x1024xf32, #tpu.memory_space<hbm>> -> memref<16x1024xf32, #tpu.memory_space<hbm>>
    %dma_wait3A_1337 = tpu.memref_slice %arg6[%dma_wait3A_1330] : memref<4x!tpu.dma_semaphore, #tpu.memory_space<semaphore_mem>> -> memref<1x!tpu.dma_semaphore, #tpu.memory_space<semaphore_mem>>
    %dma_wait3A_1338 = tpu.memref_squeeze %dma_wait3A_1337 : memref<1x!tpu.dma_semaphore, #tpu.memory_space<semaphore_mem>> -> memref<!tpu.dma_semaphore, #tpu.memory_space<semaphore_mem>>
    %dma_wait3A_1339 = arith.constant 0 : i32
    %dma_wait3A_1340 = tpu.memref_slice %arg3[%add3A_922, %dma_wait3A_1339] : memref<16384x1024xf32, #tpu.memory_space<hbm>> -> memref<16x1024xf32, #tpu.memory_space<hbm>>
    %dma_wait3A_1341 = arith.constant 0 : i32
    %dma_wait3A_1342 = arith.constant 0 : i32
    %dma_wait3A_1343 = tpu.memref_slice %arg4[%dma_wait3A_1329, %dma_wait3A_1341, %dma_wait3A_1342] : memref<4x16x1024xf32, #tpu.memory_space<vmem>> -> memref<1x16x1024xf32, #tpu.memory_space<vmem>>
    %dma_wait3A_1344 = tpu.memref_squeeze %dma_wait3A_1343 : memref<1x16x1024xf32, #tpu.memory_space<vmem>> -> memref<16x1024xf32, #tpu.memory_space<vmem>>
    tpu.wait_dma2 semaphore(%dma_wait3A_1338 : memref<!tpu.dma_semaphore, #tpu.memory_space<semaphore_mem>>) src(%dma_wait3A_1344 : memref<16x1024xf32, #tpu.memory_space<vmem>>) dst(%dma_wait3A_1340 : memref<16x1024xf32, #tpu.memory_space<hbm>>)
    %dma_wait3A_1345 = arith.constant 2 : i32
    %dma_wait3A_1346 = arith.constant 2 : i32
    %dma_wait3A_1347 = arith.constant 0 : i32
    %dma_wait3A_1348 = arith.constant 0 : i32
    %dma_wait3A_1349 = tpu.memref_slice %arg4[%dma_wait3A_1345, %dma_wait3A_1347, %dma_wait3A_1348] : memref<4x16x1024xf32, #tpu.memory_space<vmem>> -> memref<1x16x1024xf32, #tpu.memory_space<vmem>>
    %dma_wait3A_1350 = tpu.memref_squeeze %dma_wait3A_1349 : memref<1x16x1024xf32, #tpu.memory_space<vmem>> -> memref<16x1024xf32, #tpu.memory_space<vmem>>
    %dma_wait3A_1351 = arith.constant 0 : i32
    %dma_wait3A_1352 = tpu.memref_slice %arg3[%add3A_926, %dma_wait3A_1351] : memref<16384x1024xf32, #tpu.memory_space<hbm>> -> memref<16x1024xf32, #tpu.memory_space<hbm>>
    %dma_wait3A_1353 = tpu.memref_slice %arg6[%dma_wait3A_1346] : memref<4x!tpu.dma_semaphore, #tpu.memory_space<semaphore_mem>> -> memref<1x!tpu.dma_semaphore, #tpu.memory_space<semaphore_mem>>
    %dma_wait3A_1354 = tpu.memref_squeeze %dma_wait3A_1353 : memref<1x!tpu.dma_semaphore, #tpu.memory_space<semaphore_mem>> -> memref<!tpu.dma_semaphore, #tpu.memory_space<semaphore_mem>>
    %dma_wait3A_1355 = arith.constant 0 : i32
    %dma_wait3A_1356 = tpu.memref_slice %arg3[%add3A_926, %dma_wait3A_1355] : memref<16384x1024xf32, #tpu.memory_space<hbm>> -> memref<16x1024xf32, #tpu.memory_space<hbm>>
    %dma_wait3A_1357 = arith.constant 0 : i32
    %dma_wait3A_1358 = arith.constant 0 : i32
    %dma_wait3A_1359 = tpu.memref_slice %arg4[%dma_wait3A_1345, %dma_wait3A_1357, %dma_wait3A_1358] : memref<4x16x1024xf32, #tpu.memory_space<vmem>> -> memref<1x16x1024xf32, #tpu.memory_space<vmem>>
    %dma_wait3A_1360 = tpu.memref_squeeze %dma_wait3A_1359 : memref<1x16x1024xf32, #tpu.memory_space<vmem>> -> memref<16x1024xf32, #tpu.memory_space<vmem>>
    tpu.wait_dma2 semaphore(%dma_wait3A_1354 : memref<!tpu.dma_semaphore, #tpu.memory_space<semaphore_mem>>) src(%dma_wait3A_1360 : memref<16x1024xf32, #tpu.memory_space<vmem>>) dst(%dma_wait3A_1356 : memref<16x1024xf32, #tpu.memory_space<hbm>>)
    %dma_wait3A_1361 = arith.constant 3 : i32
    %dma_wait3A_1362 = arith.constant 3 : i32
    %dma_wait3A_1363 = arith.constant 0 : i32
    %dma_wait3A_1364 = arith.constant 0 : i32
    %dma_wait3A_1365 = tpu.memref_slice %arg4[%dma_wait3A_1361, %dma_wait3A_1363, %dma_wait3A_1364] : memref<4x16x1024xf32, #tpu.memory_space<vmem>> -> memref<1x16x1024xf32, #tpu.memory_space<vmem>>
    %dma_wait3A_1366 = tpu.memref_squeeze %dma_wait3A_1365 : memref<1x16x1024xf32, #tpu.memory_space<vmem>> -> memref<16x1024xf32, #tpu.memory_space<vmem>>
    %dma_wait3A_1367 = arith.constant 0 : i32
    %dma_wait3A_1368 = tpu.memref_slice %arg3[%add3A_1092, %dma_wait3A_1367] : memref<16384x1024xf32, #tpu.memory_space<hbm>> -> memref<16x1024xf32, #tpu.memory_space<hbm>>
    %dma_wait3A_1369 = tpu.memref_slice %arg6[%dma_wait3A_1362] : memref<4x!tpu.dma_semaphore, #tpu.memory_space<semaphore_mem>> -> memref<1x!tpu.dma_semaphore, #tpu.memory_space<semaphore_mem>>
    %dma_wait3A_1370 = tpu.memref_squeeze %dma_wait3A_1369 : memref<1x!tpu.dma_semaphore, #tpu.memory_space<semaphore_mem>> -> memref<!tpu.dma_semaphore, #tpu.memory_space<semaphore_mem>>
    %dma_wait3A_1371 = arith.constant 0 : i32
    %dma_wait3A_1372 = tpu.memref_slice %arg3[%add3A_1092, %dma_wait3A_1371] : memref<16384x1024xf32, #tpu.memory_space<hbm>> -> memref<16x1024xf32, #tpu.memory_space<hbm>>
    %dma_wait3A_1373 = arith.constant 0 : i32
    %dma_wait3A_1374 = arith.constant 0 : i32
    %dma_wait3A_1375 = tpu.memref_slice %arg4[%dma_wait3A_1361, %dma_wait3A_1373, %dma_wait3A_1374] : memref<4x16x1024xf32, #tpu.memory_space<vmem>> -> memref<1x16x1024xf32, #tpu.memory_space<vmem>>
    %dma_wait3A_1376 = tpu.memref_squeeze %dma_wait3A_1375 : memref<1x16x1024xf32, #tpu.memory_space<vmem>> -> memref<16x1024xf32, #tpu.memory_space<vmem>>
    tpu.wait_dma2 semaphore(%dma_wait3A_1370 : memref<!tpu.dma_semaphore, #tpu.memory_space<semaphore_mem>>) src(%dma_wait3A_1376 : memref<16x1024xf32, #tpu.memory_space<vmem>>) dst(%dma_wait3A_1372 : memref<16x1024xf32, #tpu.memory_space<hbm>>)
    %dma_wait3A_1377 = arith.constant 3 : i32
    %dma_wait3A_1378 = arith.constant 3 : i32
    %dma_wait3A_1379 = arith.constant 0 : i32
    %dma_wait3A_1380 = arith.constant 0 : i32
    %dma_wait3A_1381 = tpu.memref_slice %arg4[%dma_wait3A_1377, %dma_wait3A_1379, %dma_wait3A_1380] : memref<4x16x1024xf32, #tpu.memory_space<vmem>> -> memref<1x16x1024xf32, #tpu.memory_space<vmem>>
    %dma_wait3A_1382 = tpu.memref_squeeze %dma_wait3A_1381 : memref<1x16x1024xf32, #tpu.memory_space<vmem>> -> memref<16x1024xf32, #tpu.memory_space<vmem>>
    %dma_wait3A_1383 = arith.constant 0 : i32
    %dma_wait3A_1384 = tpu.memref_slice %arg3[%add3A_1096, %dma_wait3A_1383] : memref<16384x1024xf32, #tpu.memory_space<hbm>> -> memref<16x1024xf32, #tpu.memory_space<hbm>>
    %dma_wait3A_1385 = tpu.memref_slice %arg6[%dma_wait3A_1378] : memref<4x!tpu.dma_semaphore, #tpu.memory_space<semaphore_mem>> -> memref<1x!tpu.dma_semaphore, #tpu.memory_space<semaphore_mem>>
    %dma_wait3A_1386 = tpu.memref_squeeze %dma_wait3A_1385 : memref<1x!tpu.dma_semaphore, #tpu.memory_space<semaphore_mem>> -> memref<!tpu.dma_semaphore, #tpu.memory_space<semaphore_mem>>
    %dma_wait3A_1387 = arith.constant 0 : i32
    %dma_wait3A_1388 = tpu.memref_slice %arg3[%add3A_1096, %dma_wait3A_1387] : memref<16384x1024xf32, #tpu.memory_space<hbm>> -> memref<16x1024xf32, #tpu.memory_space<hbm>>
    %dma_wait3A_1389 = arith.constant 0 : i32
    %dma_wait3A_1390 = arith.constant 0 : i32
    %dma_wait3A_1391 = tpu.memref_slice %arg4[%dma_wait3A_1377, %dma_wait3A_1389, %dma_wait3A_1390] : memref<4x16x1024xf32, #tpu.memory_space<vmem>> -> memref<1x16x1024xf32, #tpu.memory_space<vmem>>
    %dma_wait3A_1392 = tpu.memref_squeeze %dma_wait3A_1391 : memref<1x16x1024xf32, #tpu.memory_space<vmem>> -> memref<16x1024xf32, #tpu.memory_space<vmem>>
    tpu.wait_dma2 semaphore(%dma_wait3A_1386 : memref<!tpu.dma_semaphore, #tpu.memory_space<semaphore_mem>>) src(%dma_wait3A_1392 : memref<16x1024xf32, #tpu.memory_space<vmem>>) dst(%dma_wait3A_1388 : memref<16x1024xf32, #tpu.memory_space<hbm>>)
    %dma_wait3A_1393 = arith.constant 3 : i32
    %dma_wait3A_1394 = arith.constant 3 : i32
    %dma_wait3A_1395 = arith.constant 0 : i32
    %dma_wait3A_1396 = arith.constant 0 : i32
    %dma_wait3A_1397 = tpu.memref_slice %arg4[%dma_wait3A_1393, %dma_wait3A_1395, %dma_wait3A_1396] : memref<4x16x1024xf32, #tpu.memory_space<vmem>> -> memref<1x16x1024xf32, #tpu.memory_space<vmem>>
    %dma_wait3A_1398 = tpu.memref_squeeze %dma_wait3A_1397 : memref<1x16x1024xf32, #tpu.memory_space<vmem>> -> memref<16x1024xf32, #tpu.memory_space<vmem>>
    %dma_wait3A_1399 = arith.constant 0 : i32
    %dma_wait3A_1400 = tpu.memref_slice %arg3[%add3A_1100, %dma_wait3A_1399] : memref<16384x1024xf32, #tpu.memory_space<hbm>> -> memref<16x1024xf32, #tpu.memory_space<hbm>>
    %dma_wait3A_1401 = tpu.memref_slice %arg6[%dma_wait3A_1394] : memref<4x!tpu.dma_semaphore, #tpu.memory_space<semaphore_mem>> -> memref<1x!tpu.dma_semaphore, #tpu.memory_space<semaphore_mem>>
    %dma_wait3A_1402 = tpu.memref_squeeze %dma_wait3A_1401 : memref<1x!tpu.dma_semaphore, #tpu.memory_space<semaphore_mem>> -> memref<!tpu.dma_semaphore, #tpu.memory_space<semaphore_mem>>
    %dma_wait3A_1403 = arith.constant 0 : i32
    %dma_wait3A_1404 = tpu.memref_slice %arg3[%add3A_1100, %dma_wait3A_1403] : memref<16384x1024xf32, #tpu.memory_space<hbm>> -> memref<16x1024xf32, #tpu.memory_space<hbm>>
    %dma_wait3A_1405 = arith.constant 0 : i32
    %dma_wait3A_1406 = arith.constant 0 : i32
    %dma_wait3A_1407 = tpu.memref_slice %arg4[%dma_wait3A_1393, %dma_wait3A_1405, %dma_wait3A_1406] : memref<4x16x1024xf32, #tpu.memory_space<vmem>> -> memref<1x16x1024xf32, #tpu.memory_space<vmem>>
    %dma_wait3A_1408 = tpu.memref_squeeze %dma_wait3A_1407 : memref<1x16x1024xf32, #tpu.memory_space<vmem>> -> memref<16x1024xf32, #tpu.memory_space<vmem>>
    tpu.wait_dma2 semaphore(%dma_wait3A_1402 : memref<!tpu.dma_semaphore, #tpu.memory_space<semaphore_mem>>) src(%dma_wait3A_1408 : memref<16x1024xf32, #tpu.memory_space<vmem>>) dst(%dma_wait3A_1404 : memref<16x1024xf32, #tpu.memory_space<hbm>>)
    %dma_wait3A_1409 = arith.constant 3 : i32
    %dma_wait3A_1410 = arith.constant 3 : i32
    %dma_wait3A_1411 = arith.constant 0 : i32
    %dma_wait3A_1412 = arith.constant 0 : i32
    %dma_wait3A_1413 = tpu.memref_slice %arg4[%dma_wait3A_1409, %dma_wait3A_1411, %dma_wait3A_1412] : memref<4x16x1024xf32, #tpu.memory_space<vmem>> -> memref<1x16x1024xf32, #tpu.memory_space<vmem>>
    %dma_wait3A_1414 = tpu.memref_squeeze %dma_wait3A_1413 : memref<1x16x1024xf32, #tpu.memory_space<vmem>> -> memref<16x1024xf32, #tpu.memory_space<vmem>>
    %dma_wait3A_1415 = arith.constant 0 : i32
    %dma_wait3A_1416 = tpu.memref_slice %arg3[%add3A_1104, %dma_wait3A_1415] : memref<16384x1024xf32, #tpu.memory_space<hbm>> -> memref<16x1024xf32, #tpu.memory_space<hbm>>
    %dma_wait3A_1417 = tpu.memref_slice %arg6[%dma_wait3A_1410] : memref<4x!tpu.dma_semaphore, #tpu.memory_space<semaphore_mem>> -> memref<1x!tpu.dma_semaphore, #tpu.memory_space<semaphore_mem>>
    %dma_wait3A_1418 = tpu.memref_squeeze %dma_wait3A_1417 : memref<1x!tpu.dma_semaphore, #tpu.memory_space<semaphore_mem>> -> memref<!tpu.dma_semaphore, #tpu.memory_space<semaphore_mem>>
    %dma_wait3A_1419 = arith.constant 0 : i32
    %dma_wait3A_1420 = tpu.memref_slice %arg3[%add3A_1104, %dma_wait3A_1419] : memref<16384x1024xf32, #tpu.memory_space<hbm>> -> memref<16x1024xf32, #tpu.memory_space<hbm>>
    %dma_wait3A_1421 = arith.constant 0 : i32
    %dma_wait3A_1422 = arith.constant 0 : i32
    %dma_wait3A_1423 = tpu.memref_slice %arg4[%dma_wait3A_1409, %dma_wait3A_1421, %dma_wait3A_1422] : memref<4x16x1024xf32, #tpu.memory_space<vmem>> -> memref<1x16x1024xf32, #tpu.memory_space<vmem>>
    %dma_wait3A_1424 = tpu.memref_squeeze %dma_wait3A_1423 : memref<1x16x1024xf32, #tpu.memory_space<vmem>> -> memref<16x1024xf32, #tpu.memory_space<vmem>>
    tpu.wait_dma2 semaphore(%dma_wait3A_1418 : memref<!tpu.dma_semaphore, #tpu.memory_space<semaphore_mem>>) src(%dma_wait3A_1424 : memref<16x1024xf32, #tpu.memory_space<vmem>>) dst(%dma_wait3A_1420 : memref<16x1024xf32, #tpu.memory_space<hbm>>)
    return
  }
}

</mosaic_0001>

<sc_bundles>
// kernel: kernel.3.cloned.1.call-start
scs
__scs_entry_jumppad:
0x0: {  	(pc) =	sbr.rel $0x88, $3  }
0x1: {  	(tag) =	ssettag $0x0;
	lr =	simm.s32 $0x1  }
0x2: {  	[smem:$0x3FA0] =	sst lr;
	_ =	strace $0xD0000000  }
0x3: {  	_ = 	snop  }
0x4: {  	_ = 	snop  }
0x5: {  	_ = 	snop  }
0x6: {  	_ = 	snop  }
0x7: {  	_ = 	snop  }
__scs_overlays_trampoline_lowered:
0x8: {  	[smem:$0x3FAF] =	sst s0  }
0x9: {  	[smem:$0x3FB0] =	sst s1  }
0xa: {  	[smem:$0x3FB1] =	sst s2  }
0xb: {  	[smem:$0x3FB2] =	sst s3  }
0xc: {  	[smem:$0x3FB3] =	sst s4  }
0xd: {  	[smem:$0x3FB4] =	sst s5  }
0xe: {  	[smem:$0x3FB5] =	sst s6  }
0xf: {  	[smem:$0x3FB6] =	sst s7  }
0x10: {  	[smem:$0x3FB7] =	sst s8  }
0x11: {  	[smem:$0x3FB8] =	sst s9;
	s0 =	simm.s32 @!p0 $0x0  }
0x12: {  	s1 =	sld [smem:$0x3F9E];
	s0 =	simm.s32 @p0 $0x1  }
0x13: {  	[smem:$0x3FB9] =	sst s0;
	s0 =	simm.s32 @!p1 $0x0  }
0x14: {  	s2 =	sld [smem:$0x3F9D];
	s0 =	simm.s32 @p1 $0x1  }
0x15: {  	[smem:$0x3FBA] =	sst s0;
	s0 =	simm.s32 @!p2 $0x0  }
0x16: {  	s3 =	sld [smem:$0x3FDB];
	s0 =	simm.s32 @p2 $0x1  }
0x17: {  	s4 =	simm.s32 $0x1BF5;
	[smem:$0x3FBC] =	sst s0  }
0x18: {  	s0 =	sld [smem:$0x3F9F];
	_ =	swait.ge [sflag:s4], $0x0  }
0x19: {  	s7 =	sld [smem:$0x3FA0]  }
0x1a: {  	s8 =	sadd.s32 $0xFFFFE003, lr  }
0x1b: {  	s9 =	sadd.s32 $0xFFFFFEF7, lr;
	s5 =	simm.s32 $0xFFFFFFFF;
	p2 =	slt.u32 s8, $0xFFFFF086  }
0x1c: {  	p1 =	slt.u32 s9, $0xF7A;
	s5 =	simm.s32 @!p2 $0x0  }
0x1d: {  	s5 =	simm.s32 @p1 $0x1;
	p0 =	seq.s32 s7, s2  }
0x1e: {  	s7 =	smul.u32 @!p0 $0xF7A, s2;
	p2 =	seq.s32 @!p0 s5, $0x0  }
0x1f: {  	s9 =	smul.u32 $0xF7A, s1;
	s8 =	simm.s32 @!p0 $0x1BF5;
	p2 =	por !p2, p0  }
0x20: {  	[sflag:s8] =	ssyncset.s32 @!p0 $0xFFFFF086;
	s6 =	sadd.s32 @!p0 s3, s7;
	s7 =	simm.s32 @!p0 $0x108  }
0x21: {  	s3 =	sadd.s32 s3, s9;
	s6 =	sadd.s32 @!p0 $0x88, s6;
	s7 =	simm.s32 @p2 $0x1082  }
0x22: {  	[simem:s7], [sflag:s8] =	dma.local @!p0 [hbm:s6], $0xF7A  }
0x23: {  	s9 =	sor.u32 $0xD0000000, s2;
	s6 =	simm.s32 $0x108;
	_ =	swait.ge @!p0 [sflag:s8], $0x0  }
0x24: {  	s3 =	sadd.s32 $0x88, s3;
	s6 =	simm.s32 @!p1 $0x1082;
	[sflag:s4] =	ssyncset.s32 $0xFFFFF086  }
0x25: {  	[simem:s6], [sflag:s4] =	dma.local [hbm:s3], $0xF7A  }
0x26: {  	[smem:$0x3FA0] =	sst s1;
	(tag) =	ssettag s2;
	_ =	strace s9  }
0x27: {  	s1 =	sld [smem:$0x3FB0]  }
0x28: {  	s2 =	sld [smem:$0x3FB1]  }
0x29: {  	s4 =	sld [smem:$0x3FB3]  }
0x2a: {  	p0 =	seq.s32 s5, $0x0;
	s5 =	sld [smem:$0x3FB4]  }
0x2b: {  	s6 =	sld [smem:$0x3FB5]  }
0x2c: {  	s7 =	sld [smem:$0x3FB6]  }
0x2d: {  	s3 =	simm.s32 $0x108;
	s8 =	sld [smem:$0x3FB7]  }
0x2e: {  	s3 =	simm.s32 @!p0 $0x1082;
	s9 =	sld [smem:$0x3FB8]  }
0x2f: {  	lr =	sadd.s32 s0, s3;
	s0 =	sld [smem:$0x3FAF]  }
0x30: {  	s3 =	sld [smem:$0x3FB2]  }
0x31: {  	[smem:$0x3FBB] =	sst s10  }
0x32: {  	s10 =	sld [smem:$0x3FB9];
	_ =	sdelay $0x3  }
0x33: {  	p0 =	seq.s32 s10, $0x1;
	s10 =	sld [smem:$0x3FBB];
	_ =	sdelay $0x3  }
0x34: {  	[smem:$0x3FBB] =	sst s10  }
0x35: {  	s10 =	sld [smem:$0x3FBA];
	_ =	sdelay $0x3  }
0x36: {  	p1 =	seq.s32 s10, $0x1;
	s10 =	sld [smem:$0x3FBB];
	_ =	sdelay $0x3  }
0x37: {  	[smem:$0x3FBB] =	sst s10  }
0x38: {  	s10 =	sld [smem:$0x3FBC]  }
0x39: {  	_ = 	snop;
	(pc) =	sbr.ind lr, $3  }
0x3a: {  	_ = 	snop  }
0x3b: {  	_ = 	snop  }
0x3c: {  	p2 =	seq.s32 s10, $0x1;
	s10 =	sld [smem:$0x3FBB]  }
0x3d: {  	_ =	shalt  }
0x3e: {  	_ =	shalt  }
0x3f: {  	_ =	shalt  }
0x40: {  	_ =	shalt  }
0x41: {  	_ =	shalt  }
0x42: {  	_ =	shalt  }
0x43: {  	_ =	shalt  }
0x44: {  	_ =	shalt  }
0x45: {  	_ =	shalt  }
0x46: {  	_ =	shalt  }
0x47: {  	_ =	shalt  }
0x48: {  	_ =	shalt  }
0x49: {  	_ =	shalt  }
0x4a: {  	_ =	shalt  }
0x4b: {  	_ =	shalt  }
0x4c: {  	_ =	shalt  }
0x4d: {  	_ =	shalt  }
0x4e: {  	_ =	shalt  }
0x4f: {  	_ =	shalt  }
0x50: {  	_ =	shalt  }
0x51: {  	_ =	shalt  }
0x52: {  	_ =	shalt  }
0x53: {  	_ =	shalt  }
0x54: {  	_ =	shalt  }
0x55: {  	_ =	shalt  }
0x56: {  	_ =	shalt  }
0x57: {  	_ =	shalt  }
0x58: {  	_ =	shalt  }
0x59: {  	_ =	shalt  }
0x5a: {  	_ =	shalt  }
0x5b: {  	_ =	shalt  }
0x5c: {  	_ =	shalt  }
0x5d: {  	_ =	shalt  }
0x5e: {  	_ =	shalt  }
0x5f: {  	_ =	shalt  }
0x60: {  	_ =	shalt  }
0x61: {  	_ =	shalt  }
0x62: {  	_ =	shalt  }
0x63: {  	_ =	shalt  }
0x64: {  	_ =	shalt  }
0x65: {  	_ =	shalt  }
0x66: {  	_ =	shalt  }
0x67: {  	_ =	shalt  }
0x68: {  	_ =	shalt  }
0x69: {  	_ =	shalt  }
0x6a: {  	_ =	shalt  }
0x6b: {  	_ =	shalt  }
0x6c: {  	_ =	shalt  }
0x6d: {  	_ =	shalt  }
0x6e: {  	_ =	shalt  }
0x6f: {  	_ =	shalt  }
0x70: {  	_ =	shalt  }
0x71: {  	_ =	shalt  }
0x72: {  	_ =	shalt  }
0x73: {  	_ =	shalt  }
0x74: {  	_ =	shalt  }
0x75: {  	_ =	shalt  }
0x76: {  	_ =	shalt  }
0x77: {  	_ =	shalt  }
0x78: {  	_ =	shalt  }
0x79: {  	_ =	shalt  }
0x7a: {  	_ =	shalt  }
0x7b: {  	_ =	shalt  }
0x7c: {  	_ =	shalt  }
0x7d: {  	_ =	shalt  }
0x7e: {  	_ =	shalt  }
0x7f: {  	_ =	shalt  }
0x80: {  	_ =	shalt  }
0x81: {  	_ =	shalt  }
0x82: {  	_ =	shalt  }
0x83: {  	_ =	shalt  }
0x84: {  	_ =	shalt  }
0x85: {  	_ =	shalt  }
0x86: {  	_ =	shalt  }
0x87: {  	_ =	shalt  }
.Lfunc_end0:
.L_simem_size_0:
called_computation_lowered:
.L_overlay_start_0:
0x88: {  	s2 =	sld [smem:$0x3FD9]  }
0x89: {  	s3 =	sld [smem:$0x3FFE];
	_ =	sdelay $0x1  }
0x8a: {  	s1 =	srdreg.scid  }
0x8b: {  	s0 =	sand.u32 $0x1, s1  }
0x8c: {  	s18 =	sshll.u32 s0, $0xA;
	s2 =	sadd.s32 s3, s2  }
0x8d: {  	s2 =	sadd.s32 s2, s18  }
0x8e: {  	[smem:$0x3FC7] =	sst s2  }
0x8f: {  	_ = 	snop  }
0x90: {  	s2 =	sld [smem:$0x3FC9]  }
0x91: {  	s19 =	sld [smem:$0x3FD0];
	(tm) =	ssettm $0x1  }
0x92: {  	s4 =	sld [smem:$0x3FFB];
	_ =	sdelay $0x3  }
0x93: {  	_ =	strace s4  }
0x94: {  	s4 =	sld [smem:$0x3FFC];
	_ =	sdelay $0x3  }
0x95: {  	_ =	strace s4  }
0x96: {  	s4 =	sld [smem:$0x3FFD];
	_ =	sdelay $0x3  }
0x97: {  	_ =	strace s4  }
0x98: {  	_ =	strace $0x8FFFFFFF  }
0x99: {  	s20 =	sld [smem:$0x3FDB];
	_ =	sdelay $0x1  }
0x9a: {  	s5 =	simm.s32 $_scs_section_size  }
0x9b: {  	s6 =	simm.s32 $_size__tile_overlayer_lowered;
	s7 =	simm.s32 $_tile_overlayer_lowered  }
0x9c: {  	s23 =	simm.s32 $0x1BFF;
	s22 =	sshll.u32 s7, $0x1;
	s4 =	sadd.s32 s5, s20  }
0x9d: {  	s8 =	simm.s32 $0x0;
	s21 =	sshll.u32 s6, $0x1;
	s6 =	sadd.s32 s22, s4  }
0x9e: {  	[timem:s8], [sflag:s23] =	dma.local [hbm:s6], s21  }
0x9f: {  	_ =	swait.ge [sflag:s23], s21  }
0xa0: {  	s5 =	ssub.s32 $0x0, s21;
	[sflag:s23] =	ssyncset.done $0x0  }
0xa1: {  	[sflag:s23] =	ssyncadd.s32 s5;
	_ =	sdelay $0x1  }
0xa2: {  	s24 =	simm.s32 $0x1B8B  }
0xa3: {  	_ =	swait.ge [sflag:s24], $0x1  }
0xa4: {  	[sflag:s24] =	ssyncset.done $0x0  }
0xa5: {  	s25 =	simm.s32 $0x1B8E;
	[sflag:s24] =	ssyncadd.s32 $0xFFFFFFFF  }
0xa6: {  	s26 =	simm.s32 $execute0_lowered;
	[smem:$0x3FD2] =	sst s25  }
0xa7: {  	s5 =	sshll.u32 s26, $0x1;
	_ =	strace $0x80000046;
	[dreg:$0x1] =	wrdreg $0xFFFFFFFF  }
0xa8: {  	s28 =	simm.s32 $_size_execute0_lowered;
	s4 =	sadd.s32 s4, s5;
	[dreg:$0x0] =	wrdreg $0x0  }
0xa9: {  	s5 =	sshll.u32 s28, $0x1;
	[dreg:$0x2] =	wrdreg s4  }
0xaa: {  	[dreg:$0x3] =	wrdreg s5  }
0xab: {  	[dreg:$0x4] =	wrdreg $0xC0  }
0xac: {  	_ =	task [dreg:s8], $0x5FFFF  }
0xad: {  	[dreg:$0x1] =	wrdreg $0xFFFFFFFF  }
0xae: {  	[dreg:$0x0] =	wrdreg $0x60  }
0xaf: {  	[dreg:$0x2] =	wrdreg s2  }
0xb0: {  	[dreg:$0x3] =	wrdreg s19  }
0xb1: {  	[dreg:$0x4] =	wrdreg $0x9  }
0xb2: {  	_ =	task.clear_ibuf [dreg:s8], $0x5FFFF;
	_ =	strace $0x90000046  }
0xb3: {  	s29 =	simm.s32 $0x9;
	_ =	strace $0x80000048  }
0xb4: {  	_ =	swait.ge [sflag:s29], $0x1  }
0xb5: {  	[sflag:s29] =	ssyncadd.s32 $0xFFFFFFFF  }
0xb6: {  	_ =	strace $0x90000048  }
0xb7: {  	_ =	sfence  }
0xb8: {  	s30 =	sld [smem:$0x0];
	_ =	sdelay $0x2  }
0xb9: {  	s31 =	sshll.u32 s1, $0xD;
	s1 =	sshrl.u32 s1, $0x2  }
0xba: {  	s3 =	sand.u32 $0x4000, s31;
	s1 =	sadd.s32 s1, s30  }
0xbb: {  	s0 =	sor.u32 s3, s0;
	s1 =	sshll.u32 s1, $0x11  }
0xbc: {  	s0 =	sor.u32 s1, s0  }
0xbd: {  	s0 =	sadd.s32 $0x8F2B, s0  }
0xbe: {  	[sflag:s0] =	ssyncadd.remote.s32 $0x1  }
0xbf: {  	_ =	sfence.sel $0xFFFF  }
0xc0: {  	[dreg:$0x0] =	wrdreg $0xFFFFFFFF;
	(pc) =	sbr.abs _section_cstart, $3  }
0xc1: {  	[dreg:$0x1] =	wrdreg $0xFFFFFFFF  }
0xc2: {  	_ =	task.clear_ibuf [dreg:s8], $0x2FFFF;
	_ =	strace $0x9FFFFFFF  }
0xc3: {  	(tm) =	ssettm $0x7FFFFFFF  }
tec
execute0_lowered:
.L_overlay_start_1:
0x0: {  	(tag) =	ssettag $0x1  }
0x1: {  	s0 =	rddreg [dreg:$0x0];
	s1 =	srdreg.scid  }
0x2: {  	s3 =	rddreg [dreg:$0x1];
	s5 =	stileid.u32;
	s1 =	sand.u32 $0x1, s1  }
0x3: {  	s2 =	simm.s32 $0x0;
	s5 =	sshll.u32 s5, $0xE;
	s4 =	sshll.u32 s1, $0x12  }
0x4: {  	[smem:$0x7FF] =	sst s2;
	s4 =	sor.u32 s5, s4  }
0x5: {  	_ =	strace $0x80000047;
	s5 =	sadd.s32 s0, s4;
	s6 =	sor.u32 $0x800, s4  }
0x6: {  	s7 =	sor.u32 $0x1000, s4;
	[dreg:$0x3] =	wrdreg s5;
	s15 =	sadd.s32 s0, s6  }
0x7: {  	s8 =	sor.u32 $0x1800, s4;
	s16 =	sadd.s32 s0, s7;
	[dreg:$0x4] =	wrdreg s15  }
0x8: {  	s30 =	sadd.s32 s3, s4;
	s17 =	sadd.s32 s0, s8;
	[dreg:$0x5] =	wrdreg s16  }
0x9: {  	s18 =	sadd.s32 $0x80000, s30;
	[dreg:$0x6] =	wrdreg s17  }
0xa: {  	s19 =	sadd.s32 $0x100000, s30;
	[dreg:$0x7] =	wrdreg s18  }
0xb: {  	s20 =	sadd.s32 $0x180000, s30;
	[dreg:$0x8] =	wrdreg s19  }
0xc: {  	s21 =	sadd.s32 s3, s6;
	[dreg:$0x9] =	wrdreg s20  }
0xd: {  	s22 =	sadd.s32 $0x80800, s30;
	[dreg:$0xa] =	wrdreg s21  }
0xe: {  	s23 =	sadd.s32 $0x100800, s30;
	[dreg:$0xb] =	wrdreg s22  }
0xf: {  	s24 =	sadd.s32 $0x180800, s30;
	[dreg:$0xc] =	wrdreg s23  }
0x10: {  	s25 =	sadd.s32 s3, s7;
	[dreg:$0xd] =	wrdreg s24  }
0x11: {  	s28 =	simm.s32 $0x4000;
	s26 =	sadd.s32 $0x81000, s30;
	[dreg:$0xe] =	wrdreg s25  }
0x12: {  	s31 =	simm.s32 $0x1;
	s6 =	sadd.s32 $0x101000, s30;
	[dreg:$0xf] =	wrdreg s26  }
0x13: {  	s29 =	simm.s32 $0x2;
	s7 =	sadd.s32 $0x181000, s30;
	[dreg:$0x10] =	wrdreg s6  }
0x14: {  	p0 =	por $0x0, $0x0;
	s8 =	sadd.s32 s3, s8;
	[dreg:$0x11] =	wrdreg s7  }
0x15: {  	s1 =	ssub.s32 $0x2, s1;
	s9 =	sadd.s32 $0x81800, s30;
	[dreg:$0x12] =	wrdreg s8  }
0x16: {  	s12 =	sor.u32 $0x2000, s4;
	s10 =	sadd.s32 $0x101800, s30;
	[dreg:$0x13] =	wrdreg s9  }
0x17: {  	s11 =	sadd.s32 $0x181800, s30;
	s13 =	sadd.s32 s0, s12;
	[dreg:$0x14] =	wrdreg s10  }
0x18: {  	s14 =	sadd.s32 s3, s12;
	s12 =	simm.s32 $0xC000;
	[dreg:$0x15] =	wrdreg s11  }
0x19: {  	s5 =	simm.s32 $0x6;
	[dreg:$0x16] =	wrdreg s13;
	s15 =	sshrl.u32 s1, $0x1  }
0x1a: {  	[dreg:$0x17] =	wrdreg s14;
	s16 =	sadd.s32 $0x82000, s30;
	s17 =	sadd.s32 $0x102000, s30  }
0x1b: {  	s26 =	sadd.s32 $0x182000, s30;
	s18 =	sor.u32 $0x2800, s4;
	s20 =	sadd.s32 $0x102800, s30  }
0x1c: {  	s23 =	sadd.s32 $0x82800, s30;
	s22 =	sadd.s32 $0x182800, s30;
	s19 =	sor.u32 $0x3000, s4  }
0x1d: {  	s14 =	sadd.s32 $0x83000, s30;
	s4 =	sor.u32 $0x3800, s4;
	s7 =	sadd.s32 $0x83800, s30  }
0x1e: {  	s8 =	sadd.s32 $0x103800, s30;
	s9 =	sadd.s32 $0x183800, s30;
	s1 =	ssub.s32 s1, s15  }
0x1f: {  	s10 =	simm.s32 $0x5;
	[dreg:$0x18] =	wrdreg s16;
	s25 =	smax.u32 s1, $0x1  }
0x20: {  	[dreg:$0x19] =	wrdreg s17;
	s24 =	sadd.s32 s0, s18;
	p1 =	sne.s32 s25, $0x1  }
.Ltmp0:
0x21: {  	s21 =	sadd.s32 s3, s18;
	s18 =	sadd.s32 s0, s19;
	(pc) =	sbr.rel @!p1 .LBB2_5-.Ltmp0, $4  }
0x22: {  	s13 =	sadd.s32 s3, s19;
	s15 =	sadd.s32 $0x103000, s30;
	s16 =	sadd.s32 $0x183000, s30  }
0x23: {  	s11 =	sadd.s32 s0, s4;
	s6 =	sadd.s32 s3, s4;
	s19 =	simm.s32 $0x8000  }
0x24: {  	s17 =	simm.s32 $0x4;
	s4 =	simm.s32 $0x7;
	s3 =	simm.s32 $0x8  }
0x25: {  	s1 =	rddreg [dreg:$0x3];
	s0 =	sadd.s32 $0xFFFFFFFF, s25;
	s25 =	simm.s32 $0x3  }
0x26: {  	[dreg:$0x1b] =	wrdreg s0  }
0x27: {  	[tilespmem:s2], [sflag:$0x1] =	stream.linear.gather [hbm4b:s1+s2], $0x4000, $0x38;
	[tilespmem:$0x10000] =	vst v63  }
0x28: {  	s0 =	rddreg [dreg:$0x4]  }
0x29: {  	[tilespmem:s28], [sflag:$0x2] =	stream.linear.gather [hbm4b:s0+s2], $0x4000, $0x38;
	[tilespmem:$0x10000] =	vst v63  }
0x2a: {  	s1 =	rddreg [dreg:$0x5]  }
0x2b: {  	[tilespmem:s19], [sflag:$0x3] =	stream.linear.gather [hbm4b:s1+s2], $0x4000, $0x38;
	[tilespmem:$0x10000] =	vst v63  }
0x2c: {  	s0 =	rddreg [dreg:$0x6]  }
0x2d: {  	[tilespmem:s12], [sflag:$0x4] =	stream.linear.gather [hbm4b:s0+s2], $0x4000, $0x38;
	[tilespmem:$0x10000] =	vst v63  }
0x2e: {  	_ =	swait.ge [sflag:s31], $0x4000  }
0x2f: {  	[sflag:s31] =	ssyncset.done $0x0  }
0x30: {  	[sflag:s31] =	ssyncadd.s32 $0xFFFFC000  }
0x31: {  	[hbm4b:s30+s2] =	stream.linear.scatter [tilespmem:s2], [sflag:$0x5], $0x4000, $0x38;
	[tilespmem:$0x10000] =	vst v63  }
0x32: {  	s0 =	rddreg [dreg:$0x7]  }
0x33: {  	[hbm4b:s0+s2] =	stream.linear.scatter [tilespmem:s2], [sflag:$0x5], $0x4000, $0x38;
	[tilespmem:$0x10000] =	vst v63  }
0x34: {  	s1 =	rddreg [dreg:$0x8]  }
0x35: {  	[hbm4b:s1+s2] =	stream.linear.scatter [tilespmem:s2], [sflag:$0x5], $0x4000, $0x38;
	[tilespmem:$0x10000] =	vst v63  }
0x36: {  	s0 =	rddreg [dreg:$0x9]  }
0x37: {  	[hbm4b:s0+s2] =	stream.linear.scatter [tilespmem:s2], [sflag:$0x5], $0x4000, $0x38;
	[tilespmem:$0x10000] =	vst v63  }
0x38: {  	_ =	swait.ge [sflag:s29], $0x4000  }
0x39: {  	[sflag:s29] =	ssyncset.done $0x0  }
0x3a: {  	s0 =	rddreg [dreg:$0xa];
	[sflag:s29] =	ssyncadd.s32 $0xFFFFC000  }
0x3b: {  	[hbm4b:s0+s2] =	stream.linear.scatter [tilespmem:s28], [sflag:$0x6], $0x4000, $0x38;
	[tilespmem:$0x10000] =	vst v63  }
0x3c: {  	s1 =	rddreg [dreg:$0xb]  }
0x3d: {  	[hbm4b:s1+s2] =	stream.linear.scatter [tilespmem:s28], [sflag:$0x6], $0x4000, $0x38;
	[tilespmem:$0x10000] =	vst v63  }
0x3e: {  	s0 =	rddreg [dreg:$0xc]  }
0x3f: {  	[hbm4b:s0+s2] =	stream.linear.scatter [tilespmem:s28], [sflag:$0x6], $0x4000, $0x38;
	[tilespmem:$0x10000] =	vst v63  }
0x40: {  	s1 =	rddreg [dreg:$0xd]  }
0x41: {  	[hbm4b:s1+s2] =	stream.linear.scatter [tilespmem:s28], [sflag:$0x6], $0x4000, $0x38;
	[tilespmem:$0x10000] =	vst v63  }
0x42: {  	_ =	swait.ge [sflag:s25], $0x4000  }
0x43: {  	[sflag:s25] =	ssyncset.done $0x0  }
0x44: {  	s0 =	rddreg [dreg:$0xe];
	[sflag:s25] =	ssyncadd.s32 $0xFFFFC000  }
0x45: {  	[hbm4b:s0+s2] =	stream.linear.scatter [tilespmem:s19], [sflag:$0x7], $0x4000, $0x38;
	[tilespmem:$0x10000] =	vst v63  }
0x46: {  	s1 =	rddreg [dreg:$0xf]  }
0x47: {  	[hbm4b:s1+s2] =	stream.linear.scatter [tilespmem:s19], [sflag:$0x7], $0x4000, $0x38;
	[tilespmem:$0x10000] =	vst v63  }
0x48: {  	s0 =	rddreg [dreg:$0x10]  }
0x49: {  	[hbm4b:s0+s2] =	stream.linear.scatter [tilespmem:s19], [sflag:$0x7], $0x4000, $0x38;
	[tilespmem:$0x10000] =	vst v63  }
0x4a: {  	s1 =	rddreg [dreg:$0x11]  }
0x4b: {  	[hbm4b:s1+s2] =	stream.linear.scatter [tilespmem:s19], [sflag:$0x7], $0x4000, $0x38;
	[tilespmem:$0x10000] =	vst v63  }
0x4c: {  	_ =	swait.ge [sflag:s17], $0x4000  }
0x4d: {  	[sflag:s17] =	ssyncset.done $0x0  }
0x4e: {  	s0 =	rddreg [dreg:$0x12];
	[sflag:s17] =	ssyncadd.s32 $0xFFFFC000  }
0x4f: {  	[hbm4b:s0+s2] =	stream.linear.scatter [tilespmem:s12], [sflag:$0x8], $0x4000, $0x38;
	[tilespmem:$0x10000] =	vst v63  }
0x50: {  	s1 =	rddreg [dreg:$0x13]  }
0x51: {  	[hbm4b:s1+s2] =	stream.linear.scatter [tilespmem:s12], [sflag:$0x8], $0x4000, $0x38;
	[tilespmem:$0x10000] =	vst v63  }
0x52: {  	s0 =	rddreg [dreg:$0x14]  }
0x53: {  	[hbm4b:s0+s2] =	stream.linear.scatter [tilespmem:s12], [sflag:$0x8], $0x4000, $0x38;
	[tilespmem:$0x10000] =	vst v63  }
0x54: {  	s1 =	rddreg [dreg:$0x15]  }
0x55: {  	[hbm4b:s1+s2] =	stream.linear.scatter [tilespmem:s12], [sflag:$0x8], $0x4000, $0x38;
	[tilespmem:$0x10000] =	vst v63  }
0x56: {  	_ =	swait.ge [sflag:s10], $0x4000  }
0x57: {  	[sflag:s10] =	ssyncset.done $0x0  }
0x58: {  	[sflag:s10] =	ssyncadd.s32 $0xFFFFC000  }
0x59: {  	_ =	swait.ge [sflag:s10], $0x4000  }
0x5a: {  	[sflag:s10] =	ssyncset.done $0x0  }
0x5b: {  	[sflag:s10] =	ssyncadd.s32 $0xFFFFC000  }
0x5c: {  	_ =	swait.ge [sflag:s10], $0x4000  }
0x5d: {  	[sflag:s10] =	ssyncset.done $0x0  }
0x5e: {  	[sflag:s10] =	ssyncadd.s32 $0xFFFFC000  }
0x5f: {  	_ =	swait.ge [sflag:s10], $0x4000  }
0x60: {  	[sflag:s10] =	ssyncset.done $0x0  }
0x61: {  	s1 =	rddreg [dreg:$0x16];
	[sflag:s10] =	ssyncadd.s32 $0xFFFFC000  }
0x62: {  	[tilespmem:s2], [sflag:$0x1] =	stream.linear.gather [hbm4b:s1+s2], $0x4000, $0x38;
	[tilespmem:$0x10000] =	vst v63  }
0x63: {  	_ =	swait.ge [sflag:s31], $0x4000  }
0x64: {  	[sflag:s31] =	ssyncset.done $0x0  }
0x65: {  	s0 =	rddreg [dreg:$0x17];
	[sflag:s31] =	ssyncadd.s32 $0xFFFFC000  }
0x66: {  	[hbm4b:s0+s2] =	stream.linear.scatter [tilespmem:s2], [sflag:$0x5], $0x4000, $0x38;
	[tilespmem:$0x10000] =	vst v63  }
0x67: {  	s1 =	rddreg [dreg:$0x18]  }
0x68: {  	[hbm4b:s1+s2] =	stream.linear.scatter [tilespmem:s2], [sflag:$0x5], $0x4000, $0x38;
	[tilespmem:$0x10000] =	vst v63  }
0x69: {  	s0 =	rddreg [dreg:$0x19]  }
0x6a: {  	[hbm4b:s0+s2] =	stream.linear.scatter [tilespmem:s2], [sflag:$0x5], $0x4000, $0x38;
	[tilespmem:$0x10000] =	vst v63  }
0x6b: {  	_ = 	snop  }
0x6c: {  	[hbm4b:s26+s2] =	stream.linear.scatter [tilespmem:s2], [sflag:$0x5], $0x4000, $0x38;
	[tilespmem:$0x10000] =	vst v63  }
0x6d: {  	_ =	swait.ge [sflag:s5], $0x4000  }
0x6e: {  	[sflag:s5] =	ssyncset.done $0x0  }
0x6f: {  	[sflag:s5] =	ssyncadd.s32 $0xFFFFC000  }
0x70: {  	_ =	swait.ge [sflag:s5], $0x4000  }
0x71: {  	[sflag:s5] =	ssyncset.done $0x0  }
0x72: {  	[sflag:s5] =	ssyncadd.s32 $0xFFFFC000  }
0x73: {  	_ =	swait.ge [sflag:s5], $0x4000  }
0x74: {  	[sflag:s5] =	ssyncset.done $0x0  }
0x75: {  	[sflag:s5] =	ssyncadd.s32 $0xFFFFC000  }
0x76: {  	_ =	swait.ge [sflag:s5], $0x4000  }
0x77: {  	[sflag:s5] =	ssyncset.done $0x0  }
0x78: {  	[sflag:s5] =	ssyncadd.s32 $0xFFFFC000  }
0x79: {  	[tilespmem:s28], [sflag:$0x2] =	stream.linear.gather [hbm4b:s24+s2], $0x4000, $0x38;
	[tilespmem:$0x10000] =	vst v63  }
0x7a: {  	_ =	swait.ge [sflag:s29], $0x4000  }
0x7b: {  	[sflag:s29] =	ssyncset.done $0x0  }
0x7c: {  	[sflag:s29] =	ssyncadd.s32 $0xFFFFC000  }
0x7d: {  	[hbm4b:s21+s2] =	stream.linear.scatter [tilespmem:s28], [sflag:$0x6], $0x4000, $0x38;
	[tilespmem:$0x10000] =	vst v63  }
0x7e: {  	_ = 	snop  }
0x7f: {  	[hbm4b:s23+s2] =	stream.linear.scatter [tilespmem:s28], [sflag:$0x6], $0x4000, $0x38;
	[tilespmem:$0x10000] =	vst v63  }
0x80: {  	_ = 	snop  }
0x81: {  	[hbm4b:s20+s2] =	stream.linear.scatter [tilespmem:s28], [sflag:$0x6], $0x4000, $0x38;
	[tilespmem:$0x10000] =	vst v63  }
0x82: {  	_ = 	snop  }
0x83: {  	[hbm4b:s22+s2] =	stream.linear.scatter [tilespmem:s28], [sflag:$0x6], $0x4000, $0x38;
	[tilespmem:$0x10000] =	vst v63  }
0x84: {  	_ =	swait.ge [sflag:s4], $0x4000  }
0x85: {  	[sflag:s4] =	ssyncset.done $0x0  }
0x86: {  	[sflag:s4] =	ssyncadd.s32 $0xFFFFC000  }
0x87: {  	_ =	swait.ge [sflag:s4], $0x4000  }
0x88: {  	[sflag:s4] =	ssyncset.done $0x0  }
0x89: {  	[sflag:s4] =	ssyncadd.s32 $0xFFFFC000  }
0x8a: {  	_ =	swait.ge [sflag:s4], $0x4000  }
0x8b: {  	[sflag:s4] =	ssyncset.done $0x0  }
0x8c: {  	[sflag:s4] =	ssyncadd.s32 $0xFFFFC000  }
0x8d: {  	_ =	swait.ge [sflag:s4], $0x4000  }
0x8e: {  	[sflag:s4] =	ssyncset.done $0x0  }
0x8f: {  	[sflag:s4] =	ssyncadd.s32 $0xFFFFC000  }
0x90: {  	[tilespmem:s19], [sflag:$0x3] =	stream.linear.gather [hbm4b:s18+s2], $0x4000, $0x38;
	[tilespmem:$0x10000] =	vst v63  }
0x91: {  	_ =	swait.ge [sflag:s25], $0x4000  }
0x92: {  	[sflag:s25] =	ssyncset.done $0x0  }
0x93: {  	[sflag:s25] =	ssyncadd.s32 $0xFFFFC000  }
0x94: {  	[hbm4b:s13+s2] =	stream.linear.scatter [tilespmem:s19], [sflag:$0x7], $0x4000, $0x38;
	[tilespmem:$0x10000] =	vst v63  }
0x95: {  	_ = 	snop  }
0x96: {  	[hbm4b:s14+s2] =	stream.linear.scatter [tilespmem:s19], [sflag:$0x7], $0x4000, $0x38;
	[tilespmem:$0x10000] =	vst v63  }
0x97: {  	_ = 	snop  }
0x98: {  	[hbm4b:s15+s2] =	stream.linear.scatter [tilespmem:s19], [sflag:$0x7], $0x4000, $0x38;
	[tilespmem:$0x10000] =	vst v63  }
0x99: {  	_ = 	snop  }
0x9a: {  	[hbm4b:s16+s2] =	stream.linear.scatter [tilespmem:s19], [sflag:$0x7], $0x4000, $0x38;
	[tilespmem:$0x10000] =	vst v63  }
0x9b: {  	_ =	swait.ge [sflag:s3], $0x4000  }
0x9c: {  	[sflag:s3] =	ssyncset.done $0x0  }
0x9d: {  	[sflag:s3] =	ssyncadd.s32 $0xFFFFC000  }
0x9e: {  	_ =	swait.ge [sflag:s3], $0x4000  }
0x9f: {  	[sflag:s3] =	ssyncset.done $0x0  }
0xa0: {  	[sflag:s3] =	ssyncadd.s32 $0xFFFFC000  }
0xa1: {  	_ =	swait.ge [sflag:s3], $0x4000  }
0xa2: {  	[sflag:s3] =	ssyncset.done $0x0  }
0xa3: {  	[sflag:s3] =	ssyncadd.s32 $0xFFFFC000  }
0xa4: {  	_ =	swait.ge [sflag:s3], $0x4000  }
0xa5: {  	[sflag:s3] =	ssyncset.done $0x0  }
0xa6: {  	[sflag:s3] =	ssyncadd.s32 $0xFFFFC000  }
0xa7: {  	[tilespmem:s12], [sflag:$0x4] =	stream.linear.gather [hbm4b:s11+s2], $0x4000, $0x38;
	[tilespmem:$0x10000] =	vst v63  }
0xa8: {  	_ =	swait.ge [sflag:s17], $0x4000  }
0xa9: {  	[sflag:s17] =	ssyncset.done $0x0  }
0xaa: {  	[sflag:s17] =	ssyncadd.s32 $0xFFFFC000  }
0xab: {  	[hbm4b:s6+s2] =	stream.linear.scatter [tilespmem:s12], [sflag:$0x8], $0x4000, $0x38;
	[tilespmem:$0x10000] =	vst v63  }
0xac: {  	_ = 	snop  }
0xad: {  	[hbm4b:s7+s2] =	stream.linear.scatter [tilespmem:s12], [sflag:$0x8], $0x4000, $0x38;
	[tilespmem:$0x10000] =	vst v63  }
0xae: {  	_ = 	snop  }
0xaf: {  	[hbm4b:s8+s2] =	stream.linear.scatter [tilespmem:s12], [sflag:$0x8], $0x4000, $0x38;
	[tilespmem:$0x10000] =	vst v63  }
0xb0: {  	_ = 	snop  }
0xb1: {  	[hbm4b:s9+s2] =	stream.linear.scatter [tilespmem:s12], [sflag:$0x8], $0x4000, $0x38;
	[tilespmem:$0x10000] =	vst v63  }
0xb2: {  	_ =	swait.ge [sflag:s10], $0x4000  }
0xb3: {  	[sflag:s10] =	ssyncset.done $0x0  }
0xb4: {  	[sflag:s10] =	ssyncadd.s32 $0xFFFFC000  }
0xb5: {  	_ =	swait.ge [sflag:s10], $0x4000  }
0xb6: {  	[sflag:s10] =	ssyncset.done $0x0  }
0xb7: {  	[sflag:s10] =	ssyncadd.s32 $0xFFFFC000  }
0xb8: {  	_ =	swait.ge [sflag:s10], $0x4000  }
0xb9: {  	[sflag:s10] =	ssyncset.done $0x0  }
0xba: {  	[sflag:s10] =	ssyncadd.s32 $0xFFFFC000  }
0xbb: {  	_ =	swait.ge [sflag:s10], $0x4000  }
0xbc: {  	[sflag:s10] =	ssyncset.done $0x0  }
0xbd: {  	[sflag:s10] =	ssyncadd.s32 $0xFFFFC000  }
0xbe: {  	_ =	swait.ge [sflag:s5], $0x4000  }
0xbf: {  	[sflag:s5] =	ssyncset.done $0x0  }
0xc0: {  	[sflag:s5] =	ssyncadd.s32 $0xFFFFC000  }
0xc1: {  	_ =	swait.ge [sflag:s5], $0x4000  }
0xc2: {  	[sflag:s5] =	ssyncset.done $0x0  }
0xc3: {  	[sflag:s5] =	ssyncadd.s32 $0xFFFFC000  }
0xc4: {  	_ =	swait.ge [sflag:s5], $0x4000  }
0xc5: {  	[sflag:s5] =	ssyncset.done $0x0  }
0xc6: {  	[sflag:s5] =	ssyncadd.s32 $0xFFFFC000  }
0xc7: {  	_ =	swait.ge [sflag:s5], $0x4000  }
0xc8: {  	[sflag:s5] =	ssyncset.done $0x0  }
0xc9: {  	[sflag:s5] =	ssyncadd.s32 $0xFFFFC000  }
0xca: {  	_ =	swait.ge [sflag:s4], $0x4000  }
0xcb: {  	[sflag:s4] =	ssyncset.done $0x0  }
0xcc: {  	[sflag:s4] =	ssyncadd.s32 $0xFFFFC000  }
0xcd: {  	_ =	swait.ge [sflag:s4], $0x4000  }
0xce: {  	[sflag:s4] =	ssyncset.done $0x0  }
0xcf: {  	[sflag:s4] =	ssyncadd.s32 $0xFFFFC000  }
0xd0: {  	_ =	swait.ge [sflag:s4], $0x4000  }
0xd1: {  	[sflag:s4] =	ssyncset.done $0x0  }
0xd2: {  	[sflag:s4] =	ssyncadd.s32 $0xFFFFC000  }
0xd3: {  	_ =	swait.ge [sflag:s4], $0x4000  }
0xd4: {  	[sflag:s4] =	ssyncset.done $0x0  }
0xd5: {  	[sflag:s4] =	ssyncadd.s32 $0xFFFFC000  }
0xd6: {  	_ =	swait.ge [sflag:s3], $0x4000  }
0xd7: {  	[sflag:s3] =	ssyncset.done $0x0  }
0xd8: {  	[sflag:s3] =	ssyncadd.s32 $0xFFFFC000  }
0xd9: {  	_ =	swait.ge [sflag:s3], $0x4000  }
0xda: {  	[sflag:s3] =	ssyncset.done $0x0  }
0xdb: {  	[sflag:s3] =	ssyncadd.s32 $0xFFFFC000  }
0xdc: {  	_ =	swait.ge [sflag:s3], $0x4000  }
0xdd: {  	s1 =	rddreg [dreg:$0x1b]  }
0xde: {  	p1 =	sne.s32 s1, $0x1  }
.Ltmp1:
0xdf: {  	_ = 	snop;
	(pc) =	sbr.rel @!p1 .LBB2_2-.Ltmp1, $4  }
0xe0: {  	[sflag:s3] =	ssyncset.done $0x0  }
0xe1: {  	[sflag:s3] =	ssyncadd.s32 $0xFFFFC000  }
0xe2: {  	p0 =	por $0x1, $0x1;
	_ =	swait.ge [sflag:s3], $0x4000;
	[dreg:$0x1a] =	wrdreg s30  }
0xe3: {  	s0 =	sadd.s32 $0xFFFFFFFF, s1;
	s1 =	rddreg [dreg:$0x3];
	[sflag:s3] =	ssyncset.done $0x0  }
.LBB2_3:
0xe4: {  	[sflag:s3] =	ssyncadd.s32 $0xFFFFC000;
	s30 =	smov.u32 s26;
	s26 =	smov.u32 s24  }
0xe5: {  	s24 =	smov.u32 s23;
	s23 =	smov.u32 s22;
	s22 =	smov.u32 s21  }
0xe6: {  	s21 =	smov.u32 s20;
	s20 =	smov.u32 s18;
	s18 =	smov.u32 s16  }
0xe7: {  	s16 =	smov.u32 s15;
	s15 =	smov.u32 s14;
	s14 =	smov.u32 s13  }
0xe8: {  	s13 =	smov.u32 s11;
	s11 =	smov.u32 s9;
	s9 =	smov.u32 s8  }
0xe9: {  	[tilespmem:s2], [sflag:$0x1] =	stream.linear.gather [hbm4b:s1+s2], $0x4000, $0x38;
	[tilespmem:$0x10000] =	vst v63  }
0xea: {  	s8 =	smov.u32 s7;
	s7 =	smov.u32 s6;
	s6 =	rddreg [dreg:$0x4]  }
0xeb: {  	[tilespmem:s28], [sflag:$0x2] =	stream.linear.gather [hbm4b:s6+s2], $0x4000, $0x38;
	[tilespmem:$0x10000] =	vst v63  }
0xec: {  	s1 =	rddreg [dreg:$0x5]  }
0xed: {  	[tilespmem:s19], [sflag:$0x3] =	stream.linear.gather [hbm4b:s1+s2], $0x4000, $0x38;
	[tilespmem:$0x10000] =	vst v63  }
0xee: {  	s6 =	rddreg [dreg:$0x6]  }
0xef: {  	[tilespmem:s12], [sflag:$0x4] =	stream.linear.gather [hbm4b:s6+s2], $0x4000, $0x38;
	[tilespmem:$0x10000] =	vst v63  }
0xf0: {  	_ =	swait.ge [sflag:s31], $0x4000  }
0xf1: {  	[sflag:s31] =	ssyncset.done $0x0  }
0xf2: {  	s6 =	rddreg [dreg:$0x1a];
	[sflag:s31] =	ssyncadd.s32 $0xFFFFC000  }
0xf3: {  	[hbm4b:s6+s2] =	stream.linear.scatter [tilespmem:s2], [sflag:$0x5], $0x4000, $0x38;
	[tilespmem:$0x10000] =	vst v63  }
0xf4: {  	s1 =	rddreg [dreg:$0x7]  }
0xf5: {  	[hbm4b:s1+s2] =	stream.linear.scatter [tilespmem:s2], [sflag:$0x5], $0x4000, $0x38;
	[tilespmem:$0x10000] =	vst v63  }
0xf6: {  	s6 =	rddreg [dreg:$0x8]  }
0xf7: {  	[hbm4b:s6+s2] =	stream.linear.scatter [tilespmem:s2], [sflag:$0x5], $0x4000, $0x38;
	[tilespmem:$0x10000] =	vst v63  }
0xf8: {  	s1 =	rddreg [dreg:$0x9]  }
0xf9: {  	[hbm4b:s1+s2] =	stream.linear.scatter [tilespmem:s2], [sflag:$0x5], $0x4000, $0x38;
	[tilespmem:$0x10000] =	vst v63  }
0xfa: {  	_ =	swait.ge [sflag:s29], $0x4000  }
0xfb: {  	[sflag:s29] =	ssyncset.done $0x0  }
0xfc: {  	s1 =	rddreg [dreg:$0xa];
	[sflag:s29] =	ssyncadd.s32 $0xFFFFC000  }
0xfd: {  	[hbm4b:s1+s2] =	stream.linear.scatter [tilespmem:s28], [sflag:$0x6], $0x4000, $0x38;
	[tilespmem:$0x10000] =	vst v63  }
0xfe: {  	s6 =	rddreg [dreg:$0xb]  }
0xff: {  	[hbm4b:s6+s2] =	stream.linear.scatter [tilespmem:s28], [sflag:$0x6], $0x4000, $0x38;
	[tilespmem:$0x10000] =	vst v63  }
0x100: {  	s1 =	rddreg [dreg:$0xc]  }
0x101: {  	[hbm4b:s1+s2] =	stream.linear.scatter [tilespmem:s28], [sflag:$0x6], $0x4000, $0x38;
	[tilespmem:$0x10000] =	vst v63  }
0x102: {  	s6 =	rddreg [dreg:$0xd]  }
0x103: {  	[hbm4b:s6+s2] =	stream.linear.scatter [tilespmem:s28], [sflag:$0x6], $0x4000, $0x38;
	[tilespmem:$0x10000] =	vst v63  }
0x104: {  	_ =	swait.ge [sflag:s25], $0x4000  }
0x105: {  	[sflag:s25] =	ssyncset.done $0x0  }
0x106: {  	s1 =	rddreg [dreg:$0xe];
	[sflag:s25] =	ssyncadd.s32 $0xFFFFC000  }
0x107: {  	[hbm4b:s1+s2] =	stream.linear.scatter [tilespmem:s19], [sflag:$0x7], $0x4000, $0x38;
	[tilespmem:$0x10000] =	vst v63  }
0x108: {  	s6 =	rddreg [dreg:$0xf]  }
0x109: {  	[hbm4b:s6+s2] =	stream.linear.scatter [tilespmem:s19], [sflag:$0x7], $0x4000, $0x38;
	[tilespmem:$0x10000] =	vst v63  }
0x10a: {  	s1 =	rddreg [dreg:$0x10]  }
0x10b: {  	[hbm4b:s1+s2] =	stream.linear.scatter [tilespmem:s19], [sflag:$0x7], $0x4000, $0x38;
	[tilespmem:$0x10000] =	vst v63  }
0x10c: {  	s6 =	rddreg [dreg:$0x11]  }
0x10d: {  	[hbm4b:s6+s2] =	stream.linear.scatter [tilespmem:s19], [sflag:$0x7], $0x4000, $0x38;
	[tilespmem:$0x10000] =	vst v63  }
0x10e: {  	_ =	swait.ge [sflag:s17], $0x4000  }
0x10f: {  	[sflag:s17] =	ssyncset.done $0x0  }
0x110: {  	s1 =	rddreg [dreg:$0x12];
	[sflag:s17] =	ssyncadd.s32 $0xFFFFC000  }
0x111: {  	[hbm4b:s1+s2] =	stream.linear.scatter [tilespmem:s12], [sflag:$0x8], $0x4000, $0x38;
	[tilespmem:$0x10000] =	vst v63  }
0x112: {  	s6 =	rddreg [dreg:$0x13]  }
0x113: {  	[hbm4b:s6+s2] =	stream.linear.scatter [tilespmem:s12], [sflag:$0x8], $0x4000, $0x38;
	[tilespmem:$0x10000] =	vst v63  }
0x114: {  	s1 =	rddreg [dreg:$0x14]  }
0x115: {  	[hbm4b:s1+s2] =	stream.linear.scatter [tilespmem:s12], [sflag:$0x8], $0x4000, $0x38;
	[tilespmem:$0x10000] =	vst v63  }
0x116: {  	s6 =	rddreg [dreg:$0x15]  }
0x117: {  	[hbm4b:s6+s2] =	stream.linear.scatter [tilespmem:s12], [sflag:$0x8], $0x4000, $0x38;
	[tilespmem:$0x10000] =	vst v63  }
0x118: {  	_ =	swait.ge [sflag:s10], $0x4000  }
0x119: {  	[sflag:s10] =	ssyncset.done $0x0  }
0x11a: {  	[sflag:s10] =	ssyncadd.s32 $0xFFFFC000  }
0x11b: {  	_ =	swait.ge [sflag:s10], $0x4000  }
0x11c: {  	[sflag:s10] =	ssyncset.done $0x0  }
0x11d: {  	[sflag:s10] =	ssyncadd.s32 $0xFFFFC000  }
0x11e: {  	_ =	swait.ge [sflag:s10], $0x4000  }
0x11f: {  	[sflag:s10] =	ssyncset.done $0x0  }
0x120: {  	[sflag:s10] =	ssyncadd.s32 $0xFFFFC000  }
0x121: {  	_ =	swait.ge [sflag:s10], $0x4000  }
0x122: {  	[sflag:s10] =	ssyncset.done $0x0  }
0x123: {  	s6 =	rddreg [dreg:$0x16];
	[sflag:s10] =	ssyncadd.s32 $0xFFFFC000  }
0x124: {  	[tilespmem:s2], [sflag:$0x1] =	stream.linear.gather [hbm4b:s6+s2], $0x4000, $0x38;
	[tilespmem:$0x10000] =	vst v63  }
0x125: {  	_ =	swait.ge [sflag:s31], $0x4000  }
0x126: {  	[sflag:s31] =	ssyncset.done $0x0  }
0x127: {  	s1 =	rddreg [dreg:$0x17];
	[sflag:s31] =	ssyncadd.s32 $0xFFFFC000  }
0x128: {  	[hbm4b:s1+s2] =	stream.linear.scatter [tilespmem:s2], [sflag:$0x5], $0x4000, $0x38;
	[tilespmem:$0x10000] =	vst v63  }
0x129: {  	s6 =	rddreg [dreg:$0x18]  }
0x12a: {  	[hbm4b:s6+s2] =	stream.linear.scatter [tilespmem:s2], [sflag:$0x5], $0x4000, $0x38;
	[tilespmem:$0x10000] =	vst v63  }
0x12b: {  	s1 =	rddreg [dreg:$0x19]  }
0x12c: {  	[hbm4b:s1+s2] =	stream.linear.scatter [tilespmem:s2], [sflag:$0x5], $0x4000, $0x38;
	[tilespmem:$0x10000] =	vst v63  }
0x12d: {  	_ = 	snop  }
0x12e: {  	[hbm4b:s30+s2] =	stream.linear.scatter [tilespmem:s2], [sflag:$0x5], $0x4000, $0x38;
	[tilespmem:$0x10000] =	vst v63  }
0x12f: {  	_ =	swait.ge [sflag:s5], $0x4000  }
0x130: {  	[sflag:s5] =	ssyncset.done $0x0  }
0x131: {  	[sflag:s5] =	ssyncadd.s32 $0xFFFFC000  }
0x132: {  	_ =	swait.ge [sflag:s5], $0x4000  }
0x133: {  	s6 =	smov.u32 s7;
	[sflag:s5] =	ssyncset.done $0x0  }
0x134: {  	s7 =	smov.u32 s8;
	s8 =	smov.u32 s9;
	[sflag:s5] =	ssyncadd.s32 $0xFFFFC000  }
0x135: {  	s9 =	smov.u32 s11;
	s11 =	smov.u32 s13;
	_ =	swait.ge [sflag:s5], $0x4000  }
0x136: {  	s13 =	smov.u32 s14;
	s14 =	smov.u32 s15;
	[sflag:s5] =	ssyncset.done $0x0  }
0x137: {  	s15 =	smov.u32 s16;
	s16 =	smov.u32 s18;
	[sflag:s5] =	ssyncadd.s32 $0xFFFFC000  }
0x138: {  	s18 =	smov.u32 s20;
	s20 =	smov.u32 s21;
	_ =	swait.ge [sflag:s5], $0x4000  }
0x139: {  	s21 =	smov.u32 s22;
	s22 =	smov.u32 s23;
	[sflag:s5] =	ssyncset.done $0x0  }
0x13a: {  	s23 =	smov.u32 s24;
	s24 =	smov.u32 s26;
	[sflag:s5] =	ssyncadd.s32 $0xFFFFC000  }
0x13b: {  	[tilespmem:s28], [sflag:$0x2] =	stream.linear.gather [hbm4b:s24+s2], $0x4000, $0x38;
	[tilespmem:$0x10000] =	vst v63  }
0x13c: {  	_ =	swait.ge [sflag:s29], $0x4000  }
0x13d: {  	[sflag:s29] =	ssyncset.done $0x0  }
0x13e: {  	[sflag:s29] =	ssyncadd.s32 $0xFFFFC000  }
0x13f: {  	[hbm4b:s21+s2] =	stream.linear.scatter [tilespmem:s28], [sflag:$0x6], $0x4000, $0x38;
	[tilespmem:$0x10000] =	vst v63  }
0x140: {  	_ = 	snop  }
0x141: {  	[hbm4b:s23+s2] =	stream.linear.scatter [tilespmem:s28], [sflag:$0x6], $0x4000, $0x38;
	[tilespmem:$0x10000] =	vst v63  }
0x142: {  	_ = 	snop  }
0x143: {  	[hbm4b:s20+s2] =	stream.linear.scatter [tilespmem:s28], [sflag:$0x6], $0x4000, $0x38;
	[tilespmem:$0x10000] =	vst v63  }
0x144: {  	_ = 	snop  }
0x145: {  	[hbm4b:s22+s2] =	stream.linear.scatter [tilespmem:s28], [sflag:$0x6], $0x4000, $0x38;
	[tilespmem:$0x10000] =	vst v63  }
0x146: {  	_ =	swait.ge [sflag:s4], $0x4000  }
0x147: {  	[sflag:s4] =	ssyncset.done $0x0  }
0x148: {  	[sflag:s4] =	ssyncadd.s32 $0xFFFFC000  }
0x149: {  	_ =	swait.ge [sflag:s4], $0x4000  }
0x14a: {  	[sflag:s4] =	ssyncset.done $0x0  }
0x14b: {  	[sflag:s4] =	ssyncadd.s32 $0xFFFFC000  }
0x14c: {  	_ =	swait.ge [sflag:s4], $0x4000  }
0x14d: {  	[sflag:s4] =	ssyncset.done $0x0  }
0x14e: {  	[sflag:s4] =	ssyncadd.s32 $0xFFFFC000  }
0x14f: {  	_ =	swait.ge [sflag:s4], $0x4000  }
0x150: {  	[sflag:s4] =	ssyncset.done $0x0  }
0x151: {  	[sflag:s4] =	ssyncadd.s32 $0xFFFFC000  }
0x152: {  	[tilespmem:s19], [sflag:$0x3] =	stream.linear.gather [hbm4b:s18+s2], $0x4000, $0x38;
	[tilespmem:$0x10000] =	vst v63  }
0x153: {  	_ =	swait.ge [sflag:s25], $0x4000  }
0x154: {  	[sflag:s25] =	ssyncset.done $0x0  }
0x155: {  	[sflag:s25] =	ssyncadd.s32 $0xFFFFC000  }
0x156: {  	[hbm4b:s13+s2] =	stream.linear.scatter [tilespmem:s19], [sflag:$0x7], $0x4000, $0x38;
	[tilespmem:$0x10000] =	vst v63  }
0x157: {  	_ = 	snop  }
0x158: {  	[hbm4b:s14+s2] =	stream.linear.scatter [tilespmem:s19], [sflag:$0x7], $0x4000, $0x38;
	[tilespmem:$0x10000] =	vst v63  }
0x159: {  	_ = 	snop  }
0x15a: {  	[hbm4b:s15+s2] =	stream.linear.scatter [tilespmem:s19], [sflag:$0x7], $0x4000, $0x38;
	[tilespmem:$0x10000] =	vst v63  }
0x15b: {  	_ = 	snop  }
0x15c: {  	[hbm4b:s16+s2] =	stream.linear.scatter [tilespmem:s19], [sflag:$0x7], $0x4000, $0x38;
	[tilespmem:$0x10000] =	vst v63  }
0x15d: {  	_ =	swait.ge [sflag:s3], $0x4000  }
0x15e: {  	[sflag:s3] =	ssyncset.done $0x0  }
0x15f: {  	[sflag:s3] =	ssyncadd.s32 $0xFFFFC000  }
0x160: {  	_ =	swait.ge [sflag:s3], $0x4000  }
0x161: {  	[sflag:s3] =	ssyncset.done $0x0  }
0x162: {  	[sflag:s3] =	ssyncadd.s32 $0xFFFFC000  }
0x163: {  	_ =	swait.ge [sflag:s3], $0x4000  }
0x164: {  	[sflag:s3] =	ssyncset.done $0x0  }
0x165: {  	[sflag:s3] =	ssyncadd.s32 $0xFFFFC000  }
0x166: {  	_ =	swait.ge [sflag:s3], $0x4000  }
0x167: {  	[sflag:s3] =	ssyncset.done $0x0  }
0x168: {  	[sflag:s3] =	ssyncadd.s32 $0xFFFFC000  }
0x169: {  	[tilespmem:s12], [sflag:$0x4] =	stream.linear.gather [hbm4b:s11+s2], $0x4000, $0x38;
	[tilespmem:$0x10000] =	vst v63  }
0x16a: {  	_ =	swait.ge [sflag:s17], $0x4000  }
0x16b: {  	[sflag:s17] =	ssyncset.done $0x0  }
0x16c: {  	[sflag:s17] =	ssyncadd.s32 $0xFFFFC000  }
0x16d: {  	[hbm4b:s6+s2] =	stream.linear.scatter [tilespmem:s12], [sflag:$0x8], $0x4000, $0x38;
	[tilespmem:$0x10000] =	vst v63  }
0x16e: {  	_ = 	snop  }
0x16f: {  	[hbm4b:s7+s2] =	stream.linear.scatter [tilespmem:s12], [sflag:$0x8], $0x4000, $0x38;
	[tilespmem:$0x10000] =	vst v63  }
0x170: {  	_ = 	snop  }
0x171: {  	[hbm4b:s8+s2] =	stream.linear.scatter [tilespmem:s12], [sflag:$0x8], $0x4000, $0x38;
	[tilespmem:$0x10000] =	vst v63  }
0x172: {  	_ = 	snop  }
0x173: {  	[hbm4b:s9+s2] =	stream.linear.scatter [tilespmem:s12], [sflag:$0x8], $0x4000, $0x38;
	[tilespmem:$0x10000] =	vst v63  }
0x174: {  	_ =	swait.ge [sflag:s10], $0x4000  }
0x175: {  	[sflag:s10] =	ssyncset.done $0x0  }
0x176: {  	[sflag:s10] =	ssyncadd.s32 $0xFFFFC000  }
0x177: {  	_ =	swait.ge [sflag:s10], $0x4000  }
0x178: {  	[sflag:s10] =	ssyncset.done $0x0  }
0x179: {  	[sflag:s10] =	ssyncadd.s32 $0xFFFFC000  }
0x17a: {  	_ =	swait.ge [sflag:s10], $0x4000  }
0x17b: {  	[sflag:s10] =	ssyncset.done $0x0  }
0x17c: {  	[sflag:s10] =	ssyncadd.s32 $0xFFFFC000  }
0x17d: {  	_ =	swait.ge [sflag:s10], $0x4000  }
0x17e: {  	[sflag:s10] =	ssyncset.done $0x0  }
0x17f: {  	[sflag:s10] =	ssyncadd.s32 $0xFFFFC000  }
0x180: {  	_ =	swait.ge [sflag:s5], $0x4000  }
0x181: {  	[sflag:s5] =	ssyncset.done $0x0  }
0x182: {  	[sflag:s5] =	ssyncadd.s32 $0xFFFFC000  }
0x183: {  	_ =	swait.ge [sflag:s5], $0x4000  }
0x184: {  	[sflag:s5] =	ssyncset.done $0x0  }
0x185: {  	[sflag:s5] =	ssyncadd.s32 $0xFFFFC000  }
0x186: {  	_ =	swait.ge [sflag:s5], $0x4000  }
0x187: {  	[sflag:s5] =	ssyncset.done $0x0  }
0x188: {  	[sflag:s5] =	ssyncadd.s32 $0xFFFFC000  }
0x189: {  	_ =	swait.ge [sflag:s5], $0x4000  }
0x18a: {  	[sflag:s5] =	ssyncset.done $0x0  }
0x18b: {  	[sflag:s5] =	ssyncadd.s32 $0xFFFFC000  }
0x18c: {  	_ =	swait.ge [sflag:s4], $0x4000  }
0x18d: {  	[sflag:s4] =	ssyncset.done $0x0  }
0x18e: {  	[sflag:s4] =	ssyncadd.s32 $0xFFFFC000  }
0x18f: {  	_ =	swait.ge [sflag:s4], $0x4000  }
0x190: {  	[sflag:s4] =	ssyncset.done $0x0  }
0x191: {  	[sflag:s4] =	ssyncadd.s32 $0xFFFFC000  }
0x192: {  	_ =	swait.ge [sflag:s4], $0x4000  }
0x193: {  	[sflag:s4] =	ssyncset.done $0x0  }
0x194: {  	[sflag:s4] =	ssyncadd.s32 $0xFFFFC000  }
0x195: {  	_ =	swait.ge [sflag:s4], $0x4000  }
0x196: {  	[sflag:s4] =	ssyncset.done $0x0  }
0x197: {  	[sflag:s4] =	ssyncadd.s32 $0xFFFFC000  }
0x198: {  	_ =	swait.ge [sflag:s3], $0x4000  }
0x199: {  	[sflag:s3] =	ssyncset.done $0x0  }
0x19a: {  	[sflag:s3] =	ssyncadd.s32 $0xFFFFC000  }
0x19b: {  	_ =	swait.ge [sflag:s3], $0x4000  }
0x19c: {  	[sflag:s3] =	ssyncset.done $0x0  }
0x19d: {  	p1 =	sne.s32 s0, $0x1;
	[sflag:s3] =	ssyncadd.s32 $0xFFFFC000  }
.Ltmp2:
0x19e: {  	_ =	swait.ge [sflag:s3], $0x4000;
	(pc) =	sbr.rel @p1 .LBB2_3-.Ltmp2, $4  }
0x19f: {  	[sflag:s3] =	ssyncset.done $0x0  }
0x1a0: {  	[sflag:s3] =	ssyncadd.s32 $0xFFFFC000  }
0x1a1: {  	s0 =	sadd.s32 $0xFFFFFFFF, s0;
	_ =	swait.ge [sflag:s3], $0x4000  }
0x1a2: {  	s26 =	smov.u32 s30;
	s1 =	rddreg [dreg:$0x3];
	[sflag:s3] =	ssyncset.done $0x0  }
0x1a3: {  	s30 =	rddreg [dreg:$0x1a]  }
.LBB2_5:
0x1a4: {  	[sflag:s3] =	ssyncadd.s32 @p0 $0xFFFFC000  }
0x1a5: {  	[tilespmem:s2], [sflag:$0x1] =	stream.linear.gather [hbm4b:s1+s2], $0x4000, $0x38;
	[tilespmem:$0x10000] =	vst v63  }
0x1a6: {  	s0 =	rddreg [dreg:$0x4]  }
0x1a7: {  	[tilespmem:s28], [sflag:$0x2] =	stream.linear.gather [hbm4b:s0+s2], $0x4000, $0x38;
	[tilespmem:$0x10000] =	vst v63  }
0x1a8: {  	s1 =	rddreg [dreg:$0x5]  }
0x1a9: {  	[tilespmem:s19], [sflag:$0x3] =	stream.linear.gather [hbm4b:s1+s2], $0x4000, $0x38;
	[tilespmem:$0x10000] =	vst v63  }
0x1aa: {  	s0 =	rddreg [dreg:$0x6]  }
0x1ab: {  	[tilespmem:s12], [sflag:$0x4] =	stream.linear.gather [hbm4b:s0+s2], $0x4000, $0x38;
	[tilespmem:$0x10000] =	vst v63  }
0x1ac: {  	_ =	swait.ge [sflag:s31], $0x4000  }
0x1ad: {  	[sflag:s31] =	ssyncset.done $0x0  }
0x1ae: {  	[sflag:s31] =	ssyncadd.s32 $0xFFFFC000  }
0x1af: {  	[hbm4b:s30+s2] =	stream.linear.scatter [tilespmem:s2], [sflag:$0x5], $0x4000, $0x38;
	[tilespmem:$0x10000] =	vst v63  }
0x1b0: {  	s0 =	rddreg [dreg:$0x7]  }
0x1b1: {  	[hbm4b:s0+s2] =	stream.linear.scatter [tilespmem:s2], [sflag:$0x5], $0x4000, $0x38;
	[tilespmem:$0x10000] =	vst v63  }
0x1b2: {  	s1 =	rddreg [dreg:$0x8]  }
0x1b3: {  	[hbm4b:s1+s2] =	stream.linear.scatter [tilespmem:s2], [sflag:$0x5], $0x4000, $0x38;
	[tilespmem:$0x10000] =	vst v63  }
0x1b4: {  	s30 =	rddreg [dreg:$0x9]  }
0x1b5: {  	[hbm4b:s30+s2] =	stream.linear.scatter [tilespmem:s2], [sflag:$0x5], $0x4000, $0x38;
	[tilespmem:$0x10000] =	vst v63  }
0x1b6: {  	_ =	swait.ge [sflag:s29], $0x4000  }
0x1b7: {  	[sflag:s29] =	ssyncset.done $0x0  }
0x1b8: {  	s1 =	rddreg [dreg:$0xa];
	[sflag:s29] =	ssyncadd.s32 $0xFFFFC000  }
0x1b9: {  	[hbm4b:s1+s2] =	stream.linear.scatter [tilespmem:s28], [sflag:$0x6], $0x4000, $0x38;
	[tilespmem:$0x10000] =	vst v63  }
0x1ba: {  	s30 =	rddreg [dreg:$0xb]  }
0x1bb: {  	[hbm4b:s30+s2] =	stream.linear.scatter [tilespmem:s28], [sflag:$0x6], $0x4000, $0x38;
	[tilespmem:$0x10000] =	vst v63  }
0x1bc: {  	s0 =	rddreg [dreg:$0xc]  }
0x1bd: {  	[hbm4b:s0+s2] =	stream.linear.scatter [tilespmem:s28], [sflag:$0x6], $0x4000, $0x38;
	[tilespmem:$0x10000] =	vst v63  }
0x1be: {  	s30 =	rddreg [dreg:$0xd]  }
0x1bf: {  	[hbm4b:s30+s2] =	stream.linear.scatter [tilespmem:s28], [sflag:$0x6], $0x4000, $0x38;
	[tilespmem:$0x10000] =	vst v63  }
0x1c0: {  	_ =	swait.ge [sflag:s25], $0x4000  }
0x1c1: {  	[sflag:s25] =	ssyncset.done $0x0  }
0x1c2: {  	s1 =	rddreg [dreg:$0xe];
	[sflag:s25] =	ssyncadd.s32 $0xFFFFC000  }
0x1c3: {  	[hbm4b:s1+s2] =	stream.linear.scatter [tilespmem:s19], [sflag:$0x7], $0x4000, $0x38;
	[tilespmem:$0x10000] =	vst v63  }
0x1c4: {  	s30 =	rddreg [dreg:$0xf]  }
0x1c5: {  	[hbm4b:s30+s2] =	stream.linear.scatter [tilespmem:s19], [sflag:$0x7], $0x4000, $0x38;
	[tilespmem:$0x10000] =	vst v63  }
0x1c6: {  	s0 =	rddreg [dreg:$0x10]  }
0x1c7: {  	[hbm4b:s0+s2] =	stream.linear.scatter [tilespmem:s19], [sflag:$0x7], $0x4000, $0x38;
	[tilespmem:$0x10000] =	vst v63  }
0x1c8: {  	s30 =	rddreg [dreg:$0x11]  }
0x1c9: {  	[hbm4b:s30+s2] =	stream.linear.scatter [tilespmem:s19], [sflag:$0x7], $0x4000, $0x38;
	[tilespmem:$0x10000] =	vst v63  }
0x1ca: {  	_ =	swait.ge [sflag:s17], $0x4000  }
0x1cb: {  	[sflag:s17] =	ssyncset.done $0x0  }
0x1cc: {  	s1 =	rddreg [dreg:$0x12];
	[sflag:s17] =	ssyncadd.s32 $0xFFFFC000  }
0x1cd: {  	[hbm4b:s1+s2] =	stream.linear.scatter [tilespmem:s12], [sflag:$0x8], $0x4000, $0x38;
	[tilespmem:$0x10000] =	vst v63  }
0x1ce: {  	s30 =	rddreg [dreg:$0x13]  }
0x1cf: {  	[hbm4b:s30+s2] =	stream.linear.scatter [tilespmem:s12], [sflag:$0x8], $0x4000, $0x38;
	[tilespmem:$0x10000] =	vst v63  }
0x1d0: {  	s0 =	rddreg [dreg:$0x14]  }
0x1d1: {  	[hbm4b:s0+s2] =	stream.linear.scatter [tilespmem:s12], [sflag:$0x8], $0x4000, $0x38;
	[tilespmem:$0x10000] =	vst v63  }
0x1d2: {  	s30 =	rddreg [dreg:$0x15]  }
0x1d3: {  	[hbm4b:s30+s2] =	stream.linear.scatter [tilespmem:s12], [sflag:$0x8], $0x4000, $0x38;
	[tilespmem:$0x10000] =	vst v63  }
0x1d4: {  	_ =	swait.ge [sflag:s10], $0x4000  }
0x1d5: {  	[sflag:s10] =	ssyncset.done $0x0  }
0x1d6: {  	[sflag:s10] =	ssyncadd.s32 $0xFFFFC000  }
0x1d7: {  	_ =	swait.ge [sflag:s10], $0x4000  }
0x1d8: {  	[sflag:s10] =	ssyncset.done $0x0  }
0x1d9: {  	[sflag:s10] =	ssyncadd.s32 $0xFFFFC000  }
0x1da: {  	_ =	swait.ge [sflag:s10], $0x4000  }
0x1db: {  	[sflag:s10] =	ssyncset.done $0x0  }
0x1dc: {  	[sflag:s10] =	ssyncadd.s32 $0xFFFFC000  }
0x1dd: {  	_ =	swait.ge [sflag:s10], $0x4000  }
0x1de: {  	[sflag:s10] =	ssyncset.done $0x0  }
0x1df: {  	s1 =	rddreg [dreg:$0x16];
	[sflag:s10] =	ssyncadd.s32 $0xFFFFC000  }
0x1e0: {  	[tilespmem:s2], [sflag:$0x1] =	stream.linear.gather [hbm4b:s1+s2], $0x4000, $0x38;
	[tilespmem:$0x10000] =	vst v63  }
0x1e1: {  	_ =	swait.ge [sflag:s31], $0x4000  }
0x1e2: {  	[sflag:s31] =	ssyncset.done $0x0  }
0x1e3: {  	s30 =	rddreg [dreg:$0x17];
	[sflag:s31] =	ssyncadd.s32 $0xFFFFC000  }
0x1e4: {  	[hbm4b:s30+s2] =	stream.linear.scatter [tilespmem:s2], [sflag:$0x5], $0x4000, $0x38;
	[tilespmem:$0x10000] =	vst v63  }
0x1e5: {  	s31 =	rddreg [dreg:$0x18]  }
0x1e6: {  	[hbm4b:s31+s2] =	stream.linear.scatter [tilespmem:s2], [sflag:$0x5], $0x4000, $0x38;
	[tilespmem:$0x10000] =	vst v63  }
0x1e7: {  	s30 =	rddreg [dreg:$0x19]  }
0x1e8: {  	[hbm4b:s30+s2] =	stream.linear.scatter [tilespmem:s2], [sflag:$0x5], $0x4000, $0x38;
	[tilespmem:$0x10000] =	vst v63  }
0x1e9: {  	_ = 	snop  }
0x1ea: {  	[hbm4b:s26+s2] =	stream.linear.scatter [tilespmem:s2], [sflag:$0x5], $0x4000, $0x38;
	[tilespmem:$0x10000] =	vst v63  }
0x1eb: {  	_ =	swait.ge [sflag:s5], $0x4000  }
0x1ec: {  	[sflag:s5] =	ssyncset.done $0x0  }
0x1ed: {  	[sflag:s5] =	ssyncadd.s32 $0xFFFFC000  }
0x1ee: {  	_ =	swait.ge [sflag:s5], $0x4000  }
0x1ef: {  	[sflag:s5] =	ssyncset.done $0x0  }
0x1f0: {  	[sflag:s5] =	ssyncadd.s32 $0xFFFFC000  }
0x1f1: {  	_ =	swait.ge [sflag:s5], $0x4000  }
0x1f2: {  	[sflag:s5] =	ssyncset.done $0x0  }
0x1f3: {  	[sflag:s5] =	ssyncadd.s32 $0xFFFFC000  }
0x1f4: {  	_ =	swait.ge [sflag:s5], $0x4000  }
0x1f5: {  	[sflag:s5] =	ssyncset.done $0x0  }
0x1f6: {  	[sflag:s5] =	ssyncadd.s32 $0xFFFFC000  }
0x1f7: {  	[tilespmem:s28], [sflag:$0x2] =	stream.linear.gather [hbm4b:s24+s2], $0x4000, $0x38;
	[tilespmem:$0x10000] =	vst v63  }
0x1f8: {  	_ =	swait.ge [sflag:s29], $0x4000  }
0x1f9: {  	[sflag:s29] =	ssyncset.done $0x0  }
0x1fa: {  	[sflag:s29] =	ssyncadd.s32 $0xFFFFC000  }
0x1fb: {  	[hbm4b:s21+s2] =	stream.linear.scatter [tilespmem:s28], [sflag:$0x6], $0x4000, $0x38;
	[tilespmem:$0x10000] =	vst v63  }
0x1fc: {  	_ = 	snop  }
0x1fd: {  	[hbm4b:s23+s2] =	stream.linear.scatter [tilespmem:s28], [sflag:$0x6], $0x4000, $0x38;
	[tilespmem:$0x10000] =	vst v63  }
0x1fe: {  	_ = 	snop  }
0x1ff: {  	[hbm4b:s20+s2] =	stream.linear.scatter [tilespmem:s28], [sflag:$0x6], $0x4000, $0x38;
	[tilespmem:$0x10000] =	vst v63  }
0x200: {  	_ = 	snop  }
0x201: {  	[hbm4b:s22+s2] =	stream.linear.scatter [tilespmem:s28], [sflag:$0x6], $0x4000, $0x38;
	[tilespmem:$0x10000] =	vst v63  }
0x202: {  	_ =	swait.ge [sflag:s4], $0x4000  }
0x203: {  	[sflag:s4] =	ssyncset.done $0x0  }
0x204: {  	[sflag:s4] =	ssyncadd.s32 $0xFFFFC000  }
0x205: {  	_ =	swait.ge [sflag:s4], $0x4000  }
0x206: {  	[sflag:s4] =	ssyncset.done $0x0  }
0x207: {  	[sflag:s4] =	ssyncadd.s32 $0xFFFFC000  }
0x208: {  	_ =	swait.ge [sflag:s4], $0x4000  }
0x209: {  	[sflag:s4] =	ssyncset.done $0x0  }
0x20a: {  	[sflag:s4] =	ssyncadd.s32 $0xFFFFC000  }
0x20b: {  	_ =	swait.ge [sflag:s4], $0x4000  }
0x20c: {  	[sflag:s4] =	ssyncset.done $0x0  }
0x20d: {  	[sflag:s4] =	ssyncadd.s32 $0xFFFFC000  }
0x20e: {  	[tilespmem:s19], [sflag:$0x3] =	stream.linear.gather [hbm4b:s18+s2], $0x4000, $0x38;
	[tilespmem:$0x10000] =	vst v63  }
0x20f: {  	_ =	swait.ge [sflag:s25], $0x4000  }
0x210: {  	[sflag:s25] =	ssyncset.done $0x0  }
0x211: {  	[sflag:s25] =	ssyncadd.s32 $0xFFFFC000  }
0x212: {  	[hbm4b:s13+s2] =	stream.linear.scatter [tilespmem:s19], [sflag:$0x7], $0x4000, $0x38;
	[tilespmem:$0x10000] =	vst v63  }
0x213: {  	_ = 	snop  }
0x214: {  	[hbm4b:s14+s2] =	stream.linear.scatter [tilespmem:s19], [sflag:$0x7], $0x4000, $0x38;
	[tilespmem:$0x10000] =	vst v63  }
0x215: {  	_ = 	snop  }
0x216: {  	[hbm4b:s15+s2] =	stream.linear.scatter [tilespmem:s19], [sflag:$0x7], $0x4000, $0x38;
	[tilespmem:$0x10000] =	vst v63  }
0x217: {  	_ = 	snop  }
0x218: {  	[hbm4b:s16+s2] =	stream.linear.scatter [tilespmem:s19], [sflag:$0x7], $0x4000, $0x38;
	[tilespmem:$0x10000] =	vst v63  }
0x219: {  	_ =	swait.ge [sflag:s3], $0x4000  }
0x21a: {  	[sflag:s3] =	ssyncset.done $0x0  }
0x21b: {  	[sflag:s3] =	ssyncadd.s32 $0xFFFFC000  }
0x21c: {  	_ =	swait.ge [sflag:s3], $0x4000  }
0x21d: {  	[sflag:s3] =	ssyncset.done $0x0  }
0x21e: {  	[sflag:s3] =	ssyncadd.s32 $0xFFFFC000  }
0x21f: {  	_ =	swait.ge [sflag:s3], $0x4000  }
0x220: {  	[sflag:s3] =	ssyncset.done $0x0  }
0x221: {  	[sflag:s3] =	ssyncadd.s32 $0xFFFFC000  }
0x222: {  	_ =	swait.ge [sflag:s3], $0x4000  }
0x223: {  	[sflag:s3] =	ssyncset.done $0x0  }
0x224: {  	[sflag:s3] =	ssyncadd.s32 $0xFFFFC000  }
0x225: {  	[tilespmem:s12], [sflag:$0x4] =	stream.linear.gather [hbm4b:s11+s2], $0x4000, $0x38;
	[tilespmem:$0x10000] =	vst v63  }
0x226: {  	_ =	swait.ge [sflag:s17], $0x4000  }
0x227: {  	[sflag:s17] =	ssyncset.done $0x0  }
0x228: {  	[sflag:s17] =	ssyncadd.s32 $0xFFFFC000  }
0x229: {  	[hbm4b:s6+s2] =	stream.linear.scatter [tilespmem:s12], [sflag:$0x8], $0x4000, $0x38;
	[tilespmem:$0x10000] =	vst v63  }
0x22a: {  	_ = 	snop  }
0x22b: {  	[hbm4b:s7+s2] =	stream.linear.scatter [tilespmem:s12], [sflag:$0x8], $0x4000, $0x38;
	[tilespmem:$0x10000] =	vst v63  }
0x22c: {  	_ = 	snop  }
0x22d: {  	[hbm4b:s8+s2] =	stream.linear.scatter [tilespmem:s12], [sflag:$0x8], $0x4000, $0x38;
	[tilespmem:$0x10000] =	vst v63  }
0x22e: {  	_ = 	snop  }
0x22f: {  	[hbm4b:s9+s2] =	stream.linear.scatter [tilespmem:s12], [sflag:$0x8], $0x4000, $0x38;
	[tilespmem:$0x10000] =	vst v63  }
0x230: {  	_ =	swait.ge [sflag:s10], $0x4000  }
0x231: {  	[sflag:s10] =	ssyncset.done $0x0  }
0x232: {  	[sflag:s10] =	ssyncadd.s32 $0xFFFFC000  }
0x233: {  	_ =	swait.ge [sflag:s10], $0x4000  }
0x234: {  	[sflag:s10] =	ssyncset.done $0x0  }
0x235: {  	[sflag:s10] =	ssyncadd.s32 $0xFFFFC000  }
0x236: {  	_ =	swait.ge [sflag:s10], $0x4000  }
0x237: {  	[sflag:s10] =	ssyncset.done $0x0  }
0x238: {  	[sflag:s10] =	ssyncadd.s32 $0xFFFFC000  }
0x239: {  	_ =	swait.ge [sflag:s10], $0x4000  }
0x23a: {  	[sflag:s10] =	ssyncset.done $0x0  }
0x23b: {  	[sflag:s10] =	ssyncadd.s32 $0xFFFFC000  }
0x23c: {  	_ =	swait.ge [sflag:s5], $0x4000  }
0x23d: {  	[sflag:s5] =	ssyncset.done $0x0  }
0x23e: {  	[sflag:s5] =	ssyncadd.s32 $0xFFFFC000  }
0x23f: {  	_ =	swait.ge [sflag:s5], $0x4000  }
0x240: {  	[sflag:s5] =	ssyncset.done $0x0  }
0x241: {  	[sflag:s5] =	ssyncadd.s32 $0xFFFFC000  }
0x242: {  	_ =	swait.ge [sflag:s5], $0x4000  }
0x243: {  	[sflag:s5] =	ssyncset.done $0x0  }
0x244: {  	[sflag:s5] =	ssyncadd.s32 $0xFFFFC000  }
0x245: {  	_ =	swait.ge [sflag:s5], $0x4000  }
0x246: {  	[sflag:s5] =	ssyncset.done $0x0  }
0x247: {  	[sflag:s5] =	ssyncadd.s32 $0xFFFFC000  }
0x248: {  	_ =	swait.ge [sflag:s4], $0x4000  }
0x249: {  	[sflag:s4] =	ssyncset.done $0x0  }
0x24a: {  	[sflag:s4] =	ssyncadd.s32 $0xFFFFC000  }
0x24b: {  	_ =	swait.ge [sflag:s4], $0x4000  }
0x24c: {  	[sflag:s4] =	ssyncset.done $0x0  }
0x24d: {  	[sflag:s4] =	ssyncadd.s32 $0xFFFFC000  }
0x24e: {  	_ =	swait.ge [sflag:s4], $0x4000  }
0x24f: {  	[sflag:s4] =	ssyncset.done $0x0  }
0x250: {  	[sflag:s4] =	ssyncadd.s32 $0xFFFFC000  }
0x251: {  	_ =	swait.ge [sflag:s4], $0x4000  }
0x252: {  	[sflag:s4] =	ssyncset.done $0x0  }
0x253: {  	[sflag:s4] =	ssyncadd.s32 $0xFFFFC000  }
0x254: {  	_ =	swait.ge [sflag:s3], $0x4000  }
0x255: {  	[sflag:s3] =	ssyncset.done $0x0  }
0x256: {  	[sflag:s3] =	ssyncadd.s32 $0xFFFFC000  }
0x257: {  	_ =	swait.ge [sflag:s3], $0x4000  }
0x258: {  	[sflag:s3] =	ssyncset.done $0x0  }
0x259: {  	[sflag:s3] =	ssyncadd.s32 $0xFFFFC000  }
0x25a: {  	_ =	swait.ge [sflag:s3], $0x4000  }
0x25b: {  	[sflag:s3] =	ssyncset.done $0x0  }
0x25c: {  	[sflag:s3] =	ssyncadd.s32 $0xFFFFC000  }
0x25d: {  	_ =	swait.ge [sflag:s3], $0x4000  }
0x25e: {  	[sflag:s3] =	ssyncset.done $0x0  }
0x25f: {  	[sflag:s3] =	ssyncadd.s32 $0xFFFFC000  }
0x260: {  	_ =	sfence.sel $0x180000  }
0x261: {  	[bflag:$0x0] =	sbarrier.arrive $0xFFFF  }
0x262: {  	_ =	strace $0x90000047  }
0x263: {  	s31 =	stileid.u32;
	[bflag:$0x2] =	sbarrier.arrive $0xFFFF  }
0x264: {  	p0 =	sne.s32 s31, $0x0;
	s0 =	rddreg [dreg:$0x2]  }
0x265: {  	s0 =	sadd.s32 @!p0 $0x100000, s0  }
0x266: {  	[sflag:s0] =	ssyncadd.tile.s32 @!p0 $0x1;
	_ =	shalt  }
.LBB2_2:
.Ltmp3:
0x267: {  	(pc) =	sbr.rel .LBB2_5-.Ltmp3, $2  }
0x268: {  	_ =	sdelay $0x2  }
0x269: {  	s30 =	rddreg [dreg:$0x1a]  }
.Lfunc_end2:
_tile_overlayer_lowered:
.L_overlay_start_2:
0x26a: {  	(tag) =	ssettag $0x2  }
0x26b: {  	s0 =	rddreg [dreg:$0x0];
	s2 =	stileid.u32  }
0x26c: {  	s1 =	rddreg [dreg:$0x1];
	p0 =	sne.s32 s2, $0x0  }
0x26d: {  	s3 =	rddreg [dreg:$0x2];
	[bflag:$0x3] =	sbarrier.arrive $0xFFFF;
	s2 =	simm.s32 @!p0 $0x1C09  }
0x26e: {  	[timem:s3], [sflag:s2] =	dma.local @!p0 [hbm:s0], s1  }
0x26f: {  	s0 =	simm.s32 @!p0 $0x9  }
0x270: {  	_ =	swait.ge @!p0 [sflag:s0], s1  }
0x271: {  	s1 =	ssub.s32 @!p0 $0x0, s1;
	[sflag:s0] =	ssyncset.done @!p0 $0x0  }
0x272: {  	[sflag:s0] =	ssyncadd.s32 @!p0 s1  }
0x273: {  	[bflag:$0x3] =	sbarrier.arrive $0xFFFF  }
0x274: {  	_ =	shalt  }

</sc_bundles>
